<compile_context>
chip_gen: v7x
topology: tpu7x:2x2x1
jax: 0.10.2.dev20260603
libtpu: 0.0.44.dev20260713+nightly
codegen_flags: <defaults>
</compile_context>

<pallas_src>
import functools

import jax
import jax.numpy as jnp
from jax import lax
from jax.experimental import pallas as pl
from jax.experimental.pallas import tpu as pltpu
from jax.experimental.pallas import tpu_sc as plsc

N = 10000
E = 320000
D = 128
HD = D // 2
NC = 2
NS = 16
NW = NC * NS
CH = 80
NCH = 125
EPW = NCH * CH
RPS = 624
TAIL = N - RPS * NS
K = 5

_MESH = plsc.VectorSubcoreMesh(
    core_axis_name="c", subcore_axis_name="s", num_cores=NC, num_subcores=NS
)


def _sc_body(with_deg, *refs):
    if with_deg:
        (table, src3, dst3, out0, out1, dego0, dego1,
         src_v, dst_v, rows_v, ones_v, zrow_v, zdeg_v,
         acc_sh, deg_sh, *sems) = refs
    else:
        (table, src3, dst3, out0, out1,
         src_v, dst_v, rows_v, zrow_v,
         acc_sh, *sems) = refs
    gsems = sems[:K]
    ssems = sems[K:2 * K]
    dsems = sems[2 * K:]

    c = lax.axis_index("c")
    s = lax.axis_index("s")
    wid = c * NS + s

    zeros16 = jnp.zeros((16,), jnp.float32)
    zeros32 = jnp.zeros((32,), jnp.bfloat16)
    start = pl.multiple_of(s * RPS, 16)

    def _zrow(i, _):
        for k in range(D // 32):
            zrow_v[i, pl.ds(k * 32, 32)] = zeros32
        return 0

    lax.fori_loop(0, 104, _zrow, 0)

    def _zacc(i, _):
        pltpu.sync_copy(zrow_v, acc_sh.at[pl.ds(pl.multiple_of(start + i * 104, 8), 104)])
        return 0

    lax.fori_loop(0, RPS // 104, _zacc, 0)

    @pl.when(s == NS - 1)
    def _():
        pltpu.sync_copy(zrow_v.at[pl.ds(0, TAIL)], acc_sh.at[pl.ds(RPS * NS, TAIL)])

    if with_deg:
        def _zdeg(i, _):
            zdeg_v[i] = zeros16
            return 0

        lax.fori_loop(0, 104, _zdeg, 0)

        ones16 = jnp.ones((16,), jnp.float32)

        def _ones(i, _):
            ones_v[i] = ones16
            return 0

        lax.fori_loop(0, CH, _ones, 0)

        def _zdacc(i, _):
            pltpu.sync_copy(
                zdeg_v, deg_sh.at[pl.ds(pl.multiple_of(start + i * 104, 8), 104)])
            return 0

        lax.fori_loop(0, RPS // 104, _zdacc, 0)

        @pl.when(s == NS - 1)
        def _():
            pltpu.sync_copy(zdeg_v.at[pl.ds(0, TAIL)],
                            deg_sh.at[pl.ds(RPS * NS, TAIL)])

    pltpu.sync_copy(src3.at[wid], src_v)
    pltpu.sync_copy(dst3.at[wid], dst_v)

    plsc.subcore_barrier()

    def _iter(it, _):
        base = it * K

        @pl.when(it > 0)
        def _():
            for k in range(K):
                pltpu.make_async_copy(
                    rows_v.at[k], acc_sh.at[dst_v.at[0]], ssems[k]).wait()
                if with_deg:
                    pltpu.make_async_copy(
                        ones_v, deg_sh.at[dst_v.at[0]], dsems[k]).wait()

        gd = [
            pltpu.async_copy(table.at[src_v.at[base + k]],
                             rows_v.at[k], gsems[k])
            for k in range(K)
        ]
        for k in range(K):
            gd[k].wait()
            pltpu.async_copy(
                rows_v.at[k], acc_sh.at[dst_v.at[base + k]], ssems[k],
                add=True)
            if with_deg:
                pltpu.async_copy(
                    ones_v, deg_sh.at[dst_v.at[base + k]], dsems[k],
                    add=True)
        return 0

    lax.fori_loop(0, NCH // K, _iter, 0)
    for k in range(K):
        pltpu.make_async_copy(
            rows_v.at[k], acc_sh.at[dst_v.at[0]], ssems[k]).wait()
        if with_deg:
            pltpu.make_async_copy(
                ones_v, deg_sh.at[dst_v.at[0]], dsems[k]).wait()

    plsc.subcore_barrier()

    def _share_copy(src_sh, dst_hbm):
        pltpu.sync_copy(src_sh.at[pl.ds(start, RPS)], dst_hbm.at[pl.ds(start, RPS)])

        @pl.when(s == NS - 1)
        def _():
            pltpu.sync_copy(src_sh.at[pl.ds(RPS * NS, TAIL)],
                            dst_hbm.at[pl.ds(RPS * NS, TAIL)])

    @pl.when(c == 0)
    def _():
        _share_copy(acc_sh, out0)
        if with_deg:
            _share_copy(deg_sh, dego0)

    @pl.when(c == 1)
    def _():
        _share_copy(acc_sh, out1)
        if with_deg:
            _share_copy(deg_sh, dego1)


def _make_sc(with_deg):
    f32 = jnp.float32
    bf16 = jnp.bfloat16
    outs = [jax.ShapeDtypeStruct((N, D), bf16), jax.ShapeDtypeStruct((N, D), bf16)]
    scratch = [
        pltpu.VMEM((NCH, CH), jnp.int32),
        pltpu.VMEM((NCH, CH), jnp.int32),
        pltpu.VMEM((K, CH, D), bf16),
    ]
    if with_deg:
        outs += [jax.ShapeDtypeStruct((N, 16), f32), jax.ShapeDtypeStruct((N, 16), f32)]
        scratch += [pltpu.VMEM((CH, 16), f32)]
    scratch += [pltpu.VMEM((104, D), bf16)]
    if with_deg:
        scratch += [pltpu.VMEM((104, 16), f32)]
    scratch += [pltpu.VMEM_SHARED((N, D), bf16)]
    if with_deg:
        scratch += [pltpu.VMEM_SHARED((N, 16), f32)]
    nsem = 3 * K if with_deg else 2 * K
    scratch += [pltpu.SemaphoreType.DMA] * nsem

    return pl.kernel(
        functools.partial(_sc_body, with_deg),
        out_type=tuple(outs),
        mesh=_MESH,
        scratch_types=scratch,
        compiler_params=pltpu.CompilerParams(use_tc_tiling_on_sc=False),
    )


_SC_L1 = _make_sc(True)
_SC_L2 = _make_sc(False)

_BLK = 1000


def _deg(dg0_ref, dg1_ref):
    dg = dg0_ref[:, 0:1] + dg1_ref[:, 0:1]
    return jnp.maximum(dg, 1.0)


def _tc_body1(x_ref, p0_ref, p1_ref, dg0_ref, dg1_ref, wl_ref, b_ref, wr_ref,
              ob_ref):
    agg = p0_ref[...].astype(jnp.float32) + p1_ref[...].astype(jnp.float32)
    mean = agg / _deg(dg0_ref, dg1_ref)
    dn = (((1,), (1,)), ((), ()))
    h = lax.dot_general(mean, wl_ref[...], dn, preferred_element_type=jnp.float32)
    h = h + b_ref[...] + lax.dot_general(
        x_ref[...].astype(jnp.float32), wr_ref[...], dn,
        preferred_element_type=jnp.float32)
    ob_ref[...] = jax.nn.relu(h).astype(jnp.bfloat16)


def _tc_body2(h_ref, q0_ref, q1_ref, dg0_ref, dg1_ref, wl_ref,
              b_ref, wr_ref, o_ref):
    agg = q0_ref[...].astype(jnp.float32) + q1_ref[...].astype(jnp.float32)
    mean = agg / _deg(dg0_ref, dg1_ref)
    dn = (((1,), (1,)), ((), ()))
    h = lax.dot_general(mean, wl_ref[...], dn, preferred_element_type=jnp.float32)
    h = h + b_ref[...] + lax.dot_general(
        h_ref[...].astype(jnp.float32), wr_ref[...], dn,
        preferred_element_type=jnp.float32)
    o_ref[...] = jax.nn.sigmoid(h)


_row = pl.BlockSpec((_BLK, D), lambda i: (i, 0))
_half = pl.BlockSpec((_BLK, HD), lambda i: (i, 0))
_dgs = pl.BlockSpec((_BLK, 16), lambda i: (i, 0))
_full = pl.BlockSpec((D, D), lambda i: (0, 0))
_bias = pl.BlockSpec((1, D), lambda i: (0, 0))

_rowb = pl.BlockSpec((_BLK, D), lambda i: (i, 0))

_TC_L1 = pl.pallas_call(
    _tc_body1,
    grid=(N // _BLK,),
    in_specs=[_rowb, _rowb, _rowb, _dgs, _dgs, _full, _bias, _full],
    out_specs=_rowb,
    out_shape=jax.ShapeDtypeStruct((N, D), jnp.bfloat16),
)

_TC_L2 = pl.pallas_call(
    _tc_body2,
    grid=(N // _BLK,),
    in_specs=[_rowb, _rowb, _rowb, _dgs, _dgs, _full, _bias, _full],
    out_specs=_row,
    out_shape=jax.ShapeDtypeStruct((N, D), jnp.float32),
)


def kernel(x, edge_index, W1_l, b1_l, W1_r, W2_l, b2_l, W2_r):
    src3 = edge_index[0].astype(jnp.int32).reshape(NW, NCH, CH)
    dst3 = edge_index[1].astype(jnp.int32).reshape(NW, NCH, CH)
    xb = x.astype(jnp.bfloat16)

    p0, p1, dg0, dg1 = _SC_L1(xb, src3, dst3)
    hb = _TC_L1(xb, p0, p1, dg0, dg1, W1_l, b1_l.reshape(1, D), W1_r)
    q0, q1 = _SC_L2(hb, src3, dst3)
    return _TC_L2(hb, q0, q1, dg0, dg1, W2_l, b2_l.reshape(1, D), W2_r)

# --- scband reference (transcript-rebuilt; emitter-appended) ---
"""Pipeline reference for scband-edge-sage-566935683375 (READ-ONLY COPY).

The authoritative reference and input builder live on the scoring server;
editing this copy changes nothing except your own understanding.
"""

import jax, jax.numpy as jnp
import numpy as np

N = 10000
E = 320000
D = 128
H = 128


def sage_conv(x, edge_index, W_l, b_l, W_r):
    # PyG SAGEConv (mean aggr): out = lin_l(mean_{j->i} x_j) + lin_r(x_i)
    src = edge_index[0]
    dst = edge_index[1]
    msgs = jnp.take(x, src, axis=0)
    agg = jax.ops.segment_sum(msgs, dst, num_segments=N)
    deg = jax.ops.segment_sum(jnp.ones((E,), dtype=x.dtype), dst, num_segments=N)
    agg = agg / jnp.clip(deg, 1.0, None)[:, None]
    return agg @ W_l.T + b_l + x @ W_r.T


def setup_inputs(seed: int = 0):
    key = jax.random.key(seed)
    ks = jax.random.split(key, 8)
    x = jax.random.normal(ks[0], (N, D), dtype=jnp.float32)
    edge_index = jax.random.randint(ks[1], (2, E), 0, N)
    s1 = 1.0 / np.sqrt(D)
    s2 = 1.0 / np.sqrt(H)
    W1_l = jax.random.normal(ks[2], (H, D), dtype=jnp.float32) * s1
    b1_l = jnp.zeros((H,), dtype=jnp.float32)
    W1_r = jax.random.normal(ks[3], (H, D), dtype=jnp.float32) * s1
    W2_l = jax.random.normal(ks[4], (H, H), dtype=jnp.float32) * s2
    b2_l = jnp.zeros((H,), dtype=jnp.float32)
    W2_r = jax.random.normal(ks[5], (H, H), dtype=jnp.float32) * s2
    return {"x": x, "edge_index": edge_index, "W1_l": W1_l, "b1_l": b1_l,
            "W1_r": W1_r, "W2_l": W2_l, "b2_l": b2_l, "W2_r": W2_r}


def reference(x, edge_index, W1_l, b1_l, W1_r, W2_l, b2_l, W2_r):
    # EdgeSAGE.forward with decode_index=None (eval mode: dropout is identity)
    h = sage_conv(x, edge_index, W1_l, b1_l, W1_r)
    h = jax.nn.relu(h)
    h = sage_conv(h, edge_index, W2_l, b2_l, W2_r)
    return jax.nn.sigmoid(h)

if __name__ == "__main__":
    import jax
    _d = setup_inputs()
    print(jax.jit(kernel)(*tuple(_d.values())))

</pallas_src>

<mosaic_0001>
#map = affine_map<(d0, d1) -> (0, 0)>
#map1 = affine_map<(d0, d1) -> (0, 0, 0)>
module attributes {stable_mosaic.version = 14 : i64} {
  func.func @_sc_body(%arg0: i32, %arg1: i32, %arg2: memref<10000x128xbf16, #tpu.memory_space<hbm>>, %arg3: memref<32x125x80xi32, #tpu.memory_space<hbm>>, %arg4: memref<32x125x80xi32, #tpu.memory_space<hbm>>, %arg5: memref<10000x128xbf16, #tpu.memory_space<hbm>>, %arg6: memref<10000x128xbf16, #tpu.memory_space<hbm>>, %arg7: memref<125x80xi32, #tpu.memory_space<vmem>>, %arg8: memref<125x80xi32, #tpu.memory_space<vmem>>, %arg9: memref<5x80x128xbf16, #tpu.memory_space<vmem>>, %arg10: memref<104x128xbf16, #tpu.memory_space<vmem>>, %arg11: memref<10000x128xbf16, #tpu.memory_space<vmem_shared>>, %arg12: memref<!tpu.dma_semaphore, #tpu.memory_space<semaphore_mem>>, %arg13: memref<!tpu.dma_semaphore, #tpu.memory_space<semaphore_mem>>, %arg14: memref<!tpu.dma_semaphore, #tpu.memory_space<semaphore_mem>>, %arg15: memref<!tpu.dma_semaphore, #tpu.memory_space<semaphore_mem>>, %arg16: memref<!tpu.dma_semaphore, #tpu.memory_space<semaphore_mem>>, %arg17: memref<!tpu.dma_semaphore, #tpu.memory_space<semaphore_mem>>, %arg18: memref<!tpu.dma_semaphore, #tpu.memory_space<semaphore_mem>>, %arg19: memref<!tpu.dma_semaphore, #tpu.memory_space<semaphore_mem>>, %arg20: memref<!tpu.dma_semaphore, #tpu.memory_space<semaphore_mem>>, %arg21: memref<!tpu.dma_semaphore, #tpu.memory_space<semaphore_mem>>) attributes {dimension_semantics = [#tpu.dimension_semantics<core_parallel>, #tpu.dimension_semantics<subcore_parallel>], iteration_bounds = array<i64: 2, 16>, scalar_prefetch = 0 : i64, scratch_operands = 15 : i64, tpu.core_type = #tpu.core_type<sc_vector_subcore>, window_params = [{transform_indices = #map}, {transform_indices = #map1}, {transform_indices = #map1}, {transform_indices = #map}, {transform_indices = #map}]} {
    %mul3A = arith.constant 16 : i32
    %mul3A_0 = arith.muli %arg0, %mul3A : i32
    %add3A = arith.addi %mul3A_0, %arg1 : i32
    %broadcast_in_dim3A = arith.constant 0.000000e+00 : f32
    %broadcast_in_dim3A_1 = vector.broadcast %broadcast_in_dim3A : f32 to vector<16xf32>
    %broadcast_in_dim3A_2 = arith.constant 0.000000e+00 : bf16
    %broadcast_in_dim3A_3 = vector.broadcast %broadcast_in_dim3A_2 : bf16 to vector<32xbf16>
    %mul3A_4 = arith.constant 624 : i32
    %mul3A_5 = arith.muli %arg1, %mul3A_4 : i32
    %multiple_of3A = tpu.assume_multiple %mul3A_5, 16 : i32
    %scan3A = arith.constant 0 : i32
    %scan3A_6 = arith.constant 0 : i32
    %scan3A_7 = arith.constant 104 : i32
    %scan3A_8 = arith.addi %scan3A_6, %scan3A_7 : i32
    %scan3A_9 = arith.constant 1 : i32
    %scan3A_10 = scf.for %scan3A_98 = %scan3A_6 to %scan3A_8 step %scan3A_9 iter_args(%scan3A_99 = %scan3A) -> (i32)  : i32 {
      %swap3A = arith.index_cast %scan3A_98 : i32 to index
      %swap3A_100 = arith.constant 0 : index
      %swap3A_101 = tpu.vector_load %arg10[%swap3A, %swap3A_100] {strides = array<i32>} : memref<104x128xbf16, #tpu.memory_space<vmem>>, vector<1x32xbf16>,
      %swap3A_102 = vector.shape_cast %swap3A_101 : vector<1x32xbf16> to vector<32xbf16>
      %swap3A_103 = vector.shape_cast %broadcast_in_dim3A_3 : vector<32xbf16> to vector<1x32xbf16>
      tpu.vector_store %arg10[%swap3A, %swap3A_100], %swap3A_103 {strides = array<i32>} : memref<104x128xbf16, #tpu.memory_space<vmem>>, vector<1x32xbf16>,
      %swap3A_104 = arith.index_cast %scan3A_98 : i32 to index
      %swap3A_105 = arith.constant 32 : index
      %swap3A_106 = tpu.vector_load %arg10[%swap3A_104, %swap3A_105] {strides = array<i32>} : memref<104x128xbf16, #tpu.memory_space<vmem>>, vector<1x32xbf16>,
      %swap3A_107 = vector.shape_cast %swap3A_106 : vector<1x32xbf16> to vector<32xbf16>
      %swap3A_108 = vector.shape_cast %broadcast_in_dim3A_3 : vector<32xbf16> to vector<1x32xbf16>
      tpu.vector_store %arg10[%swap3A_104, %swap3A_105], %swap3A_108 {strides = array<i32>} : memref<104x128xbf16, #tpu.memory_space<vmem>>, vector<1x32xbf16>,
      %swap3A_109 = arith.index_cast %scan3A_98 : i32 to index
      %swap3A_110 = arith.constant 64 : index
      %swap3A_111 = tpu.vector_load %arg10[%swap3A_109, %swap3A_110] {strides = array<i32>} : memref<104x128xbf16, #tpu.memory_space<vmem>>, vector<1x32xbf16>,
      %swap3A_112 = vector.shape_cast %swap3A_111 : vector<1x32xbf16> to vector<32xbf16>
      %swap3A_113 = vector.shape_cast %broadcast_in_dim3A_3 : vector<32xbf16> to vector<1x32xbf16>
      tpu.vector_store %arg10[%swap3A_109, %swap3A_110], %swap3A_113 {strides = array<i32>} : memref<104x128xbf16, #tpu.memory_space<vmem>>, vector<1x32xbf16>,
      %swap3A_114 = arith.index_cast %scan3A_98 : i32 to index
      %swap3A_115 = arith.constant 96 : index
      %swap3A_116 = tpu.vector_load %arg10[%swap3A_114, %swap3A_115] {strides = array<i32>} : memref<104x128xbf16, #tpu.memory_space<vmem>>, vector<1x32xbf16>,
      %swap3A_117 = vector.shape_cast %swap3A_116 : vector<1x32xbf16> to vector<32xbf16>
      %swap3A_118 = vector.shape_cast %broadcast_in_dim3A_3 : vector<32xbf16> to vector<1x32xbf16>
      tpu.vector_store %arg10[%swap3A_114, %swap3A_115], %swap3A_118 {strides = array<i32>} : memref<104x128xbf16, #tpu.memory_space<vmem>>, vector<1x32xbf16>,
      %scan3A_119 = arith.constant 0 : i32
      scf.yield %scan3A_119 : i32
    }
    %scan3A_11 = arith.constant 104 : i32
    %scan3A_12 = arith.constant 0 : i32
    %scan3A_13 = arith.constant 0 : i32
    %scan3A_14 = arith.constant 6 : i32
    %scan3A_15 = arith.addi %scan3A_13, %scan3A_14 : i32
    %scan3A_16 = arith.constant 1 : i32
    %scan3A_17 = scf.for %scan3A_98 = %scan3A_13 to %scan3A_15 step %scan3A_16 iter_args(%scan3A_99 = %scan3A_12) -> (i32)  : i32 {
      %mul3A_100 = arith.constant 104 : i32
      %mul3A_101 = arith.muli %scan3A_98, %mul3A_100 : i32
      %add3A_102 = arith.addi %multiple_of3A, %mul3A_101 : i32
      %multiple_of3A_103 = tpu.assume_multiple %add3A_102, 8 : i32
      "tpu.region"() ({
        %run_scoped3A = tpu.sem_alloc : memref<!tpu.dma_semaphore, #tpu.memory_space<semaphore_mem>>
        %dma_start3A = arith.constant 0 : i32
        %dma_start3A_105 = tpu.memref_slice %arg11[%multiple_of3A_103, %dma_start3A] : memref<10000x128xbf16, #tpu.memory_space<vmem_shared>> -> memref<104x128xbf16, #tpu.memory_space<vmem_shared>>
        %dma_start3A_106 = arith.constant 0 : i32
        %dma_start3A_107 = tpu.memref_slice %arg11[%multiple_of3A_103, %dma_start3A_106] : memref<10000x128xbf16, #tpu.memory_space<vmem_shared>> -> memref<104x128xbf16, #tpu.memory_space<vmem_shared>>
        tpu.enqueue_dma source(%arg10 : memref<104x128xbf16, #tpu.memory_space<vmem>>) target(%dma_start3A_107 : memref<104x128xbf16, #tpu.memory_space<vmem_shared>>) target_semaphore(%run_scoped3A : memref<!tpu.dma_semaphore, #tpu.memory_space<semaphore_mem>>)
        %dma_wait3A_108 = arith.constant 0 : i32
        %dma_wait3A_109 = tpu.memref_slice %arg11[%multiple_of3A_103, %dma_wait3A_108] : memref<10000x128xbf16, #tpu.memory_space<vmem_shared>> -> memref<104x128xbf16, #tpu.memory_space<vmem_shared>>
        %dma_wait3A_110 = arith.constant 0 : i32
        %dma_wait3A_111 = tpu.memref_slice %arg11[%multiple_of3A_103, %dma_wait3A_110] : memref<10000x128xbf16, #tpu.memory_space<vmem_shared>> -> memref<104x128xbf16, #tpu.memory_space<vmem_shared>>
        tpu.wait_dma2 semaphore(%run_scoped3A : memref<!tpu.dma_semaphore, #tpu.memory_space<semaphore_mem>>) src(%arg10 : memref<104x128xbf16, #tpu.memory_space<vmem>>) dst(%dma_wait3A_111 : memref<104x128xbf16, #tpu.memory_space<vmem_shared>>)
        tpu.yield
      }) : () -> ()
      %scan3A_104 = arith.constant 0 : i32
      scf.yield %scan3A_104 : i32
    }
    %scan3A_18 = arith.constant 6 : i32
    %eq3A = arith.constant 15 : i32
    %eq3A_19 = arith.cmpi eq, %arg1, %eq3A : i32
    %convert_element_type3A = arith.extui %eq3A_19 : i1 to i32
    %cond3A = arith.constant 0 : i32
    %cond3A_20 = arith.cmpi ne, %convert_element_type3A, %cond3A : i32
    scf.if %cond3A_20 {
      "tpu.region"() ({
        %run_scoped3A = tpu.sem_alloc : memref<!tpu.dma_semaphore, #tpu.memory_space<semaphore_mem>>
        %dma_start3A = arith.constant 0 : i32
        %dma_start3A_98 = arith.constant 0 : i32
        %dma_start3A_99 = tpu.memref_slice %arg10[%dma_start3A, %dma_start3A_98] : memref<104x128xbf16, #tpu.memory_space<vmem>> -> memref<16x128xbf16, #tpu.memory_space<vmem>>
        %dma_start3A_100 = arith.constant 9984 : i32
        %dma_start3A_101 = arith.constant 0 : i32
        %dma_start3A_102 = tpu.memref_slice %arg11[%dma_start3A_100, %dma_start3A_101] : memref<10000x128xbf16, #tpu.memory_space<vmem_shared>> -> memref<16x128xbf16, #tpu.memory_space<vmem_shared>>
        %dma_start3A_103 = arith.constant 9984 : i32
        %dma_start3A_104 = arith.constant 0 : i32
        %dma_start3A_105 = tpu.memref_slice %arg11[%dma_start3A_103, %dma_start3A_104] : memref<10000x128xbf16, #tpu.memory_space<vmem_shared>> -> memref<16x128xbf16, #tpu.memory_space<vmem_shared>>
        %dma_start3A_106 = arith.constant 0 : i32
        %dma_start3A_107 = arith.constant 0 : i32
        %dma_start3A_108 = tpu.memref_slice %arg10[%dma_start3A_106, %dma_start3A_107] : memref<104x128xbf16, #tpu.memory_space<vmem>> -> memref<16x128xbf16, #tpu.memory_space<vmem>>
        tpu.enqueue_dma source(%dma_start3A_108 : memref<16x128xbf16, #tpu.memory_space<vmem>>) target(%dma_start3A_105 : memref<16x128xbf16, #tpu.memory_space<vmem_shared>>) target_semaphore(%run_scoped3A : memref<!tpu.dma_semaphore, #tpu.memory_space<semaphore_mem>>)
        %dma_wait3A_109 = arith.constant 0 : i32
        %dma_wait3A_110 = arith.constant 0 : i32
        %dma_wait3A_111 = tpu.memref_slice %arg10[%dma_wait3A_109, %dma_wait3A_110] : memref<104x128xbf16, #tpu.memory_space<vmem>> -> memref<16x128xbf16, #tpu.memory_space<vmem>>
        %dma_wait3A_112 = arith.constant 9984 : i32
        %dma_wait3A_113 = arith.constant 0 : i32
        %dma_wait3A_114 = tpu.memref_slice %arg11[%dma_wait3A_112, %dma_wait3A_113] : memref<10000x128xbf16, #tpu.memory_space<vmem_shared>> -> memref<16x128xbf16, #tpu.memory_space<vmem_shared>>
        %dma_wait3A_115 = arith.constant 9984 : i32
        %dma_wait3A_116 = arith.constant 0 : i32
        %dma_wait3A_117 = tpu.memref_slice %arg11[%dma_wait3A_115, %dma_wait3A_116] : memref<10000x128xbf16, #tpu.memory_space<vmem_shared>> -> memref<16x128xbf16, #tpu.memory_space<vmem_shared>>
        %dma_wait3A_118 = arith.constant 0 : i32
        %dma_wait3A_119 = arith.constant 0 : i32
        %dma_wait3A_120 = tpu.memref_slice %arg10[%dma_wait3A_118, %dma_wait3A_119] : memref<104x128xbf16, #tpu.memory_space<vmem>> -> memref<16x128xbf16, #tpu.memory_space<vmem>>
        tpu.wait_dma2 semaphore(%run_scoped3A : memref<!tpu.dma_semaphore, #tpu.memory_space<semaphore_mem>>) src(%dma_wait3A_120 : memref<16x128xbf16, #tpu.memory_space<vmem>>) dst(%dma_wait3A_117 : memref<16x128xbf16, #tpu.memory_space<vmem_shared>>)
        tpu.yield
      }) : () -> ()
    } else {
    }
    "tpu.region"() ({
      %run_scoped3A = tpu.sem_alloc : memref<!tpu.dma_semaphore, #tpu.memory_space<semaphore_mem>>
      %dma_start3A = arith.constant 0 : i32
      %dma_start3A_98 = arith.constant 0 : i32
      %dma_start3A_99 = tpu.memref_slice %arg3[%add3A, %dma_start3A, %dma_start3A_98] : memref<32x125x80xi32, #tpu.memory_space<hbm>> -> memref<1x125x80xi32, #tpu.memory_space<hbm>>
      %dma_start3A_100 = tpu.memref_squeeze %dma_start3A_99 : memref<1x125x80xi32, #tpu.memory_space<hbm>> -> memref<125x80xi32, #tpu.memory_space<hbm>>
      %dma_start3A_101 = arith.constant 0 : i32
      %dma_start3A_102 = arith.constant 0 : i32
      %dma_start3A_103 = tpu.memref_slice %arg3[%add3A, %dma_start3A_101, %dma_start3A_102] : memref<32x125x80xi32, #tpu.memory_space<hbm>> -> memref<1x125x80xi32, #tpu.memory_space<hbm>>
      %dma_start3A_104 = tpu.memref_squeeze %dma_start3A_103 : memref<1x125x80xi32, #tpu.memory_space<hbm>> -> memref<125x80xi32, #tpu.memory_space<hbm>>
      tpu.enqueue_dma source(%dma_start3A_104 : memref<125x80xi32, #tpu.memory_space<hbm>>) target(%arg7 : memref<125x80xi32, #tpu.memory_space<vmem>>) target_semaphore(%run_scoped3A : memref<!tpu.dma_semaphore, #tpu.memory_space<semaphore_mem>>)
      %dma_wait3A_105 = arith.constant 0 : i32
      %dma_wait3A_106 = arith.constant 0 : i32
      %dma_wait3A_107 = tpu.memref_slice %arg3[%add3A, %dma_wait3A_105, %dma_wait3A_106] : memref<32x125x80xi32, #tpu.memory_space<hbm>> -> memref<1x125x80xi32, #tpu.memory_space<hbm>>
      %dma_wait3A_108 = tpu.memref_squeeze %dma_wait3A_107 : memref<1x125x80xi32, #tpu.memory_space<hbm>> -> memref<125x80xi32, #tpu.memory_space<hbm>>
      %dma_wait3A_109 = arith.constant 0 : i32
      %dma_wait3A_110 = arith.constant 0 : i32
      %dma_wait3A_111 = tpu.memref_slice %arg3[%add3A, %dma_wait3A_109, %dma_wait3A_110] : memref<32x125x80xi32, #tpu.memory_space<hbm>> -> memref<1x125x80xi32, #tpu.memory_space<hbm>>
      %dma_wait3A_112 = tpu.memref_squeeze %dma_wait3A_111 : memref<1x125x80xi32, #tpu.memory_space<hbm>> -> memref<125x80xi32, #tpu.memory_space<hbm>>
      tpu.wait_dma2 semaphore(%run_scoped3A : memref<!tpu.dma_semaphore, #tpu.memory_space<semaphore_mem>>) src(%dma_wait3A_112 : memref<125x80xi32, #tpu.memory_space<hbm>>) dst(%arg7 : memref<125x80xi32, #tpu.memory_space<vmem>>)
      tpu.yield
    }) : () -> ()
    "tpu.region"() ({
      %run_scoped3A = tpu.sem_alloc : memref<!tpu.dma_semaphore, #tpu.memory_space<semaphore_mem>>
      %dma_start3A = arith.constant 0 : i32
      %dma_start3A_98 = arith.constant 0 : i32
      %dma_start3A_99 = tpu.memref_slice %arg4[%add3A, %dma_start3A, %dma_start3A_98] : memref<32x125x80xi32, #tpu.memory_space<hbm>> -> memref<1x125x80xi32, #tpu.memory_space<hbm>>
      %dma_start3A_100 = tpu.memref_squeeze %dma_start3A_99 : memref<1x125x80xi32, #tpu.memory_space<hbm>> -> memref<125x80xi32, #tpu.memory_space<hbm>>
      %dma_start3A_101 = arith.constant 0 : i32
      %dma_start3A_102 = arith.constant 0 : i32
      %dma_start3A_103 = tpu.memref_slice %arg4[%add3A, %dma_start3A_101, %dma_start3A_102] : memref<32x125x80xi32, #tpu.memory_space<hbm>> -> memref<1x125x80xi32, #tpu.memory_space<hbm>>
      %dma_start3A_104 = tpu.memref_squeeze %dma_start3A_103 : memref<1x125x80xi32, #tpu.memory_space<hbm>> -> memref<125x80xi32, #tpu.memory_space<hbm>>
      tpu.enqueue_dma source(%dma_start3A_104 : memref<125x80xi32, #tpu.memory_space<hbm>>) target(%arg8 : memref<125x80xi32, #tpu.memory_space<vmem>>) target_semaphore(%run_scoped3A : memref<!tpu.dma_semaphore, #tpu.memory_space<semaphore_mem>>)
      %dma_wait3A_105 = arith.constant 0 : i32
      %dma_wait3A_106 = arith.constant 0 : i32
      %dma_wait3A_107 = tpu.memref_slice %arg4[%add3A, %dma_wait3A_105, %dma_wait3A_106] : memref<32x125x80xi32, #tpu.memory_space<hbm>> -> memref<1x125x80xi32, #tpu.memory_space<hbm>>
      %dma_wait3A_108 = tpu.memref_squeeze %dma_wait3A_107 : memref<1x125x80xi32, #tpu.memory_space<hbm>> -> memref<125x80xi32, #tpu.memory_space<hbm>>
      %dma_wait3A_109 = arith.constant 0 : i32
      %dma_wait3A_110 = arith.constant 0 : i32
      %dma_wait3A_111 = tpu.memref_slice %arg4[%add3A, %dma_wait3A_109, %dma_wait3A_110] : memref<32x125x80xi32, #tpu.memory_space<hbm>> -> memref<1x125x80xi32, #tpu.memory_space<hbm>>
      %dma_wait3A_112 = tpu.memref_squeeze %dma_wait3A_111 : memref<1x125x80xi32, #tpu.memory_space<hbm>> -> memref<125x80xi32, #tpu.memory_space<hbm>>
      tpu.wait_dma2 semaphore(%run_scoped3A : memref<!tpu.dma_semaphore, #tpu.memory_space<semaphore_mem>>) src(%dma_wait3A_112 : memref<125x80xi32, #tpu.memory_space<hbm>>) dst(%arg8 : memref<125x80xi32, #tpu.memory_space<vmem>>)
      tpu.yield
    }) : () -> ()
    %barrier3A = arith.constant 0 : index
    tpu.barrier barrier_id(%barrier3A)
    %scan3A_21 = arith.constant 0 : i32
    %scan3A_22 = arith.constant 0 : i32
    %scan3A_23 = arith.constant 25 : i32
    %scan3A_24 = arith.addi %scan3A_22, %scan3A_23 : i32
    %scan3A_25 = arith.constant 1 : i32
    %scan3A_26 = scf.for %scan3A_98 = %scan3A_22 to %scan3A_24 step %scan3A_25 iter_args(%scan3A_99 = %scan3A_21) -> (i32)  : i32 {
      %mul3A_100 = arith.constant 5 : i32
      %mul3A_101 = arith.muli %scan3A_98, %mul3A_100 : i32
      %gt3A = arith.constant 0 : i32
      %gt3A_102 = arith.cmpi sgt, %scan3A_98, %gt3A : i32
      %convert_element_type3A_103 = arith.extui %gt3A_102 : i1 to i32
      %cond3A_104 = arith.constant 0 : i32
      %cond3A_105 = arith.cmpi ne, %convert_element_type3A_103, %cond3A_104 : i32
      scf.if %cond3A_105 {
        %dma_wait3A_291 = arith.constant 0 : i32
        %dma_wait3A_292 = arith.constant 0 : i32
        %dma_wait3A_293 = arith.constant 0 : i32
        %dma_wait3A_294 = arith.constant 0 : i32
        %dma_wait3A_295 = tpu.memref_slice %arg9[%dma_wait3A_291, %dma_wait3A_293, %dma_wait3A_294] : memref<5x80x128xbf16, #tpu.memory_space<vmem>> -> memref<1x80x128xbf16, #tpu.memory_space<vmem>>
        %dma_wait3A_296 = tpu.memref_squeeze %dma_wait3A_295 : memref<1x80x128xbf16, #tpu.memory_space<vmem>> -> memref<80x128xbf16, #tpu.memory_space<vmem>>
        %dma_wait3A_297 = arith.constant 0 : i32
        %dma_wait3A_298 = tpu.memref_slice %arg8[%dma_wait3A_292, %dma_wait3A_297] : memref<125x80xi32, #tpu.memory_space<vmem>> -> memref<1x80xi32, #tpu.memory_space<vmem>>
        %dma_wait3A_299 = tpu.memref_squeeze %dma_wait3A_298 : memref<1x80xi32, #tpu.memory_space<vmem>> -> memref<80xi32, #tpu.memory_space<vmem>>
        %dma_wait3A_300 = arith.constant 0 : i32
        %dma_wait3A_301 = arith.constant 0 : i32
        %dma_wait3A_302 = tpu.memref_slice %arg11[%dma_wait3A_300, %dma_wait3A_301] : memref<10000x128xbf16, #tpu.memory_space<vmem_shared>> -> memref<10000x128xbf16, #tpu.memory_space<vmem_shared>>
        tpu.wait_indirect_dma semaphore(%arg17 : memref<!tpu.dma_semaphore, #tpu.memory_space<semaphore_mem>>) src(%dma_wait3A_296 : memref<80x128xbf16, #tpu.memory_space<vmem>>) dst(%dma_wait3A_302 : memref<10000x128xbf16, #tpu.memory_space<vmem_shared>>)
        %dma_wait3A_303 = arith.constant 1 : i32
        %dma_wait3A_304 = arith.constant 0 : i32
        %dma_wait3A_305 = arith.constant 0 : i32
        %dma_wait3A_306 = arith.constant 0 : i32
        %dma_wait3A_307 = tpu.memref_slice %arg9[%dma_wait3A_303, %dma_wait3A_305, %dma_wait3A_306] : memref<5x80x128xbf16, #tpu.memory_space<vmem>> -> memref<1x80x128xbf16, #tpu.memory_space<vmem>>
        %dma_wait3A_308 = tpu.memref_squeeze %dma_wait3A_307 : memref<1x80x128xbf16, #tpu.memory_space<vmem>> -> memref<80x128xbf16, #tpu.memory_space<vmem>>
        %dma_wait3A_309 = arith.constant 0 : i32
        %dma_wait3A_310 = tpu.memref_slice %arg8[%dma_wait3A_304, %dma_wait3A_309] : memref<125x80xi32, #tpu.memory_space<vmem>> -> memref<1x80xi32, #tpu.memory_space<vmem>>
        %dma_wait3A_311 = tpu.memref_squeeze %dma_wait3A_310 : memref<1x80xi32, #tpu.memory_space<vmem>> -> memref<80xi32, #tpu.memory_space<vmem>>
        %dma_wait3A_312 = arith.constant 0 : i32
        %dma_wait3A_313 = arith.constant 0 : i32
        %dma_wait3A_314 = tpu.memref_slice %arg11[%dma_wait3A_312, %dma_wait3A_313] : memref<10000x128xbf16, #tpu.memory_space<vmem_shared>> -> memref<10000x128xbf16, #tpu.memory_space<vmem_shared>>
        tpu.wait_indirect_dma semaphore(%arg18 : memref<!tpu.dma_semaphore, #tpu.memory_space<semaphore_mem>>) src(%dma_wait3A_308 : memref<80x128xbf16, #tpu.memory_space<vmem>>) dst(%dma_wait3A_314 : memref<10000x128xbf16, #tpu.memory_space<vmem_shared>>)
        %dma_wait3A_315 = arith.constant 2 : i32
        %dma_wait3A_316 = arith.constant 0 : i32
        %dma_wait3A_317 = arith.constant 0 : i32
        %dma_wait3A_318 = arith.constant 0 : i32
        %dma_wait3A_319 = tpu.memref_slice %arg9[%dma_wait3A_315, %dma_wait3A_317, %dma_wait3A_318] : memref<5x80x128xbf16, #tpu.memory_space<vmem>> -> memref<1x80x128xbf16, #tpu.memory_space<vmem>>
        %dma_wait3A_320 = tpu.memref_squeeze %dma_wait3A_319 : memref<1x80x128xbf16, #tpu.memory_space<vmem>> -> memref<80x128xbf16, #tpu.memory_space<vmem>>
        %dma_wait3A_321 = arith.constant 0 : i32
        %dma_wait3A_322 = tpu.memref_slice %arg8[%dma_wait3A_316, %dma_wait3A_321] : memref<125x80xi32, #tpu.memory_space<vmem>> -> memref<1x80xi32, #tpu.memory_space<vmem>>
        %dma_wait3A_323 = tpu.memref_squeeze %dma_wait3A_322 : memref<1x80xi32, #tpu.memory_space<vmem>> -> memref<80xi32, #tpu.memory_space<vmem>>
        %dma_wait3A_324 = arith.constant 0 : i32
        %dma_wait3A_325 = arith.constant 0 : i32
        %dma_wait3A_326 = tpu.memref_slice %arg11[%dma_wait3A_324, %dma_wait3A_325] : memref<10000x128xbf16, #tpu.memory_space<vmem_shared>> -> memref<10000x128xbf16, #tpu.memory_space<vmem_shared>>
        tpu.wait_indirect_dma semaphore(%arg19 : memref<!tpu.dma_semaphore, #tpu.memory_space<semaphore_mem>>) src(%dma_wait3A_320 : memref<80x128xbf16, #tpu.memory_space<vmem>>) dst(%dma_wait3A_326 : memref<10000x128xbf16, #tpu.memory_space<vmem_shared>>)
        %dma_wait3A_327 = arith.constant 3 : i32
        %dma_wait3A_328 = arith.constant 0 : i32
        %dma_wait3A_329 = arith.constant 0 : i32
        %dma_wait3A_330 = arith.constant 0 : i32
        %dma_wait3A_331 = tpu.memref_slice %arg9[%dma_wait3A_327, %dma_wait3A_329, %dma_wait3A_330] : memref<5x80x128xbf16, #tpu.memory_space<vmem>> -> memref<1x80x128xbf16, #tpu.memory_space<vmem>>
        %dma_wait3A_332 = tpu.memref_squeeze %dma_wait3A_331 : memref<1x80x128xbf16, #tpu.memory_space<vmem>> -> memref<80x128xbf16, #tpu.memory_space<vmem>>
        %dma_wait3A_333 = arith.constant 0 : i32
        %dma_wait3A_334 = tpu.memref_slice %arg8[%dma_wait3A_328, %dma_wait3A_333] : memref<125x80xi32, #tpu.memory_space<vmem>> -> memref<1x80xi32, #tpu.memory_space<vmem>>
        %dma_wait3A_335 = tpu.memref_squeeze %dma_wait3A_334 : memref<1x80xi32, #tpu.memory_space<vmem>> -> memref<80xi32, #tpu.memory_space<vmem>>
        %dma_wait3A_336 = arith.constant 0 : i32
        %dma_wait3A_337 = arith.constant 0 : i32
        %dma_wait3A_338 = tpu.memref_slice %arg11[%dma_wait3A_336, %dma_wait3A_337] : memref<10000x128xbf16, #tpu.memory_space<vmem_shared>> -> memref<10000x128xbf16, #tpu.memory_space<vmem_shared>>
        tpu.wait_indirect_dma semaphore(%arg20 : memref<!tpu.dma_semaphore, #tpu.memory_space<semaphore_mem>>) src(%dma_wait3A_332 : memref<80x128xbf16, #tpu.memory_space<vmem>>) dst(%dma_wait3A_338 : memref<10000x128xbf16, #tpu.memory_space<vmem_shared>>)
        %dma_wait3A_339 = arith.constant 4 : i32
        %dma_wait3A_340 = arith.constant 0 : i32
        %dma_wait3A_341 = arith.constant 0 : i32
        %dma_wait3A_342 = arith.constant 0 : i32
        %dma_wait3A_343 = tpu.memref_slice %arg9[%dma_wait3A_339, %dma_wait3A_341, %dma_wait3A_342] : memref<5x80x128xbf16, #tpu.memory_space<vmem>> -> memref<1x80x128xbf16, #tpu.memory_space<vmem>>
        %dma_wait3A_344 = tpu.memref_squeeze %dma_wait3A_343 : memref<1x80x128xbf16, #tpu.memory_space<vmem>> -> memref<80x128xbf16, #tpu.memory_space<vmem>>
        %dma_wait3A_345 = arith.constant 0 : i32
        %dma_wait3A_346 = tpu.memref_slice %arg8[%dma_wait3A_340, %dma_wait3A_345] : memref<125x80xi32, #tpu.memory_space<vmem>> -> memref<1x80xi32, #tpu.memory_space<vmem>>
        %dma_wait3A_347 = tpu.memref_squeeze %dma_wait3A_346 : memref<1x80xi32, #tpu.memory_space<vmem>> -> memref<80xi32, #tpu.memory_space<vmem>>
        %dma_wait3A_348 = arith.constant 0 : i32
        %dma_wait3A_349 = arith.constant 0 : i32
        %dma_wait3A_350 = tpu.memref_slice %arg11[%dma_wait3A_348, %dma_wait3A_349] : memref<10000x128xbf16, #tpu.memory_space<vmem_shared>> -> memref<10000x128xbf16, #tpu.memory_space<vmem_shared>>
        tpu.wait_indirect_dma semaphore(%arg21 : memref<!tpu.dma_semaphore, #tpu.memory_space<semaphore_mem>>) src(%dma_wait3A_344 : memref<80x128xbf16, #tpu.memory_space<vmem>>) dst(%dma_wait3A_350 : memref<10000x128xbf16, #tpu.memory_space<vmem_shared>>)
      } else {
      }
      %add3A_106 = arith.constant 0 : i32
      %add3A_107 = arith.addi %mul3A_101, %add3A_106 : i32
      %dma_start3A = arith.constant 0 : i32
      %dma_start3A_108 = arith.constant 0 : i32
      %dma_start3A_109 = arith.constant 0 : i32
      %dma_start3A_110 = tpu.memref_slice %arg9[%dma_start3A, %dma_start3A_108, %dma_start3A_109] : memref<5x80x128xbf16, #tpu.memory_space<vmem>> -> memref<1x80x128xbf16, #tpu.memory_space<vmem>>
      %dma_start3A_111 = tpu.memref_squeeze %dma_start3A_110 : memref<1x80x128xbf16, #tpu.memory_space<vmem>> -> memref<80x128xbf16, #tpu.memory_space<vmem>>
      %dma_start3A_112 = arith.constant 0 : i32
      %dma_start3A_113 = tpu.memref_slice %arg7[%add3A_107, %dma_start3A_112] : memref<125x80xi32, #tpu.memory_space<vmem>> -> memref<1x80xi32, #tpu.memory_space<vmem>>
      %dma_start3A_114 = tpu.memref_squeeze %dma_start3A_113 : memref<1x80xi32, #tpu.memory_space<vmem>> -> memref<80xi32, #tpu.memory_space<vmem>>
      %dma_start3A_115 = arith.constant 0 : i32
      %dma_start3A_116 = arith.constant 0 : i32
      %dma_start3A_117 = tpu.memref_slice %arg2[%dma_start3A_115, %dma_start3A_116] : memref<10000x128xbf16, #tpu.memory_space<hbm>> -> memref<10000x128xbf16, #tpu.memory_space<hbm>>
      tpu.enqueue_indirect_dma source(%dma_start3A_117 : memref<10000x128xbf16, #tpu.memory_space<hbm>>) target(%dma_start3A_111 : memref<80x128xbf16, #tpu.memory_space<vmem>>) offsets(%dma_start3A_114 : memref<80xi32, #tpu.memory_space<vmem>>) semaphore(%arg12 : memref<!tpu.dma_semaphore, #tpu.memory_space<semaphore_mem>>)
      %add3A_118 = arith.constant 1 : i32
      %add3A_119 = arith.addi %mul3A_101, %add3A_118 : i32
      %dma_start3A_120 = arith.constant 1 : i32
      %dma_start3A_121 = arith.constant 0 : i32
      %dma_start3A_122 = arith.constant 0 : i32
      %dma_start3A_123 = tpu.memref_slice %arg9[%dma_start3A_120, %dma_start3A_121, %dma_start3A_122] : memref<5x80x128xbf16, #tpu.memory_space<vmem>> -> memref<1x80x128xbf16, #tpu.memory_space<vmem>>
      %dma_start3A_124 = tpu.memref_squeeze %dma_start3A_123 : memref<1x80x128xbf16, #tpu.memory_space<vmem>> -> memref<80x128xbf16, #tpu.memory_space<vmem>>
      %dma_start3A_125 = arith.constant 0 : i32
      %dma_start3A_126 = tpu.memref_slice %arg7[%add3A_119, %dma_start3A_125] : memref<125x80xi32, #tpu.memory_space<vmem>> -> memref<1x80xi32, #tpu.memory_space<vmem>>
      %dma_start3A_127 = tpu.memref_squeeze %dma_start3A_126 : memref<1x80xi32, #tpu.memory_space<vmem>> -> memref<80xi32, #tpu.memory_space<vmem>>
      %dma_start3A_128 = arith.constant 0 : i32
      %dma_start3A_129 = arith.constant 0 : i32
      %dma_start3A_130 = tpu.memref_slice %arg2[%dma_start3A_128, %dma_start3A_129] : memref<10000x128xbf16, #tpu.memory_space<hbm>> -> memref<10000x128xbf16, #tpu.memory_space<hbm>>
      tpu.enqueue_indirect_dma source(%dma_start3A_130 : memref<10000x128xbf16, #tpu.memory_space<hbm>>) target(%dma_start3A_124 : memref<80x128xbf16, #tpu.memory_space<vmem>>) offsets(%dma_start3A_127 : memref<80xi32, #tpu.memory_space<vmem>>) semaphore(%arg13 : memref<!tpu.dma_semaphore, #tpu.memory_space<semaphore_mem>>)
      %add3A_131 = arith.constant 2 : i32
      %add3A_132 = arith.addi %mul3A_101, %add3A_131 : i32
      %dma_start3A_133 = arith.constant 2 : i32
      %dma_start3A_134 = arith.constant 0 : i32
      %dma_start3A_135 = arith.constant 0 : i32
      %dma_start3A_136 = tpu.memref_slice %arg9[%dma_start3A_133, %dma_start3A_134, %dma_start3A_135] : memref<5x80x128xbf16, #tpu.memory_space<vmem>> -> memref<1x80x128xbf16, #tpu.memory_space<vmem>>
      %dma_start3A_137 = tpu.memref_squeeze %dma_start3A_136 : memref<1x80x128xbf16, #tpu.memory_space<vmem>> -> memref<80x128xbf16, #tpu.memory_space<vmem>>
      %dma_start3A_138 = arith.constant 0 : i32
      %dma_start3A_139 = tpu.memref_slice %arg7[%add3A_132, %dma_start3A_138] : memref<125x80xi32, #tpu.memory_space<vmem>> -> memref<1x80xi32, #tpu.memory_space<vmem>>
      %dma_start3A_140 = tpu.memref_squeeze %dma_start3A_139 : memref<1x80xi32, #tpu.memory_space<vmem>> -> memref<80xi32, #tpu.memory_space<vmem>>
      %dma_start3A_141 = arith.constant 0 : i32
      %dma_start3A_142 = arith.constant 0 : i32
      %dma_start3A_143 = tpu.memref_slice %arg2[%dma_start3A_141, %dma_start3A_142] : memref<10000x128xbf16, #tpu.memory_space<hbm>> -> memref<10000x128xbf16, #tpu.memory_space<hbm>>
      tpu.enqueue_indirect_dma source(%dma_start3A_143 : memref<10000x128xbf16, #tpu.memory_space<hbm>>) target(%dma_start3A_137 : memref<80x128xbf16, #tpu.memory_space<vmem>>) offsets(%dma_start3A_140 : memref<80xi32, #tpu.memory_space<vmem>>) semaphore(%arg14 : memref<!tpu.dma_semaphore, #tpu.memory_space<semaphore_mem>>)
      %add3A_144 = arith.constant 3 : i32
      %add3A_145 = arith.addi %mul3A_101, %add3A_144 : i32
      %dma_start3A_146 = arith.constant 3 : i32
      %dma_start3A_147 = arith.constant 0 : i32
      %dma_start3A_148 = arith.constant 0 : i32
      %dma_start3A_149 = tpu.memref_slice %arg9[%dma_start3A_146, %dma_start3A_147, %dma_start3A_148] : memref<5x80x128xbf16, #tpu.memory_space<vmem>> -> memref<1x80x128xbf16, #tpu.memory_space<vmem>>
      %dma_start3A_150 = tpu.memref_squeeze %dma_start3A_149 : memref<1x80x128xbf16, #tpu.memory_space<vmem>> -> memref<80x128xbf16, #tpu.memory_space<vmem>>
      %dma_start3A_151 = arith.constant 0 : i32
      %dma_start3A_152 = tpu.memref_slice %arg7[%add3A_145, %dma_start3A_151] : memref<125x80xi32, #tpu.memory_space<vmem>> -> memref<1x80xi32, #tpu.memory_space<vmem>>
      %dma_start3A_153 = tpu.memref_squeeze %dma_start3A_152 : memref<1x80xi32, #tpu.memory_space<vmem>> -> memref<80xi32, #tpu.memory_space<vmem>>
      %dma_start3A_154 = arith.constant 0 : i32
      %dma_start3A_155 = arith.constant 0 : i32
      %dma_start3A_156 = tpu.memref_slice %arg2[%dma_start3A_154, %dma_start3A_155] : memref<10000x128xbf16, #tpu.memory_space<hbm>> -> memref<10000x128xbf16, #tpu.memory_space<hbm>>
      tpu.enqueue_indirect_dma source(%dma_start3A_156 : memref<10000x128xbf16, #tpu.memory_space<hbm>>) target(%dma_start3A_150 : memref<80x128xbf16, #tpu.memory_space<vmem>>) offsets(%dma_start3A_153 : memref<80xi32, #tpu.memory_space<vmem>>) semaphore(%arg15 : memref<!tpu.dma_semaphore, #tpu.memory_space<semaphore_mem>>)
      %add3A_157 = arith.constant 4 : i32
      %add3A_158 = arith.addi %mul3A_101, %add3A_157 : i32
      %dma_start3A_159 = arith.constant 4 : i32
      %dma_start3A_160 = arith.constant 0 : i32
      %dma_start3A_161 = arith.constant 0 : i32
      %dma_start3A_162 = tpu.memref_slice %arg9[%dma_start3A_159, %dma_start3A_160, %dma_start3A_161] : memref<5x80x128xbf16, #tpu.memory_space<vmem>> -> memref<1x80x128xbf16, #tpu.memory_space<vmem>>
      %dma_start3A_163 = tpu.memref_squeeze %dma_start3A_162 : memref<1x80x128xbf16, #tpu.memory_space<vmem>> -> memref<80x128xbf16, #tpu.memory_space<vmem>>
      %dma_start3A_164 = arith.constant 0 : i32
      %dma_start3A_165 = tpu.memref_slice %arg7[%add3A_158, %dma_start3A_164] : memref<125x80xi32, #tpu.memory_space<vmem>> -> memref<1x80xi32, #tpu.memory_space<vmem>>
      %dma_start3A_166 = tpu.memref_squeeze %dma_start3A_165 : memref<1x80xi32, #tpu.memory_space<vmem>> -> memref<80xi32, #tpu.memory_space<vmem>>
      %dma_start3A_167 = arith.constant 0 : i32
      %dma_start3A_168 = arith.constant 0 : i32
      %dma_start3A_169 = tpu.memref_slice %arg2[%dma_start3A_167, %dma_start3A_168] : memref<10000x128xbf16, #tpu.memory_space<hbm>> -> memref<10000x128xbf16, #tpu.memory_space<hbm>>
      tpu.enqueue_indirect_dma source(%dma_start3A_169 : memref<10000x128xbf16, #tpu.memory_space<hbm>>) target(%dma_start3A_163 : memref<80x128xbf16, #tpu.memory_space<vmem>>) offsets(%dma_start3A_166 : memref<80xi32, #tpu.memory_space<vmem>>) semaphore(%arg16 : memref<!tpu.dma_semaphore, #tpu.memory_space<semaphore_mem>>)
      %dma_wait3A_170 = arith.constant 0 : i32
      %dma_wait3A_171 = arith.constant 0 : i32
      %dma_wait3A_172 = arith.constant 0 : i32
      %dma_wait3A_173 = tpu.memref_slice %arg9[%dma_wait3A_170, %dma_wait3A_171, %dma_wait3A_172] : memref<5x80x128xbf16, #tpu.memory_space<vmem>> -> memref<1x80x128xbf16, #tpu.memory_space<vmem>>
      %dma_wait3A_174 = tpu.memref_squeeze %dma_wait3A_173 : memref<1x80x128xbf16, #tpu.memory_space<vmem>> -> memref<80x128xbf16, #tpu.memory_space<vmem>>
      %dma_wait3A_175 = arith.constant 0 : i32
      %dma_wait3A_176 = tpu.memref_slice %arg7[%add3A_107, %dma_wait3A_175] : memref<125x80xi32, #tpu.memory_space<vmem>> -> memref<1x80xi32, #tpu.memory_space<vmem>>
      %dma_wait3A_177 = tpu.memref_squeeze %dma_wait3A_176 : memref<1x80xi32, #tpu.memory_space<vmem>> -> memref<80xi32, #tpu.memory_space<vmem>>
      %dma_wait3A_178 = arith.constant 0 : i32
      %dma_wait3A_179 = arith.constant 0 : i32
      %dma_wait3A_180 = tpu.memref_slice %arg2[%dma_wait3A_178, %dma_wait3A_179] : memref<10000x128xbf16, #tpu.memory_space<hbm>> -> memref<10000x128xbf16, #tpu.memory_space<hbm>>
      tpu.wait_indirect_dma semaphore(%arg12 : memref<!tpu.dma_semaphore, #tpu.memory_space<semaphore_mem>>) src(%dma_wait3A_180 : memref<10000x128xbf16, #tpu.memory_space<hbm>>) dst(%dma_wait3A_174 : memref<80x128xbf16, #tpu.memory_space<vmem>>)
      %add3A_181 = arith.constant 0 : i32
      %add3A_182 = arith.addi %mul3A_101, %add3A_181 : i32
      %dma_start3A_183 = arith.constant 0 : i32
      %dma_start3A_184 = arith.constant 0 : i32
      %dma_start3A_185 = arith.constant 0 : i32
      %dma_start3A_186 = tpu.memref_slice %arg9[%dma_start3A_183, %dma_start3A_184, %dma_start3A_185] : memref<5x80x128xbf16, #tpu.memory_space<vmem>> -> memref<1x80x128xbf16, #tpu.memory_space<vmem>>
      %dma_start3A_187 = tpu.memref_squeeze %dma_start3A_186 : memref<1x80x128xbf16, #tpu.memory_space<vmem>> -> memref<80x128xbf16, #tpu.memory_space<vmem>>
      %dma_start3A_188 = arith.constant 0 : i32
      %dma_start3A_189 = tpu.memref_slice %arg8[%add3A_182, %dma_start3A_188] : memref<125x80xi32, #tpu.memory_space<vmem>> -> memref<1x80xi32, #tpu.memory_space<vmem>>
      %dma_start3A_190 = tpu.memref_squeeze %dma_start3A_189 : memref<1x80xi32, #tpu.memory_space<vmem>> -> memref<80xi32, #tpu.memory_space<vmem>>
      %dma_start3A_191 = arith.constant 0 : i32
      %dma_start3A_192 = arith.constant 0 : i32
      %dma_start3A_193 = tpu.memref_slice %arg11[%dma_start3A_191, %dma_start3A_192] : memref<10000x128xbf16, #tpu.memory_space<vmem_shared>> -> memref<10000x128xbf16, #tpu.memory_space<vmem_shared>>
      tpu.enqueue_indirect_dma source(%dma_start3A_187 : memref<80x128xbf16, #tpu.memory_space<vmem>>) target(%dma_start3A_193 : memref<10000x128xbf16, #tpu.memory_space<vmem_shared>>) offsets(%dma_start3A_190 : memref<80xi32, #tpu.memory_space<vmem>>) semaphore(%arg17 : memref<!tpu.dma_semaphore, #tpu.memory_space<semaphore_mem>>) {add = true}
      %dma_wait3A_194 = arith.constant 1 : i32
      %dma_wait3A_195 = arith.constant 0 : i32
      %dma_wait3A_196 = arith.constant 0 : i32
      %dma_wait3A_197 = tpu.memref_slice %arg9[%dma_wait3A_194, %dma_wait3A_195, %dma_wait3A_196] : memref<5x80x128xbf16, #tpu.memory_space<vmem>> -> memref<1x80x128xbf16, #tpu.memory_space<vmem>>
      %dma_wait3A_198 = tpu.memref_squeeze %dma_wait3A_197 : memref<1x80x128xbf16, #tpu.memory_space<vmem>> -> memref<80x128xbf16, #tpu.memory_space<vmem>>
      %dma_wait3A_199 = arith.constant 0 : i32
      %dma_wait3A_200 = tpu.memref_slice %arg7[%add3A_119, %dma_wait3A_199] : memref<125x80xi32, #tpu.memory_space<vmem>> -> memref<1x80xi32, #tpu.memory_space<vmem>>
      %dma_wait3A_201 = tpu.memref_squeeze %dma_wait3A_200 : memref<1x80xi32, #tpu.memory_space<vmem>> -> memref<80xi32, #tpu.memory_space<vmem>>
      %dma_wait3A_202 = arith.constant 0 : i32
      %dma_wait3A_203 = arith.constant 0 : i32
      %dma_wait3A_204 = tpu.memref_slice %arg2[%dma_wait3A_202, %dma_wait3A_203] : memref<10000x128xbf16, #tpu.memory_space<hbm>> -> memref<10000x128xbf16, #tpu.memory_space<hbm>>
      tpu.wait_indirect_dma semaphore(%arg13 : memref<!tpu.dma_semaphore, #tpu.memory_space<semaphore_mem>>) src(%dma_wait3A_204 : memref<10000x128xbf16, #tpu.memory_space<hbm>>) dst(%dma_wait3A_198 : memref<80x128xbf16, #tpu.memory_space<vmem>>)
      %add3A_205 = arith.constant 1 : i32
      %add3A_206 = arith.addi %mul3A_101, %add3A_205 : i32
      %dma_start3A_207 = arith.constant 1 : i32
      %dma_start3A_208 = arith.constant 0 : i32
      %dma_start3A_209 = arith.constant 0 : i32
      %dma_start3A_210 = tpu.memref_slice %arg9[%dma_start3A_207, %dma_start3A_208, %dma_start3A_209] : memref<5x80x128xbf16, #tpu.memory_space<vmem>> -> memref<1x80x128xbf16, #tpu.memory_space<vmem>>
      %dma_start3A_211 = tpu.memref_squeeze %dma_start3A_210 : memref<1x80x128xbf16, #tpu.memory_space<vmem>> -> memref<80x128xbf16, #tpu.memory_space<vmem>>
      %dma_start3A_212 = arith.constant 0 : i32
      %dma_start3A_213 = tpu.memref_slice %arg8[%add3A_206, %dma_start3A_212] : memref<125x80xi32, #tpu.memory_space<vmem>> -> memref<1x80xi32, #tpu.memory_space<vmem>>
      %dma_start3A_214 = tpu.memref_squeeze %dma_start3A_213 : memref<1x80xi32, #tpu.memory_space<vmem>> -> memref<80xi32, #tpu.memory_space<vmem>>
      %dma_start3A_215 = arith.constant 0 : i32
      %dma_start3A_216 = arith.constant 0 : i32
      %dma_start3A_217 = tpu.memref_slice %arg11[%dma_start3A_215, %dma_start3A_216] : memref<10000x128xbf16, #tpu.memory_space<vmem_shared>> -> memref<10000x128xbf16, #tpu.memory_space<vmem_shared>>
      tpu.enqueue_indirect_dma source(%dma_start3A_211 : memref<80x128xbf16, #tpu.memory_space<vmem>>) target(%dma_start3A_217 : memref<10000x128xbf16, #tpu.memory_space<vmem_shared>>) offsets(%dma_start3A_214 : memref<80xi32, #tpu.memory_space<vmem>>) semaphore(%arg18 : memref<!tpu.dma_semaphore, #tpu.memory_space<semaphore_mem>>) {add = true}
      %dma_wait3A_218 = arith.constant 2 : i32
      %dma_wait3A_219 = arith.constant 0 : i32
      %dma_wait3A_220 = arith.constant 0 : i32
      %dma_wait3A_221 = tpu.memref_slice %arg9[%dma_wait3A_218, %dma_wait3A_219, %dma_wait3A_220] : memref<5x80x128xbf16, #tpu.memory_space<vmem>> -> memref<1x80x128xbf16, #tpu.memory_space<vmem>>
      %dma_wait3A_222 = tpu.memref_squeeze %dma_wait3A_221 : memref<1x80x128xbf16, #tpu.memory_space<vmem>> -> memref<80x128xbf16, #tpu.memory_space<vmem>>
      %dma_wait3A_223 = arith.constant 0 : i32
      %dma_wait3A_224 = tpu.memref_slice %arg7[%add3A_132, %dma_wait3A_223] : memref<125x80xi32, #tpu.memory_space<vmem>> -> memref<1x80xi32, #tpu.memory_space<vmem>>
      %dma_wait3A_225 = tpu.memref_squeeze %dma_wait3A_224 : memref<1x80xi32, #tpu.memory_space<vmem>> -> memref<80xi32, #tpu.memory_space<vmem>>
      %dma_wait3A_226 = arith.constant 0 : i32
      %dma_wait3A_227 = arith.constant 0 : i32
      %dma_wait3A_228 = tpu.memref_slice %arg2[%dma_wait3A_226, %dma_wait3A_227] : memref<10000x128xbf16, #tpu.memory_space<hbm>> -> memref<10000x128xbf16, #tpu.memory_space<hbm>>
      tpu.wait_indirect_dma semaphore(%arg14 : memref<!tpu.dma_semaphore, #tpu.memory_space<semaphore_mem>>) src(%dma_wait3A_228 : memref<10000x128xbf16, #tpu.memory_space<hbm>>) dst(%dma_wait3A_222 : memref<80x128xbf16, #tpu.memory_space<vmem>>)
      %add3A_229 = arith.constant 2 : i32
      %add3A_230 = arith.addi %mul3A_101, %add3A_229 : i32
      %dma_start3A_231 = arith.constant 2 : i32
      %dma_start3A_232 = arith.constant 0 : i32
      %dma_start3A_233 = arith.constant 0 : i32
      %dma_start3A_234 = tpu.memref_slice %arg9[%dma_start3A_231, %dma_start3A_232, %dma_start3A_233] : memref<5x80x128xbf16, #tpu.memory_space<vmem>> -> memref<1x80x128xbf16, #tpu.memory_space<vmem>>
      %dma_start3A_235 = tpu.memref_squeeze %dma_start3A_234 : memref<1x80x128xbf16, #tpu.memory_space<vmem>> -> memref<80x128xbf16, #tpu.memory_space<vmem>>
      %dma_start3A_236 = arith.constant 0 : i32
      %dma_start3A_237 = tpu.memref_slice %arg8[%add3A_230, %dma_start3A_236] : memref<125x80xi32, #tpu.memory_space<vmem>> -> memref<1x80xi32, #tpu.memory_space<vmem>>
      %dma_start3A_238 = tpu.memref_squeeze %dma_start3A_237 : memref<1x80xi32, #tpu.memory_space<vmem>> -> memref<80xi32, #tpu.memory_space<vmem>>
      %dma_start3A_239 = arith.constant 0 : i32
      %dma_start3A_240 = arith.constant 0 : i32
      %dma_start3A_241 = tpu.memref_slice %arg11[%dma_start3A_239, %dma_start3A_240] : memref<10000x128xbf16, #tpu.memory_space<vmem_shared>> -> memref<10000x128xbf16, #tpu.memory_space<vmem_shared>>
      tpu.enqueue_indirect_dma source(%dma_start3A_235 : memref<80x128xbf16, #tpu.memory_space<vmem>>) target(%dma_start3A_241 : memref<10000x128xbf16, #tpu.memory_space<vmem_shared>>) offsets(%dma_start3A_238 : memref<80xi32, #tpu.memory_space<vmem>>) semaphore(%arg19 : memref<!tpu.dma_semaphore, #tpu.memory_space<semaphore_mem>>) {add = true}
      %dma_wait3A_242 = arith.constant 3 : i32
      %dma_wait3A_243 = arith.constant 0 : i32
      %dma_wait3A_244 = arith.constant 0 : i32
      %dma_wait3A_245 = tpu.memref_slice %arg9[%dma_wait3A_242, %dma_wait3A_243, %dma_wait3A_244] : memref<5x80x128xbf16, #tpu.memory_space<vmem>> -> memref<1x80x128xbf16, #tpu.memory_space<vmem>>
      %dma_wait3A_246 = tpu.memref_squeeze %dma_wait3A_245 : memref<1x80x128xbf16, #tpu.memory_space<vmem>> -> memref<80x128xbf16, #tpu.memory_space<vmem>>
      %dma_wait3A_247 = arith.constant 0 : i32
      %dma_wait3A_248 = tpu.memref_slice %arg7[%add3A_145, %dma_wait3A_247] : memref<125x80xi32, #tpu.memory_space<vmem>> -> memref<1x80xi32, #tpu.memory_space<vmem>>
      %dma_wait3A_249 = tpu.memref_squeeze %dma_wait3A_248 : memref<1x80xi32, #tpu.memory_space<vmem>> -> memref<80xi32, #tpu.memory_space<vmem>>
      %dma_wait3A_250 = arith.constant 0 : i32
      %dma_wait3A_251 = arith.constant 0 : i32
      %dma_wait3A_252 = tpu.memref_slice %arg2[%dma_wait3A_250, %dma_wait3A_251] : memref<10000x128xbf16, #tpu.memory_space<hbm>> -> memref<10000x128xbf16, #tpu.memory_space<hbm>>
      tpu.wait_indirect_dma semaphore(%arg15 : memref<!tpu.dma_semaphore, #tpu.memory_space<semaphore_mem>>) src(%dma_wait3A_252 : memref<10000x128xbf16, #tpu.memory_space<hbm>>) dst(%dma_wait3A_246 : memref<80x128xbf16, #tpu.memory_space<vmem>>)
      %add3A_253 = arith.constant 3 : i32
      %add3A_254 = arith.addi %mul3A_101, %add3A_253 : i32
      %dma_start3A_255 = arith.constant 3 : i32
      %dma_start3A_256 = arith.constant 0 : i32
      %dma_start3A_257 = arith.constant 0 : i32
      %dma_start3A_258 = tpu.memref_slice %arg9[%dma_start3A_255, %dma_start3A_256, %dma_start3A_257] : memref<5x80x128xbf16, #tpu.memory_space<vmem>> -> memref<1x80x128xbf16, #tpu.memory_space<vmem>>
      %dma_start3A_259 = tpu.memref_squeeze %dma_start3A_258 : memref<1x80x128xbf16, #tpu.memory_space<vmem>> -> memref<80x128xbf16, #tpu.memory_space<vmem>>
      %dma_start3A_260 = arith.constant 0 : i32
      %dma_start3A_261 = tpu.memref_slice %arg8[%add3A_254, %dma_start3A_260] : memref<125x80xi32, #tpu.memory_space<vmem>> -> memref<1x80xi32, #tpu.memory_space<vmem>>
      %dma_start3A_262 = tpu.memref_squeeze %dma_start3A_261 : memref<1x80xi32, #tpu.memory_space<vmem>> -> memref<80xi32, #tpu.memory_space<vmem>>
      %dma_start3A_263 = arith.constant 0 : i32
      %dma_start3A_264 = arith.constant 0 : i32
      %dma_start3A_265 = tpu.memref_slice %arg11[%dma_start3A_263, %dma_start3A_264] : memref<10000x128xbf16, #tpu.memory_space<vmem_shared>> -> memref<10000x128xbf16, #tpu.memory_space<vmem_shared>>
      tpu.enqueue_indirect_dma source(%dma_start3A_259 : memref<80x128xbf16, #tpu.memory_space<vmem>>) target(%dma_start3A_265 : memref<10000x128xbf16, #tpu.memory_space<vmem_shared>>) offsets(%dma_start3A_262 : memref<80xi32, #tpu.memory_space<vmem>>) semaphore(%arg20 : memref<!tpu.dma_semaphore, #tpu.memory_space<semaphore_mem>>) {add = true}
      %dma_wait3A_266 = arith.constant 4 : i32
      %dma_wait3A_267 = arith.constant 0 : i32
      %dma_wait3A_268 = arith.constant 0 : i32
      %dma_wait3A_269 = tpu.memref_slice %arg9[%dma_wait3A_266, %dma_wait3A_267, %dma_wait3A_268] : memref<5x80x128xbf16, #tpu.memory_space<vmem>> -> memref<1x80x128xbf16, #tpu.memory_space<vmem>>
      %dma_wait3A_270 = tpu.memref_squeeze %dma_wait3A_269 : memref<1x80x128xbf16, #tpu.memory_space<vmem>> -> memref<80x128xbf16, #tpu.memory_space<vmem>>
      %dma_wait3A_271 = arith.constant 0 : i32
      %dma_wait3A_272 = tpu.memref_slice %arg7[%add3A_158, %dma_wait3A_271] : memref<125x80xi32, #tpu.memory_space<vmem>> -> memref<1x80xi32, #tpu.memory_space<vmem>>
      %dma_wait3A_273 = tpu.memref_squeeze %dma_wait3A_272 : memref<1x80xi32, #tpu.memory_space<vmem>> -> memref<80xi32, #tpu.memory_space<vmem>>
      %dma_wait3A_274 = arith.constant 0 : i32
      %dma_wait3A_275 = arith.constant 0 : i32
      %dma_wait3A_276 = tpu.memref_slice %arg2[%dma_wait3A_274, %dma_wait3A_275] : memref<10000x128xbf16, #tpu.memory_space<hbm>> -> memref<10000x128xbf16, #tpu.memory_space<hbm>>
      tpu.wait_indirect_dma semaphore(%arg16 : memref<!tpu.dma_semaphore, #tpu.memory_space<semaphore_mem>>) src(%dma_wait3A_276 : memref<10000x128xbf16, #tpu.memory_space<hbm>>) dst(%dma_wait3A_270 : memref<80x128xbf16, #tpu.memory_space<vmem>>)
      %add3A_277 = arith.constant 4 : i32
      %add3A_278 = arith.addi %mul3A_101, %add3A_277 : i32
      %dma_start3A_279 = arith.constant 4 : i32
      %dma_start3A_280 = arith.constant 0 : i32
      %dma_start3A_281 = arith.constant 0 : i32
      %dma_start3A_282 = tpu.memref_slice %arg9[%dma_start3A_279, %dma_start3A_280, %dma_start3A_281] : memref<5x80x128xbf16, #tpu.memory_space<vmem>> -> memref<1x80x128xbf16, #tpu.memory_space<vmem>>
      %dma_start3A_283 = tpu.memref_squeeze %dma_start3A_282 : memref<1x80x128xbf16, #tpu.memory_space<vmem>> -> memref<80x128xbf16, #tpu.memory_space<vmem>>
      %dma_start3A_284 = arith.constant 0 : i32
      %dma_start3A_285 = tpu.memref_slice %arg8[%add3A_278, %dma_start3A_284] : memref<125x80xi32, #tpu.memory_space<vmem>> -> memref<1x80xi32, #tpu.memory_space<vmem>>
      %dma_start3A_286 = tpu.memref_squeeze %dma_start3A_285 : memref<1x80xi32, #tpu.memory_space<vmem>> -> memref<80xi32, #tpu.memory_space<vmem>>
      %dma_start3A_287 = arith.constant 0 : i32
      %dma_start3A_288 = arith.constant 0 : i32
      %dma_start3A_289 = tpu.memref_slice %arg11[%dma_start3A_287, %dma_start3A_288] : memref<10000x128xbf16, #tpu.memory_space<vmem_shared>> -> memref<10000x128xbf16, #tpu.memory_space<vmem_shared>>
      tpu.enqueue_indirect_dma source(%dma_start3A_283 : memref<80x128xbf16, #tpu.memory_space<vmem>>) target(%dma_start3A_289 : memref<10000x128xbf16, #tpu.memory_space<vmem_shared>>) offsets(%dma_start3A_286 : memref<80xi32, #tpu.memory_space<vmem>>) semaphore(%arg21 : memref<!tpu.dma_semaphore, #tpu.memory_space<semaphore_mem>>) {add = true}
      %scan3A_290 = arith.constant 0 : i32
      scf.yield %scan3A_290 : i32
    }
    %scan3A_27 = arith.constant 25 : i32
    %dma_wait3A = arith.constant 0 : i32
    %dma_wait3A_28 = arith.constant 0 : i32
    %dma_wait3A_29 = arith.constant 0 : i32
    %dma_wait3A_30 = arith.constant 0 : i32
    %dma_wait3A_31 = tpu.memref_slice %arg9[%dma_wait3A, %dma_wait3A_29, %dma_wait3A_30] : memref<5x80x128xbf16, #tpu.memory_space<vmem>> -> memref<1x80x128xbf16, #tpu.memory_space<vmem>>
    %dma_wait3A_32 = tpu.memref_squeeze %dma_wait3A_31 : memref<1x80x128xbf16, #tpu.memory_space<vmem>> -> memref<80x128xbf16, #tpu.memory_space<vmem>>
    %dma_wait3A_33 = arith.constant 0 : i32
    %dma_wait3A_34 = tpu.memref_slice %arg8[%dma_wait3A_28, %dma_wait3A_33] : memref<125x80xi32, #tpu.memory_space<vmem>> -> memref<1x80xi32, #tpu.memory_space<vmem>>
    %dma_wait3A_35 = tpu.memref_squeeze %dma_wait3A_34 : memref<1x80xi32, #tpu.memory_space<vmem>> -> memref<80xi32, #tpu.memory_space<vmem>>
    %dma_wait3A_36 = arith.constant 0 : i32
    %dma_wait3A_37 = arith.constant 0 : i32
    %dma_wait3A_38 = tpu.memref_slice %arg11[%dma_wait3A_36, %dma_wait3A_37] : memref<10000x128xbf16, #tpu.memory_space<vmem_shared>> -> memref<10000x128xbf16, #tpu.memory_space<vmem_shared>>
    tpu.wait_indirect_dma semaphore(%arg17 : memref<!tpu.dma_semaphore, #tpu.memory_space<semaphore_mem>>) src(%dma_wait3A_32 : memref<80x128xbf16, #tpu.memory_space<vmem>>) dst(%dma_wait3A_38 : memref<10000x128xbf16, #tpu.memory_space<vmem_shared>>)
    %dma_wait3A_39 = arith.constant 1 : i32
    %dma_wait3A_40 = arith.constant 0 : i32
    %dma_wait3A_41 = arith.constant 0 : i32
    %dma_wait3A_42 = arith.constant 0 : i32
    %dma_wait3A_43 = tpu.memref_slice %arg9[%dma_wait3A_39, %dma_wait3A_41, %dma_wait3A_42] : memref<5x80x128xbf16, #tpu.memory_space<vmem>> -> memref<1x80x128xbf16, #tpu.memory_space<vmem>>
    %dma_wait3A_44 = tpu.memref_squeeze %dma_wait3A_43 : memref<1x80x128xbf16, #tpu.memory_space<vmem>> -> memref<80x128xbf16, #tpu.memory_space<vmem>>
    %dma_wait3A_45 = arith.constant 0 : i32
    %dma_wait3A_46 = tpu.memref_slice %arg8[%dma_wait3A_40, %dma_wait3A_45] : memref<125x80xi32, #tpu.memory_space<vmem>> -> memref<1x80xi32, #tpu.memory_space<vmem>>
    %dma_wait3A_47 = tpu.memref_squeeze %dma_wait3A_46 : memref<1x80xi32, #tpu.memory_space<vmem>> -> memref<80xi32, #tpu.memory_space<vmem>>
    %dma_wait3A_48 = arith.constant 0 : i32
    %dma_wait3A_49 = arith.constant 0 : i32
    %dma_wait3A_50 = tpu.memref_slice %arg11[%dma_wait3A_48, %dma_wait3A_49] : memref<10000x128xbf16, #tpu.memory_space<vmem_shared>> -> memref<10000x128xbf16, #tpu.memory_space<vmem_shared>>
    tpu.wait_indirect_dma semaphore(%arg18 : memref<!tpu.dma_semaphore, #tpu.memory_space<semaphore_mem>>) src(%dma_wait3A_44 : memref<80x128xbf16, #tpu.memory_space<vmem>>) dst(%dma_wait3A_50 : memref<10000x128xbf16, #tpu.memory_space<vmem_shared>>)
    %dma_wait3A_51 = arith.constant 2 : i32
    %dma_wait3A_52 = arith.constant 0 : i32
    %dma_wait3A_53 = arith.constant 0 : i32
    %dma_wait3A_54 = arith.constant 0 : i32
    %dma_wait3A_55 = tpu.memref_slice %arg9[%dma_wait3A_51, %dma_wait3A_53, %dma_wait3A_54] : memref<5x80x128xbf16, #tpu.memory_space<vmem>> -> memref<1x80x128xbf16, #tpu.memory_space<vmem>>
    %dma_wait3A_56 = tpu.memref_squeeze %dma_wait3A_55 : memref<1x80x128xbf16, #tpu.memory_space<vmem>> -> memref<80x128xbf16, #tpu.memory_space<vmem>>
    %dma_wait3A_57 = arith.constant 0 : i32
    %dma_wait3A_58 = tpu.memref_slice %arg8[%dma_wait3A_52, %dma_wait3A_57] : memref<125x80xi32, #tpu.memory_space<vmem>> -> memref<1x80xi32, #tpu.memory_space<vmem>>
    %dma_wait3A_59 = tpu.memref_squeeze %dma_wait3A_58 : memref<1x80xi32, #tpu.memory_space<vmem>> -> memref<80xi32, #tpu.memory_space<vmem>>
    %dma_wait3A_60 = arith.constant 0 : i32
    %dma_wait3A_61 = arith.constant 0 : i32
    %dma_wait3A_62 = tpu.memref_slice %arg11[%dma_wait3A_60, %dma_wait3A_61] : memref<10000x128xbf16, #tpu.memory_space<vmem_shared>> -> memref<10000x128xbf16, #tpu.memory_space<vmem_shared>>
    tpu.wait_indirect_dma semaphore(%arg19 : memref<!tpu.dma_semaphore, #tpu.memory_space<semaphore_mem>>) src(%dma_wait3A_56 : memref<80x128xbf16, #tpu.memory_space<vmem>>) dst(%dma_wait3A_62 : memref<10000x128xbf16, #tpu.memory_space<vmem_shared>>)
    %dma_wait3A_63 = arith.constant 3 : i32
    %dma_wait3A_64 = arith.constant 0 : i32
    %dma_wait3A_65 = arith.constant 0 : i32
    %dma_wait3A_66 = arith.constant 0 : i32
    %dma_wait3A_67 = tpu.memref_slice %arg9[%dma_wait3A_63, %dma_wait3A_65, %dma_wait3A_66] : memref<5x80x128xbf16, #tpu.memory_space<vmem>> -> memref<1x80x128xbf16, #tpu.memory_space<vmem>>
    %dma_wait3A_68 = tpu.memref_squeeze %dma_wait3A_67 : memref<1x80x128xbf16, #tpu.memory_space<vmem>> -> memref<80x128xbf16, #tpu.memory_space<vmem>>
    %dma_wait3A_69 = arith.constant 0 : i32
    %dma_wait3A_70 = tpu.memref_slice %arg8[%dma_wait3A_64, %dma_wait3A_69] : memref<125x80xi32, #tpu.memory_space<vmem>> -> memref<1x80xi32, #tpu.memory_space<vmem>>
    %dma_wait3A_71 = tpu.memref_squeeze %dma_wait3A_70 : memref<1x80xi32, #tpu.memory_space<vmem>> -> memref<80xi32, #tpu.memory_space<vmem>>
    %dma_wait3A_72 = arith.constant 0 : i32
    %dma_wait3A_73 = arith.constant 0 : i32
    %dma_wait3A_74 = tpu.memref_slice %arg11[%dma_wait3A_72, %dma_wait3A_73] : memref<10000x128xbf16, #tpu.memory_space<vmem_shared>> -> memref<10000x128xbf16, #tpu.memory_space<vmem_shared>>
    tpu.wait_indirect_dma semaphore(%arg20 : memref<!tpu.dma_semaphore, #tpu.memory_space<semaphore_mem>>) src(%dma_wait3A_68 : memref<80x128xbf16, #tpu.memory_space<vmem>>) dst(%dma_wait3A_74 : memref<10000x128xbf16, #tpu.memory_space<vmem_shared>>)
    %dma_wait3A_75 = arith.constant 4 : i32
    %dma_wait3A_76 = arith.constant 0 : i32
    %dma_wait3A_77 = arith.constant 0 : i32
    %dma_wait3A_78 = arith.constant 0 : i32
    %dma_wait3A_79 = tpu.memref_slice %arg9[%dma_wait3A_75, %dma_wait3A_77, %dma_wait3A_78] : memref<5x80x128xbf16, #tpu.memory_space<vmem>> -> memref<1x80x128xbf16, #tpu.memory_space<vmem>>
    %dma_wait3A_80 = tpu.memref_squeeze %dma_wait3A_79 : memref<1x80x128xbf16, #tpu.memory_space<vmem>> -> memref<80x128xbf16, #tpu.memory_space<vmem>>
    %dma_wait3A_81 = arith.constant 0 : i32
    %dma_wait3A_82 = tpu.memref_slice %arg8[%dma_wait3A_76, %dma_wait3A_81] : memref<125x80xi32, #tpu.memory_space<vmem>> -> memref<1x80xi32, #tpu.memory_space<vmem>>
    %dma_wait3A_83 = tpu.memref_squeeze %dma_wait3A_82 : memref<1x80xi32, #tpu.memory_space<vmem>> -> memref<80xi32, #tpu.memory_space<vmem>>
    %dma_wait3A_84 = arith.constant 0 : i32
    %dma_wait3A_85 = arith.constant 0 : i32
    %dma_wait3A_86 = tpu.memref_slice %arg11[%dma_wait3A_84, %dma_wait3A_85] : memref<10000x128xbf16, #tpu.memory_space<vmem_shared>> -> memref<10000x128xbf16, #tpu.memory_space<vmem_shared>>
    tpu.wait_indirect_dma semaphore(%arg21 : memref<!tpu.dma_semaphore, #tpu.memory_space<semaphore_mem>>) src(%dma_wait3A_80 : memref<80x128xbf16, #tpu.memory_space<vmem>>) dst(%dma_wait3A_86 : memref<10000x128xbf16, #tpu.memory_space<vmem_shared>>)
    %barrier3A_87 = arith.constant 0 : index
    tpu.barrier barrier_id(%barrier3A_87)
    %eq3A_88 = arith.constant 0 : i32
    %eq3A_89 = arith.cmpi eq, %arg0, %eq3A_88 : i32
    %convert_element_type3A_90 = arith.extui %eq3A_89 : i1 to i32
    %cond3A_91 = arith.constant 0 : i32
    %cond3A_92 = arith.cmpi ne, %convert_element_type3A_90, %cond3A_91 : i32
    scf.if %cond3A_92 {
      "tpu.region"() ({
        %run_scoped3A = tpu.sem_alloc : memref<!tpu.dma_semaphore, #tpu.memory_space<semaphore_mem>>
        %dma_start3A = arith.constant 0 : i32
        %dma_start3A_103 = tpu.memref_slice %arg5[%multiple_of3A, %dma_start3A] : memref<10000x128xbf16, #tpu.memory_space<hbm>> -> memref<624x128xbf16, #tpu.memory_space<hbm>>
        %dma_start3A_104 = arith.constant 0 : i32
        %dma_start3A_105 = tpu.memref_slice %arg11[%multiple_of3A, %dma_start3A_104] : memref<10000x128xbf16, #tpu.memory_space<vmem_shared>> -> memref<624x128xbf16, #tpu.memory_space<vmem_shared>>
        tpu.enqueue_dma source(%dma_start3A_105 : memref<624x128xbf16, #tpu.memory_space<vmem_shared>>) target(%dma_start3A_103 : memref<624x128xbf16, #tpu.memory_space<hbm>>) target_semaphore(%run_scoped3A : memref<!tpu.dma_semaphore, #tpu.memory_space<semaphore_mem>>)
        %dma_wait3A_106 = arith.constant 0 : i32
        %dma_wait3A_107 = tpu.memref_slice %arg5[%multiple_of3A, %dma_wait3A_106] : memref<10000x128xbf16, #tpu.memory_space<hbm>> -> memref<624x128xbf16, #tpu.memory_space<hbm>>
        %dma_wait3A_108 = arith.constant 0 : i32
        %dma_wait3A_109 = tpu.memref_slice %arg11[%multiple_of3A, %dma_wait3A_108] : memref<10000x128xbf16, #tpu.memory_space<vmem_shared>> -> memref<624x128xbf16, #tpu.memory_space<vmem_shared>>
        tpu.wait_dma2 semaphore(%run_scoped3A : memref<!tpu.dma_semaphore, #tpu.memory_space<semaphore_mem>>) src(%dma_wait3A_109 : memref<624x128xbf16, #tpu.memory_space<vmem_shared>>) dst(%dma_wait3A_107 : memref<624x128xbf16, #tpu.memory_space<hbm>>)
        tpu.yield
      }) : () -> ()
      %eq3A_98 = arith.constant 15 : i32
      %eq3A_99 = arith.cmpi eq, %arg1, %eq3A_98 : i32
      %convert_element_type3A_100 = arith.extui %eq3A_99 : i1 to i32
      %cond3A_101 = arith.constant 0 : i32
      %cond3A_102 = arith.cmpi ne, %convert_element_type3A_100, %cond3A_101 : i32
      scf.if %cond3A_102 {
        "tpu.region"() ({
          %run_scoped3A = tpu.sem_alloc : memref<!tpu.dma_semaphore, #tpu.memory_space<semaphore_mem>>
          %dma_start3A = arith.constant 9984 : i32
          %dma_start3A_103 = arith.constant 0 : i32
          %dma_start3A_104 = tpu.memref_slice %arg5[%dma_start3A, %dma_start3A_103] : memref<10000x128xbf16, #tpu.memory_space<hbm>> -> memref<16x128xbf16, #tpu.memory_space<hbm>>
          %dma_start3A_105 = arith.constant 9984 : i32
          %dma_start3A_106 = arith.constant 0 : i32
          %dma_start3A_107 = tpu.memref_slice %arg11[%dma_start3A_105, %dma_start3A_106] : memref<10000x128xbf16, #tpu.memory_space<vmem_shared>> -> memref<16x128xbf16, #tpu.memory_space<vmem_shared>>
          tpu.enqueue_dma source(%dma_start3A_107 : memref<16x128xbf16, #tpu.memory_space<vmem_shared>>) target(%dma_start3A_104 : memref<16x128xbf16, #tpu.memory_space<hbm>>) target_semaphore(%run_scoped3A : memref<!tpu.dma_semaphore, #tpu.memory_space<semaphore_mem>>)
          %dma_wait3A_108 = arith.constant 9984 : i32
          %dma_wait3A_109 = arith.constant 0 : i32
          %dma_wait3A_110 = tpu.memref_slice %arg5[%dma_wait3A_108, %dma_wait3A_109] : memref<10000x128xbf16, #tpu.memory_space<hbm>> -> memref<16x128xbf16, #tpu.memory_space<hbm>>
          %dma_wait3A_111 = arith.constant 9984 : i32
          %dma_wait3A_112 = arith.constant 0 : i32
          %dma_wait3A_113 = tpu.memref_slice %arg11[%dma_wait3A_111, %dma_wait3A_112] : memref<10000x128xbf16, #tpu.memory_space<vmem_shared>> -> memref<16x128xbf16, #tpu.memory_space<vmem_shared>>
          tpu.wait_dma2 semaphore(%run_scoped3A : memref<!tpu.dma_semaphore, #tpu.memory_space<semaphore_mem>>) src(%dma_wait3A_113 : memref<16x128xbf16, #tpu.memory_space<vmem_shared>>) dst(%dma_wait3A_110 : memref<16x128xbf16, #tpu.memory_space<hbm>>)
          tpu.yield
        }) : () -> ()
      } else {
      }
    } else {
    }
    %eq3A_93 = arith.constant 1 : i32
    %eq3A_94 = arith.cmpi eq, %arg0, %eq3A_93 : i32
    %convert_element_type3A_95 = arith.extui %eq3A_94 : i1 to i32
    %cond3A_96 = arith.constant 0 : i32
    %cond3A_97 = arith.cmpi ne, %convert_element_type3A_95, %cond3A_96 : i32
    scf.if %cond3A_97 {
      "tpu.region"() ({
        %run_scoped3A = tpu.sem_alloc : memref<!tpu.dma_semaphore, #tpu.memory_space<semaphore_mem>>
        %dma_start3A = arith.constant 0 : i32
        %dma_start3A_103 = tpu.memref_slice %arg6[%multiple_of3A, %dma_start3A] : memref<10000x128xbf16, #tpu.memory_space<hbm>> -> memref<624x128xbf16, #tpu.memory_space<hbm>>
        %dma_start3A_104 = arith.constant 0 : i32
        %dma_start3A_105 = tpu.memref_slice %arg11[%multiple_of3A, %dma_start3A_104] : memref<10000x128xbf16, #tpu.memory_space<vmem_shared>> -> memref<624x128xbf16, #tpu.memory_space<vmem_shared>>
        tpu.enqueue_dma source(%dma_start3A_105 : memref<624x128xbf16, #tpu.memory_space<vmem_shared>>) target(%dma_start3A_103 : memref<624x128xbf16, #tpu.memory_space<hbm>>) target_semaphore(%run_scoped3A : memref<!tpu.dma_semaphore, #tpu.memory_space<semaphore_mem>>)
        %dma_wait3A_106 = arith.constant 0 : i32
        %dma_wait3A_107 = tpu.memref_slice %arg6[%multiple_of3A, %dma_wait3A_106] : memref<10000x128xbf16, #tpu.memory_space<hbm>> -> memref<624x128xbf16, #tpu.memory_space<hbm>>
        %dma_wait3A_108 = arith.constant 0 : i32
        %dma_wait3A_109 = tpu.memref_slice %arg11[%multiple_of3A, %dma_wait3A_108] : memref<10000x128xbf16, #tpu.memory_space<vmem_shared>> -> memref<624x128xbf16, #tpu.memory_space<vmem_shared>>
        tpu.wait_dma2 semaphore(%run_scoped3A : memref<!tpu.dma_semaphore, #tpu.memory_space<semaphore_mem>>) src(%dma_wait3A_109 : memref<624x128xbf16, #tpu.memory_space<vmem_shared>>) dst(%dma_wait3A_107 : memref<624x128xbf16, #tpu.memory_space<hbm>>)
        tpu.yield
      }) : () -> ()
      %eq3A_98 = arith.constant 15 : i32
      %eq3A_99 = arith.cmpi eq, %arg1, %eq3A_98 : i32
      %convert_element_type3A_100 = arith.extui %eq3A_99 : i1 to i32
      %cond3A_101 = arith.constant 0 : i32
      %cond3A_102 = arith.cmpi ne, %convert_element_type3A_100, %cond3A_101 : i32
      scf.if %cond3A_102 {
        "tpu.region"() ({
          %run_scoped3A = tpu.sem_alloc : memref<!tpu.dma_semaphore, #tpu.memory_space<semaphore_mem>>
          %dma_start3A = arith.constant 9984 : i32
          %dma_start3A_103 = arith.constant 0 : i32
          %dma_start3A_104 = tpu.memref_slice %arg6[%dma_start3A, %dma_start3A_103] : memref<10000x128xbf16, #tpu.memory_space<hbm>> -> memref<16x128xbf16, #tpu.memory_space<hbm>>
          %dma_start3A_105 = arith.constant 9984 : i32
          %dma_start3A_106 = arith.constant 0 : i32
          %dma_start3A_107 = tpu.memref_slice %arg11[%dma_start3A_105, %dma_start3A_106] : memref<10000x128xbf16, #tpu.memory_space<vmem_shared>> -> memref<16x128xbf16, #tpu.memory_space<vmem_shared>>
          tpu.enqueue_dma source(%dma_start3A_107 : memref<16x128xbf16, #tpu.memory_space<vmem_shared>>) target(%dma_start3A_104 : memref<16x128xbf16, #tpu.memory_space<hbm>>) target_semaphore(%run_scoped3A : memref<!tpu.dma_semaphore, #tpu.memory_space<semaphore_mem>>)
          %dma_wait3A_108 = arith.constant 9984 : i32
          %dma_wait3A_109 = arith.constant 0 : i32
          %dma_wait3A_110 = tpu.memref_slice %arg6[%dma_wait3A_108, %dma_wait3A_109] : memref<10000x128xbf16, #tpu.memory_space<hbm>> -> memref<16x128xbf16, #tpu.memory_space<hbm>>
          %dma_wait3A_111 = arith.constant 9984 : i32
          %dma_wait3A_112 = arith.constant 0 : i32
          %dma_wait3A_113 = tpu.memref_slice %arg11[%dma_wait3A_111, %dma_wait3A_112] : memref<10000x128xbf16, #tpu.memory_space<vmem_shared>> -> memref<16x128xbf16, #tpu.memory_space<vmem_shared>>
          tpu.wait_dma2 semaphore(%run_scoped3A : memref<!tpu.dma_semaphore, #tpu.memory_space<semaphore_mem>>) src(%dma_wait3A_113 : memref<16x128xbf16, #tpu.memory_space<vmem_shared>>) dst(%dma_wait3A_110 : memref<16x128xbf16, #tpu.memory_space<hbm>>)
          tpu.yield
        }) : () -> ()
      } else {
      }
    } else {
    }
    return
  }
}

#map = affine_map<(d0, d1) -> (0, 0)>
#map1 = affine_map<(d0, d1) -> (0, 0, 0)>
module attributes {stable_mosaic.version = 14 : i64} {
  func.func @_sc_body(%arg0: i32, %arg1: i32, %arg2: memref<10000x128xbf16, #tpu.memory_space<hbm>>, %arg3: memref<32x125x80xi32, #tpu.memory_space<hbm>>, %arg4: memref<32x125x80xi32, #tpu.memory_space<hbm>>, %arg5: memref<10000x128xbf16, #tpu.memory_space<hbm>>, %arg6: memref<10000x128xbf16, #tpu.memory_space<hbm>>, %arg7: memref<10000x16xf32, #tpu.memory_space<hbm>>, %arg8: memref<10000x16xf32, #tpu.memory_space<hbm>>, %arg9: memref<125x80xi32, #tpu.memory_space<vmem>>, %arg10: memref<125x80xi32, #tpu.memory_space<vmem>>, %arg11: memref<5x80x128xbf16, #tpu.memory_space<vmem>>, %arg12: memref<80x16xf32, #tpu.memory_space<vmem>>, %arg13: memref<104x128xbf16, #tpu.memory_space<vmem>>, %arg14: memref<104x16xf32, #tpu.memory_space<vmem>>, %arg15: memref<10000x128xbf16, #tpu.memory_space<vmem_shared>>, %arg16: memref<10000x16xf32, #tpu.memory_space<vmem_shared>>, %arg17: memref<!tpu.dma_semaphore, #tpu.memory_space<semaphore_mem>>, %arg18: memref<!tpu.dma_semaphore, #tpu.memory_space<semaphore_mem>>, %arg19: memref<!tpu.dma_semaphore, #tpu.memory_space<semaphore_mem>>, %arg20: memref<!tpu.dma_semaphore, #tpu.memory_space<semaphore_mem>>, %arg21: memref<!tpu.dma_semaphore, #tpu.memory_space<semaphore_mem>>, %arg22: memref<!tpu.dma_semaphore, #tpu.memory_space<semaphore_mem>>, %arg23: memref<!tpu.dma_semaphore, #tpu.memory_space<semaphore_mem>>, %arg24: memref<!tpu.dma_semaphore, #tpu.memory_space<semaphore_mem>>, %arg25: memref<!tpu.dma_semaphore, #tpu.memory_space<semaphore_mem>>, %arg26: memref<!tpu.dma_semaphore, #tpu.memory_space<semaphore_mem>>, %arg27: memref<!tpu.dma_semaphore, #tpu.memory_space<semaphore_mem>>, %arg28: memref<!tpu.dma_semaphore, #tpu.memory_space<semaphore_mem>>, %arg29: memref<!tpu.dma_semaphore, #tpu.memory_space<semaphore_mem>>, %arg30: memref<!tpu.dma_semaphore, #tpu.memory_space<semaphore_mem>>, %arg31: memref<!tpu.dma_semaphore, #tpu.memory_space<semaphore_mem>>) attributes {dimension_semantics = [#tpu.dimension_semantics<core_parallel>, #tpu.dimension_semantics<subcore_parallel>], iteration_bounds = array<i64: 2, 16>, scalar_prefetch = 0 : i64, scratch_operands = 23 : i64, tpu.core_type = #tpu.core_type<sc_vector_subcore>, window_params = [{transform_indices = #map}, {transform_indices = #map1}, {transform_indices = #map1}, {transform_indices = #map}, {transform_indices = #map}, {transform_indices = #map}, {transform_indices = #map}]} {
    %mul3A = arith.constant 16 : i32
    %mul3A_0 = arith.muli %arg0, %mul3A : i32
    %add3A = arith.addi %mul3A_0, %arg1 : i32
    %broadcast_in_dim3A = arith.constant 0.000000e+00 : f32
    %broadcast_in_dim3A_1 = vector.broadcast %broadcast_in_dim3A : f32 to vector<16xf32>
    %broadcast_in_dim3A_2 = arith.constant 0.000000e+00 : bf16
    %broadcast_in_dim3A_3 = vector.broadcast %broadcast_in_dim3A_2 : bf16 to vector<32xbf16>
    %mul3A_4 = arith.constant 624 : i32
    %mul3A_5 = arith.muli %arg1, %mul3A_4 : i32
    %multiple_of3A = tpu.assume_multiple %mul3A_5, 16 : i32
    %scan3A = arith.constant 0 : i32
    %scan3A_6 = arith.constant 0 : i32
    %scan3A_7 = arith.constant 104 : i32
    %scan3A_8 = arith.addi %scan3A_6, %scan3A_7 : i32
    %scan3A_9 = arith.constant 1 : i32
    %scan3A_10 = scf.for %scan3A_161 = %scan3A_6 to %scan3A_8 step %scan3A_9 iter_args(%scan3A_162 = %scan3A) -> (i32)  : i32 {
      %swap3A = arith.index_cast %scan3A_161 : i32 to index
      %swap3A_163 = arith.constant 0 : index
      %swap3A_164 = tpu.vector_load %arg13[%swap3A, %swap3A_163] {strides = array<i32>} : memref<104x128xbf16, #tpu.memory_space<vmem>>, vector<1x32xbf16>,
      %swap3A_165 = vector.shape_cast %swap3A_164 : vector<1x32xbf16> to vector<32xbf16>
      %swap3A_166 = vector.shape_cast %broadcast_in_dim3A_3 : vector<32xbf16> to vector<1x32xbf16>
      tpu.vector_store %arg13[%swap3A, %swap3A_163], %swap3A_166 {strides = array<i32>} : memref<104x128xbf16, #tpu.memory_space<vmem>>, vector<1x32xbf16>,
      %swap3A_167 = arith.index_cast %scan3A_161 : i32 to index
      %swap3A_168 = arith.constant 32 : index
      %swap3A_169 = tpu.vector_load %arg13[%swap3A_167, %swap3A_168] {strides = array<i32>} : memref<104x128xbf16, #tpu.memory_space<vmem>>, vector<1x32xbf16>,
      %swap3A_170 = vector.shape_cast %swap3A_169 : vector<1x32xbf16> to vector<32xbf16>
      %swap3A_171 = vector.shape_cast %broadcast_in_dim3A_3 : vector<32xbf16> to vector<1x32xbf16>
      tpu.vector_store %arg13[%swap3A_167, %swap3A_168], %swap3A_171 {strides = array<i32>} : memref<104x128xbf16, #tpu.memory_space<vmem>>, vector<1x32xbf16>,
      %swap3A_172 = arith.index_cast %scan3A_161 : i32 to index
      %swap3A_173 = arith.constant 64 : index
      %swap3A_174 = tpu.vector_load %arg13[%swap3A_172, %swap3A_173] {strides = array<i32>} : memref<104x128xbf16, #tpu.memory_space<vmem>>, vector<1x32xbf16>,
      %swap3A_175 = vector.shape_cast %swap3A_174 : vector<1x32xbf16> to vector<32xbf16>
      %swap3A_176 = vector.shape_cast %broadcast_in_dim3A_3 : vector<32xbf16> to vector<1x32xbf16>
      tpu.vector_store %arg13[%swap3A_172, %swap3A_173], %swap3A_176 {strides = array<i32>} : memref<104x128xbf16, #tpu.memory_space<vmem>>, vector<1x32xbf16>,
      %swap3A_177 = arith.index_cast %scan3A_161 : i32 to index
      %swap3A_178 = arith.constant 96 : index
      %swap3A_179 = tpu.vector_load %arg13[%swap3A_177, %swap3A_178] {strides = array<i32>} : memref<104x128xbf16, #tpu.memory_space<vmem>>, vector<1x32xbf16>,
      %swap3A_180 = vector.shape_cast %swap3A_179 : vector<1x32xbf16> to vector<32xbf16>
      %swap3A_181 = vector.shape_cast %broadcast_in_dim3A_3 : vector<32xbf16> to vector<1x32xbf16>
      tpu.vector_store %arg13[%swap3A_177, %swap3A_178], %swap3A_181 {strides = array<i32>} : memref<104x128xbf16, #tpu.memory_space<vmem>>, vector<1x32xbf16>,
      %scan3A_182 = arith.constant 0 : i32
      scf.yield %scan3A_182 : i32
    }
    %scan3A_11 = arith.constant 104 : i32
    %scan3A_12 = arith.constant 0 : i32
    %scan3A_13 = arith.constant 0 : i32
    %scan3A_14 = arith.constant 6 : i32
    %scan3A_15 = arith.addi %scan3A_13, %scan3A_14 : i32
    %scan3A_16 = arith.constant 1 : i32
    %scan3A_17 = scf.for %scan3A_161 = %scan3A_13 to %scan3A_15 step %scan3A_16 iter_args(%scan3A_162 = %scan3A_12) -> (i32)  : i32 {
      %mul3A_163 = arith.constant 104 : i32
      %mul3A_164 = arith.muli %scan3A_161, %mul3A_163 : i32
      %add3A_165 = arith.addi %multiple_of3A, %mul3A_164 : i32
      %multiple_of3A_166 = tpu.assume_multiple %add3A_165, 8 : i32
      "tpu.region"() ({
        %run_scoped3A = tpu.sem_alloc : memref<!tpu.dma_semaphore, #tpu.memory_space<semaphore_mem>>
        %dma_start3A = arith.constant 0 : i32
        %dma_start3A_168 = tpu.memref_slice %arg15[%multiple_of3A_166, %dma_start3A] : memref<10000x128xbf16, #tpu.memory_space<vmem_shared>> -> memref<104x128xbf16, #tpu.memory_space<vmem_shared>>
        %dma_start3A_169 = arith.constant 0 : i32
        %dma_start3A_170 = tpu.memref_slice %arg15[%multiple_of3A_166, %dma_start3A_169] : memref<10000x128xbf16, #tpu.memory_space<vmem_shared>> -> memref<104x128xbf16, #tpu.memory_space<vmem_shared>>
        tpu.enqueue_dma source(%arg13 : memref<104x128xbf16, #tpu.memory_space<vmem>>) target(%dma_start3A_170 : memref<104x128xbf16, #tpu.memory_space<vmem_shared>>) target_semaphore(%run_scoped3A : memref<!tpu.dma_semaphore, #tpu.memory_space<semaphore_mem>>)
        %dma_wait3A_171 = arith.constant 0 : i32
        %dma_wait3A_172 = tpu.memref_slice %arg15[%multiple_of3A_166, %dma_wait3A_171] : memref<10000x128xbf16, #tpu.memory_space<vmem_shared>> -> memref<104x128xbf16, #tpu.memory_space<vmem_shared>>
        %dma_wait3A_173 = arith.constant 0 : i32
        %dma_wait3A_174 = tpu.memref_slice %arg15[%multiple_of3A_166, %dma_wait3A_173] : memref<10000x128xbf16, #tpu.memory_space<vmem_shared>> -> memref<104x128xbf16, #tpu.memory_space<vmem_shared>>
        tpu.wait_dma2 semaphore(%run_scoped3A : memref<!tpu.dma_semaphore, #tpu.memory_space<semaphore_mem>>) src(%arg13 : memref<104x128xbf16, #tpu.memory_space<vmem>>) dst(%dma_wait3A_174 : memref<104x128xbf16, #tpu.memory_space<vmem_shared>>)
        tpu.yield
      }) : () -> ()
      %scan3A_167 = arith.constant 0 : i32
      scf.yield %scan3A_167 : i32
    }
    %scan3A_18 = arith.constant 6 : i32
    %eq3A = arith.constant 15 : i32
    %eq3A_19 = arith.cmpi eq, %arg1, %eq3A : i32
    %convert_element_type3A = arith.extui %eq3A_19 : i1 to i32
    %cond3A = arith.constant 0 : i32
    %cond3A_20 = arith.cmpi ne, %convert_element_type3A, %cond3A : i32
    scf.if %cond3A_20 {
      "tpu.region"() ({
        %run_scoped3A = tpu.sem_alloc : memref<!tpu.dma_semaphore, #tpu.memory_space<semaphore_mem>>
        %dma_start3A = arith.constant 0 : i32
        %dma_start3A_161 = arith.constant 0 : i32
        %dma_start3A_162 = tpu.memref_slice %arg13[%dma_start3A, %dma_start3A_161] : memref<104x128xbf16, #tpu.memory_space<vmem>> -> memref<16x128xbf16, #tpu.memory_space<vmem>>
        %dma_start3A_163 = arith.constant 9984 : i32
        %dma_start3A_164 = arith.constant 0 : i32
        %dma_start3A_165 = tpu.memref_slice %arg15[%dma_start3A_163, %dma_start3A_164] : memref<10000x128xbf16, #tpu.memory_space<vmem_shared>> -> memref<16x128xbf16, #tpu.memory_space<vmem_shared>>
        %dma_start3A_166 = arith.constant 9984 : i32
        %dma_start3A_167 = arith.constant 0 : i32
        %dma_start3A_168 = tpu.memref_slice %arg15[%dma_start3A_166, %dma_start3A_167] : memref<10000x128xbf16, #tpu.memory_space<vmem_shared>> -> memref<16x128xbf16, #tpu.memory_space<vmem_shared>>
        %dma_start3A_169 = arith.constant 0 : i32
        %dma_start3A_170 = arith.constant 0 : i32
        %dma_start3A_171 = tpu.memref_slice %arg13[%dma_start3A_169, %dma_start3A_170] : memref<104x128xbf16, #tpu.memory_space<vmem>> -> memref<16x128xbf16, #tpu.memory_space<vmem>>
        tpu.enqueue_dma source(%dma_start3A_171 : memref<16x128xbf16, #tpu.memory_space<vmem>>) target(%dma_start3A_168 : memref<16x128xbf16, #tpu.memory_space<vmem_shared>>) target_semaphore(%run_scoped3A : memref<!tpu.dma_semaphore, #tpu.memory_space<semaphore_mem>>)
        %dma_wait3A_172 = arith.constant 0 : i32
        %dma_wait3A_173 = arith.constant 0 : i32
        %dma_wait3A_174 = tpu.memref_slice %arg13[%dma_wait3A_172, %dma_wait3A_173] : memref<104x128xbf16, #tpu.memory_space<vmem>> -> memref<16x128xbf16, #tpu.memory_space<vmem>>
        %dma_wait3A_175 = arith.constant 9984 : i32
        %dma_wait3A_176 = arith.constant 0 : i32
        %dma_wait3A_177 = tpu.memref_slice %arg15[%dma_wait3A_175, %dma_wait3A_176] : memref<10000x128xbf16, #tpu.memory_space<vmem_shared>> -> memref<16x128xbf16, #tpu.memory_space<vmem_shared>>
        %dma_wait3A_178 = arith.constant 9984 : i32
        %dma_wait3A_179 = arith.constant 0 : i32
        %dma_wait3A_180 = tpu.memref_slice %arg15[%dma_wait3A_178, %dma_wait3A_179] : memref<10000x128xbf16, #tpu.memory_space<vmem_shared>> -> memref<16x128xbf16, #tpu.memory_space<vmem_shared>>
        %dma_wait3A_181 = arith.constant 0 : i32
        %dma_wait3A_182 = arith.constant 0 : i32
        %dma_wait3A_183 = tpu.memref_slice %arg13[%dma_wait3A_181, %dma_wait3A_182] : memref<104x128xbf16, #tpu.memory_space<vmem>> -> memref<16x128xbf16, #tpu.memory_space<vmem>>
        tpu.wait_dma2 semaphore(%run_scoped3A : memref<!tpu.dma_semaphore, #tpu.memory_space<semaphore_mem>>) src(%dma_wait3A_183 : memref<16x128xbf16, #tpu.memory_space<vmem>>) dst(%dma_wait3A_180 : memref<16x128xbf16, #tpu.memory_space<vmem_shared>>)
        tpu.yield
      }) : () -> ()
    } else {
    }
    %scan3A_21 = arith.constant 0 : i32
    %scan3A_22 = arith.constant 0 : i32
    %scan3A_23 = arith.constant 104 : i32
    %scan3A_24 = arith.addi %scan3A_22, %scan3A_23 : i32
    %scan3A_25 = arith.constant 1 : i32
    %scan3A_26 = scf.for %scan3A_161 = %scan3A_22 to %scan3A_24 step %scan3A_25 iter_args(%scan3A_162 = %scan3A_21) -> (i32)  : i32 {
      %swap3A = arith.index_cast %scan3A_161 : i32 to index
      %swap3A_163 = arith.constant 0 : index
      %swap3A_164 = tpu.vector_load %arg14[%swap3A, %swap3A_163] {strides = array<i32>} : memref<104x16xf32, #tpu.memory_space<vmem>>, vector<1x16xf32>,
      %swap3A_165 = vector.shape_cast %swap3A_164 : vector<1x16xf32> to vector<16xf32>
      %swap3A_166 = vector.shape_cast %broadcast_in_dim3A_1 : vector<16xf32> to vector<1x16xf32>
      tpu.vector_store %arg14[%swap3A, %swap3A_163], %swap3A_166 {strides = array<i32>} : memref<104x16xf32, #tpu.memory_space<vmem>>, vector<1x16xf32>,
      %scan3A_167 = arith.constant 0 : i32
      scf.yield %scan3A_167 : i32
    }
    %scan3A_27 = arith.constant 104 : i32
    %broadcast_in_dim3A_28 = arith.constant 1.000000e+00 : f32
    %broadcast_in_dim3A_29 = vector.broadcast %broadcast_in_dim3A_28 : f32 to vector<16xf32>
    %scan3A_30 = arith.constant 0 : i32
    %scan3A_31 = arith.constant 0 : i32
    %scan3A_32 = arith.constant 80 : i32
    %scan3A_33 = arith.addi %scan3A_31, %scan3A_32 : i32
    %scan3A_34 = arith.constant 1 : i32
    %scan3A_35 = scf.for %scan3A_161 = %scan3A_31 to %scan3A_33 step %scan3A_34 iter_args(%scan3A_162 = %scan3A_30) -> (i32)  : i32 {
      %swap3A = arith.index_cast %scan3A_161 : i32 to index
      %swap3A_163 = arith.constant 0 : index
      %swap3A_164 = tpu.vector_load %arg12[%swap3A, %swap3A_163] {strides = array<i32>} : memref<80x16xf32, #tpu.memory_space<vmem>>, vector<1x16xf32>,
      %swap3A_165 = vector.shape_cast %swap3A_164 : vector<1x16xf32> to vector<16xf32>
      %swap3A_166 = vector.shape_cast %broadcast_in_dim3A_29 : vector<16xf32> to vector<1x16xf32>
      tpu.vector_store %arg12[%swap3A, %swap3A_163], %swap3A_166 {strides = array<i32>} : memref<80x16xf32, #tpu.memory_space<vmem>>, vector<1x16xf32>,
      %scan3A_167 = arith.constant 0 : i32
      scf.yield %scan3A_167 : i32
    }
    %scan3A_36 = arith.constant 80 : i32
    %scan3A_37 = arith.constant 0 : i32
    %scan3A_38 = arith.constant 0 : i32
    %scan3A_39 = arith.constant 6 : i32
    %scan3A_40 = arith.addi %scan3A_38, %scan3A_39 : i32
    %scan3A_41 = arith.constant 1 : i32
    %scan3A_42 = scf.for %scan3A_161 = %scan3A_38 to %scan3A_40 step %scan3A_41 iter_args(%scan3A_162 = %scan3A_37) -> (i32)  : i32 {
      %mul3A_163 = arith.constant 104 : i32
      %mul3A_164 = arith.muli %scan3A_161, %mul3A_163 : i32
      %add3A_165 = arith.addi %multiple_of3A, %mul3A_164 : i32
      %multiple_of3A_166 = tpu.assume_multiple %add3A_165, 8 : i32
      "tpu.region"() ({
        %run_scoped3A = tpu.sem_alloc : memref<!tpu.dma_semaphore, #tpu.memory_space<semaphore_mem>>
        %dma_start3A = arith.constant 0 : i32
        %dma_start3A_168 = tpu.memref_slice %arg16[%multiple_of3A_166, %dma_start3A] : memref<10000x16xf32, #tpu.memory_space<vmem_shared>> -> memref<104x16xf32, #tpu.memory_space<vmem_shared>>
        %dma_start3A_169 = arith.constant 0 : i32
        %dma_start3A_170 = tpu.memref_slice %arg16[%multiple_of3A_166, %dma_start3A_169] : memref<10000x16xf32, #tpu.memory_space<vmem_shared>> -> memref<104x16xf32, #tpu.memory_space<vmem_shared>>
        tpu.enqueue_dma source(%arg14 : memref<104x16xf32, #tpu.memory_space<vmem>>) target(%dma_start3A_170 : memref<104x16xf32, #tpu.memory_space<vmem_shared>>) target_semaphore(%run_scoped3A : memref<!tpu.dma_semaphore, #tpu.memory_space<semaphore_mem>>)
        %dma_wait3A_171 = arith.constant 0 : i32
        %dma_wait3A_172 = tpu.memref_slice %arg16[%multiple_of3A_166, %dma_wait3A_171] : memref<10000x16xf32, #tpu.memory_space<vmem_shared>> -> memref<104x16xf32, #tpu.memory_space<vmem_shared>>
        %dma_wait3A_173 = arith.constant 0 : i32
        %dma_wait3A_174 = tpu.memref_slice %arg16[%multiple_of3A_166, %dma_wait3A_173] : memref<10000x16xf32, #tpu.memory_space<vmem_shared>> -> memref<104x16xf32, #tpu.memory_space<vmem_shared>>
        tpu.wait_dma2 semaphore(%run_scoped3A : memref<!tpu.dma_semaphore, #tpu.memory_space<semaphore_mem>>) src(%arg14 : memref<104x16xf32, #tpu.memory_space<vmem>>) dst(%dma_wait3A_174 : memref<104x16xf32, #tpu.memory_space<vmem_shared>>)
        tpu.yield
      }) : () -> ()
      %scan3A_167 = arith.constant 0 : i32
      scf.yield %scan3A_167 : i32
    }
    %scan3A_43 = arith.constant 6 : i32
    %eq3A_44 = arith.constant 15 : i32
    %eq3A_45 = arith.cmpi eq, %arg1, %eq3A_44 : i32
    %convert_element_type3A_46 = arith.extui %eq3A_45 : i1 to i32
    %cond3A_47 = arith.constant 0 : i32
    %cond3A_48 = arith.cmpi ne, %convert_element_type3A_46, %cond3A_47 : i32
    scf.if %cond3A_48 {
      "tpu.region"() ({
        %run_scoped3A = tpu.sem_alloc : memref<!tpu.dma_semaphore, #tpu.memory_space<semaphore_mem>>
        %dma_start3A = arith.constant 0 : i32
        %dma_start3A_161 = arith.constant 0 : i32
        %dma_start3A_162 = tpu.memref_slice %arg14[%dma_start3A, %dma_start3A_161] : memref<104x16xf32, #tpu.memory_space<vmem>> -> memref<16x16xf32, #tpu.memory_space<vmem>>
        %dma_start3A_163 = arith.constant 9984 : i32
        %dma_start3A_164 = arith.constant 0 : i32
        %dma_start3A_165 = tpu.memref_slice %arg16[%dma_start3A_163, %dma_start3A_164] : memref<10000x16xf32, #tpu.memory_space<vmem_shared>> -> memref<16x16xf32, #tpu.memory_space<vmem_shared>>
        %dma_start3A_166 = arith.constant 9984 : i32
        %dma_start3A_167 = arith.constant 0 : i32
        %dma_start3A_168 = tpu.memref_slice %arg16[%dma_start3A_166, %dma_start3A_167] : memref<10000x16xf32, #tpu.memory_space<vmem_shared>> -> memref<16x16xf32, #tpu.memory_space<vmem_shared>>
        %dma_start3A_169 = arith.constant 0 : i32
        %dma_start3A_170 = arith.constant 0 : i32
        %dma_start3A_171 = tpu.memref_slice %arg14[%dma_start3A_169, %dma_start3A_170] : memref<104x16xf32, #tpu.memory_space<vmem>> -> memref<16x16xf32, #tpu.memory_space<vmem>>
        tpu.enqueue_dma source(%dma_start3A_171 : memref<16x16xf32, #tpu.memory_space<vmem>>) target(%dma_start3A_168 : memref<16x16xf32, #tpu.memory_space<vmem_shared>>) target_semaphore(%run_scoped3A : memref<!tpu.dma_semaphore, #tpu.memory_space<semaphore_mem>>)
        %dma_wait3A_172 = arith.constant 0 : i32
        %dma_wait3A_173 = arith.constant 0 : i32
        %dma_wait3A_174 = tpu.memref_slice %arg14[%dma_wait3A_172, %dma_wait3A_173] : memref<104x16xf32, #tpu.memory_space<vmem>> -> memref<16x16xf32, #tpu.memory_space<vmem>>
        %dma_wait3A_175 = arith.constant 9984 : i32
        %dma_wait3A_176 = arith.constant 0 : i32
        %dma_wait3A_177 = tpu.memref_slice %arg16[%dma_wait3A_175, %dma_wait3A_176] : memref<10000x16xf32, #tpu.memory_space<vmem_shared>> -> memref<16x16xf32, #tpu.memory_space<vmem_shared>>
        %dma_wait3A_178 = arith.constant 9984 : i32
        %dma_wait3A_179 = arith.constant 0 : i32
        %dma_wait3A_180 = tpu.memref_slice %arg16[%dma_wait3A_178, %dma_wait3A_179] : memref<10000x16xf32, #tpu.memory_space<vmem_shared>> -> memref<16x16xf32, #tpu.memory_space<vmem_shared>>
        %dma_wait3A_181 = arith.constant 0 : i32
        %dma_wait3A_182 = arith.constant 0 : i32
        %dma_wait3A_183 = tpu.memref_slice %arg14[%dma_wait3A_181, %dma_wait3A_182] : memref<104x16xf32, #tpu.memory_space<vmem>> -> memref<16x16xf32, #tpu.memory_space<vmem>>
        tpu.wait_dma2 semaphore(%run_scoped3A : memref<!tpu.dma_semaphore, #tpu.memory_space<semaphore_mem>>) src(%dma_wait3A_183 : memref<16x16xf32, #tpu.memory_space<vmem>>) dst(%dma_wait3A_180 : memref<16x16xf32, #tpu.memory_space<vmem_shared>>)
        tpu.yield
      }) : () -> ()
    } else {
    }
    "tpu.region"() ({
      %run_scoped3A = tpu.sem_alloc : memref<!tpu.dma_semaphore, #tpu.memory_space<semaphore_mem>>
      %dma_start3A = arith.constant 0 : i32
      %dma_start3A_161 = arith.constant 0 : i32
      %dma_start3A_162 = tpu.memref_slice %arg3[%add3A, %dma_start3A, %dma_start3A_161] : memref<32x125x80xi32, #tpu.memory_space<hbm>> -> memref<1x125x80xi32, #tpu.memory_space<hbm>>
      %dma_start3A_163 = tpu.memref_squeeze %dma_start3A_162 : memref<1x125x80xi32, #tpu.memory_space<hbm>> -> memref<125x80xi32, #tpu.memory_space<hbm>>
      %dma_start3A_164 = arith.constant 0 : i32
      %dma_start3A_165 = arith.constant 0 : i32
      %dma_start3A_166 = tpu.memref_slice %arg3[%add3A, %dma_start3A_164, %dma_start3A_165] : memref<32x125x80xi32, #tpu.memory_space<hbm>> -> memref<1x125x80xi32, #tpu.memory_space<hbm>>
      %dma_start3A_167 = tpu.memref_squeeze %dma_start3A_166 : memref<1x125x80xi32, #tpu.memory_space<hbm>> -> memref<125x80xi32, #tpu.memory_space<hbm>>
      tpu.enqueue_dma source(%dma_start3A_167 : memref<125x80xi32, #tpu.memory_space<hbm>>) target(%arg9 : memref<125x80xi32, #tpu.memory_space<vmem>>) target_semaphore(%run_scoped3A : memref<!tpu.dma_semaphore, #tpu.memory_space<semaphore_mem>>)
      %dma_wait3A_168 = arith.constant 0 : i32
      %dma_wait3A_169 = arith.constant 0 : i32
      %dma_wait3A_170 = tpu.memref_slice %arg3[%add3A, %dma_wait3A_168, %dma_wait3A_169] : memref<32x125x80xi32, #tpu.memory_space<hbm>> -> memref<1x125x80xi32, #tpu.memory_space<hbm>>
      %dma_wait3A_171 = tpu.memref_squeeze %dma_wait3A_170 : memref<1x125x80xi32, #tpu.memory_space<hbm>> -> memref<125x80xi32, #tpu.memory_space<hbm>>
      %dma_wait3A_172 = arith.constant 0 : i32
      %dma_wait3A_173 = arith.constant 0 : i32
      %dma_wait3A_174 = tpu.memref_slice %arg3[%add3A, %dma_wait3A_172, %dma_wait3A_173] : memref<32x125x80xi32, #tpu.memory_space<hbm>> -> memref<1x125x80xi32, #tpu.memory_space<hbm>>
      %dma_wait3A_175 = tpu.memref_squeeze %dma_wait3A_174 : memref<1x125x80xi32, #tpu.memory_space<hbm>> -> memref<125x80xi32, #tpu.memory_space<hbm>>
      tpu.wait_dma2 semaphore(%run_scoped3A : memref<!tpu.dma_semaphore, #tpu.memory_space<semaphore_mem>>) src(%dma_wait3A_175 : memref<125x80xi32, #tpu.memory_space<hbm>>) dst(%arg9 : memref<125x80xi32, #tpu.memory_space<vmem>>)
      tpu.yield
    }) : () -> ()
    "tpu.region"() ({
      %run_scoped3A = tpu.sem_alloc : memref<!tpu.dma_semaphore, #tpu.memory_space<semaphore_mem>>
      %dma_start3A = arith.constant 0 : i32
      %dma_start3A_161 = arith.constant 0 : i32
      %dma_start3A_162 = tpu.memref_slice %arg4[%add3A, %dma_start3A, %dma_start3A_161] : memref<32x125x80xi32, #tpu.memory_space<hbm>> -> memref<1x125x80xi32, #tpu.memory_space<hbm>>
      %dma_start3A_163 = tpu.memref_squeeze %dma_start3A_162 : memref<1x125x80xi32, #tpu.memory_space<hbm>> -> memref<125x80xi32, #tpu.memory_space<hbm>>
      %dma_start3A_164 = arith.constant 0 : i32
      %dma_start3A_165 = arith.constant 0 : i32
      %dma_start3A_166 = tpu.memref_slice %arg4[%add3A, %dma_start3A_164, %dma_start3A_165] : memref<32x125x80xi32, #tpu.memory_space<hbm>> -> memref<1x125x80xi32, #tpu.memory_space<hbm>>
      %dma_start3A_167 = tpu.memref_squeeze %dma_start3A_166 : memref<1x125x80xi32, #tpu.memory_space<hbm>> -> memref<125x80xi32, #tpu.memory_space<hbm>>
      tpu.enqueue_dma source(%dma_start3A_167 : memref<125x80xi32, #tpu.memory_space<hbm>>) target(%arg10 : memref<125x80xi32, #tpu.memory_space<vmem>>) target_semaphore(%run_scoped3A : memref<!tpu.dma_semaphore, #tpu.memory_space<semaphore_mem>>)
      %dma_wait3A_168 = arith.constant 0 : i32
      %dma_wait3A_169 = arith.constant 0 : i32
      %dma_wait3A_170 = tpu.memref_slice %arg4[%add3A, %dma_wait3A_168, %dma_wait3A_169] : memref<32x125x80xi32, #tpu.memory_space<hbm>> -> memref<1x125x80xi32, #tpu.memory_space<hbm>>
      %dma_wait3A_171 = tpu.memref_squeeze %dma_wait3A_170 : memref<1x125x80xi32, #tpu.memory_space<hbm>> -> memref<125x80xi32, #tpu.memory_space<hbm>>
      %dma_wait3A_172 = arith.constant 0 : i32
      %dma_wait3A_173 = arith.constant 0 : i32
      %dma_wait3A_174 = tpu.memref_slice %arg4[%add3A, %dma_wait3A_172, %dma_wait3A_173] : memref<32x125x80xi32, #tpu.memory_space<hbm>> -> memref<1x125x80xi32, #tpu.memory_space<hbm>>
      %dma_wait3A_175 = tpu.memref_squeeze %dma_wait3A_174 : memref<1x125x80xi32, #tpu.memory_space<hbm>> -> memref<125x80xi32, #tpu.memory_space<hbm>>
      tpu.wait_dma2 semaphore(%run_scoped3A : memref<!tpu.dma_semaphore, #tpu.memory_space<semaphore_mem>>) src(%dma_wait3A_175 : memref<125x80xi32, #tpu.memory_space<hbm>>) dst(%arg10 : memref<125x80xi32, #tpu.memory_space<vmem>>)
      tpu.yield
    }) : () -> ()
    %barrier3A = arith.constant 0 : index
    tpu.barrier barrier_id(%barrier3A)
    %scan3A_49 = arith.constant 0 : i32
    %scan3A_50 = arith.constant 0 : i32
    %scan3A_51 = arith.constant 25 : i32
    %scan3A_52 = arith.addi %scan3A_50, %scan3A_51 : i32
    %scan3A_53 = arith.constant 1 : i32
    %scan3A_54 = scf.for %scan3A_161 = %scan3A_50 to %scan3A_52 step %scan3A_53 iter_args(%scan3A_162 = %scan3A_49) -> (i32)  : i32 {
      %mul3A_163 = arith.constant 5 : i32
      %mul3A_164 = arith.muli %scan3A_161, %mul3A_163 : i32
      %gt3A = arith.constant 0 : i32
      %gt3A_165 = arith.cmpi sgt, %scan3A_161, %gt3A : i32
      %convert_element_type3A_166 = arith.extui %gt3A_165 : i1 to i32
      %cond3A_167 = arith.constant 0 : i32
      %cond3A_168 = arith.cmpi ne, %convert_element_type3A_166, %cond3A_167 : i32
      scf.if %cond3A_168 {
        %dma_wait3A_394 = arith.constant 0 : i32
        %dma_wait3A_395 = arith.constant 0 : i32
        %dma_wait3A_396 = arith.constant 0 : i32
        %dma_wait3A_397 = arith.constant 0 : i32
        %dma_wait3A_398 = tpu.memref_slice %arg11[%dma_wait3A_394, %dma_wait3A_396, %dma_wait3A_397] : memref<5x80x128xbf16, #tpu.memory_space<vmem>> -> memref<1x80x128xbf16, #tpu.memory_space<vmem>>
        %dma_wait3A_399 = tpu.memref_squeeze %dma_wait3A_398 : memref<1x80x128xbf16, #tpu.memory_space<vmem>> -> memref<80x128xbf16, #tpu.memory_space<vmem>>
        %dma_wait3A_400 = arith.constant 0 : i32
        %dma_wait3A_401 = tpu.memref_slice %arg10[%dma_wait3A_395, %dma_wait3A_400] : memref<125x80xi32, #tpu.memory_space<vmem>> -> memref<1x80xi32, #tpu.memory_space<vmem>>
        %dma_wait3A_402 = tpu.memref_squeeze %dma_wait3A_401 : memref<1x80xi32, #tpu.memory_space<vmem>> -> memref<80xi32, #tpu.memory_space<vmem>>
        %dma_wait3A_403 = arith.constant 0 : i32
        %dma_wait3A_404 = arith.constant 0 : i32
        %dma_wait3A_405 = tpu.memref_slice %arg15[%dma_wait3A_403, %dma_wait3A_404] : memref<10000x128xbf16, #tpu.memory_space<vmem_shared>> -> memref<10000x128xbf16, #tpu.memory_space<vmem_shared>>
        tpu.wait_indirect_dma semaphore(%arg22 : memref<!tpu.dma_semaphore, #tpu.memory_space<semaphore_mem>>) src(%dma_wait3A_399 : memref<80x128xbf16, #tpu.memory_space<vmem>>) dst(%dma_wait3A_405 : memref<10000x128xbf16, #tpu.memory_space<vmem_shared>>)
        %dma_wait3A_406 = arith.constant 0 : i32
        %dma_wait3A_407 = arith.constant 0 : i32
        %dma_wait3A_408 = tpu.memref_slice %arg10[%dma_wait3A_406, %dma_wait3A_407] : memref<125x80xi32, #tpu.memory_space<vmem>> -> memref<1x80xi32, #tpu.memory_space<vmem>>
        %dma_wait3A_409 = tpu.memref_squeeze %dma_wait3A_408 : memref<1x80xi32, #tpu.memory_space<vmem>> -> memref<80xi32, #tpu.memory_space<vmem>>
        %dma_wait3A_410 = arith.constant 0 : i32
        %dma_wait3A_411 = arith.constant 0 : i32
        %dma_wait3A_412 = tpu.memref_slice %arg16[%dma_wait3A_410, %dma_wait3A_411] : memref<10000x16xf32, #tpu.memory_space<vmem_shared>> -> memref<10000x16xf32, #tpu.memory_space<vmem_shared>>
        tpu.wait_indirect_dma semaphore(%arg27 : memref<!tpu.dma_semaphore, #tpu.memory_space<semaphore_mem>>) src(%arg12 : memref<80x16xf32, #tpu.memory_space<vmem>>) dst(%dma_wait3A_412 : memref<10000x16xf32, #tpu.memory_space<vmem_shared>>)
        %dma_wait3A_413 = arith.constant 1 : i32
        %dma_wait3A_414 = arith.constant 0 : i32
        %dma_wait3A_415 = arith.constant 0 : i32
        %dma_wait3A_416 = arith.constant 0 : i32
        %dma_wait3A_417 = tpu.memref_slice %arg11[%dma_wait3A_413, %dma_wait3A_415, %dma_wait3A_416] : memref<5x80x128xbf16, #tpu.memory_space<vmem>> -> memref<1x80x128xbf16, #tpu.memory_space<vmem>>
        %dma_wait3A_418 = tpu.memref_squeeze %dma_wait3A_417 : memref<1x80x128xbf16, #tpu.memory_space<vmem>> -> memref<80x128xbf16, #tpu.memory_space<vmem>>
        %dma_wait3A_419 = arith.constant 0 : i32
        %dma_wait3A_420 = tpu.memref_slice %arg10[%dma_wait3A_414, %dma_wait3A_419] : memref<125x80xi32, #tpu.memory_space<vmem>> -> memref<1x80xi32, #tpu.memory_space<vmem>>
        %dma_wait3A_421 = tpu.memref_squeeze %dma_wait3A_420 : memref<1x80xi32, #tpu.memory_space<vmem>> -> memref<80xi32, #tpu.memory_space<vmem>>
        %dma_wait3A_422 = arith.constant 0 : i32
        %dma_wait3A_423 = arith.constant 0 : i32
        %dma_wait3A_424 = tpu.memref_slice %arg15[%dma_wait3A_422, %dma_wait3A_423] : memref<10000x128xbf16, #tpu.memory_space<vmem_shared>> -> memref<10000x128xbf16, #tpu.memory_space<vmem_shared>>
        tpu.wait_indirect_dma semaphore(%arg23 : memref<!tpu.dma_semaphore, #tpu.memory_space<semaphore_mem>>) src(%dma_wait3A_418 : memref<80x128xbf16, #tpu.memory_space<vmem>>) dst(%dma_wait3A_424 : memref<10000x128xbf16, #tpu.memory_space<vmem_shared>>)
        %dma_wait3A_425 = arith.constant 0 : i32
        %dma_wait3A_426 = arith.constant 0 : i32
        %dma_wait3A_427 = tpu.memref_slice %arg10[%dma_wait3A_425, %dma_wait3A_426] : memref<125x80xi32, #tpu.memory_space<vmem>> -> memref<1x80xi32, #tpu.memory_space<vmem>>
        %dma_wait3A_428 = tpu.memref_squeeze %dma_wait3A_427 : memref<1x80xi32, #tpu.memory_space<vmem>> -> memref<80xi32, #tpu.memory_space<vmem>>
        %dma_wait3A_429 = arith.constant 0 : i32
        %dma_wait3A_430 = arith.constant 0 : i32
        %dma_wait3A_431 = tpu.memref_slice %arg16[%dma_wait3A_429, %dma_wait3A_430] : memref<10000x16xf32, #tpu.memory_space<vmem_shared>> -> memref<10000x16xf32, #tpu.memory_space<vmem_shared>>
        tpu.wait_indirect_dma semaphore(%arg28 : memref<!tpu.dma_semaphore, #tpu.memory_space<semaphore_mem>>) src(%arg12 : memref<80x16xf32, #tpu.memory_space<vmem>>) dst(%dma_wait3A_431 : memref<10000x16xf32, #tpu.memory_space<vmem_shared>>)
        %dma_wait3A_432 = arith.constant 2 : i32
        %dma_wait3A_433 = arith.constant 0 : i32
        %dma_wait3A_434 = arith.constant 0 : i32
        %dma_wait3A_435 = arith.constant 0 : i32
        %dma_wait3A_436 = tpu.memref_slice %arg11[%dma_wait3A_432, %dma_wait3A_434, %dma_wait3A_435] : memref<5x80x128xbf16, #tpu.memory_space<vmem>> -> memref<1x80x128xbf16, #tpu.memory_space<vmem>>
        %dma_wait3A_437 = tpu.memref_squeeze %dma_wait3A_436 : memref<1x80x128xbf16, #tpu.memory_space<vmem>> -> memref<80x128xbf16, #tpu.memory_space<vmem>>
        %dma_wait3A_438 = arith.constant 0 : i32
        %dma_wait3A_439 = tpu.memref_slice %arg10[%dma_wait3A_433, %dma_wait3A_438] : memref<125x80xi32, #tpu.memory_space<vmem>> -> memref<1x80xi32, #tpu.memory_space<vmem>>
        %dma_wait3A_440 = tpu.memref_squeeze %dma_wait3A_439 : memref<1x80xi32, #tpu.memory_space<vmem>> -> memref<80xi32, #tpu.memory_space<vmem>>
        %dma_wait3A_441 = arith.constant 0 : i32
        %dma_wait3A_442 = arith.constant 0 : i32
        %dma_wait3A_443 = tpu.memref_slice %arg15[%dma_wait3A_441, %dma_wait3A_442] : memref<10000x128xbf16, #tpu.memory_space<vmem_shared>> -> memref<10000x128xbf16, #tpu.memory_space<vmem_shared>>
        tpu.wait_indirect_dma semaphore(%arg24 : memref<!tpu.dma_semaphore, #tpu.memory_space<semaphore_mem>>) src(%dma_wait3A_437 : memref<80x128xbf16, #tpu.memory_space<vmem>>) dst(%dma_wait3A_443 : memref<10000x128xbf16, #tpu.memory_space<vmem_shared>>)
        %dma_wait3A_444 = arith.constant 0 : i32
        %dma_wait3A_445 = arith.constant 0 : i32
        %dma_wait3A_446 = tpu.memref_slice %arg10[%dma_wait3A_444, %dma_wait3A_445] : memref<125x80xi32, #tpu.memory_space<vmem>> -> memref<1x80xi32, #tpu.memory_space<vmem>>
        %dma_wait3A_447 = tpu.memref_squeeze %dma_wait3A_446 : memref<1x80xi32, #tpu.memory_space<vmem>> -> memref<80xi32, #tpu.memory_space<vmem>>
        %dma_wait3A_448 = arith.constant 0 : i32
        %dma_wait3A_449 = arith.constant 0 : i32
        %dma_wait3A_450 = tpu.memref_slice %arg16[%dma_wait3A_448, %dma_wait3A_449] : memref<10000x16xf32, #tpu.memory_space<vmem_shared>> -> memref<10000x16xf32, #tpu.memory_space<vmem_shared>>
        tpu.wait_indirect_dma semaphore(%arg29 : memref<!tpu.dma_semaphore, #tpu.memory_space<semaphore_mem>>) src(%arg12 : memref<80x16xf32, #tpu.memory_space<vmem>>) dst(%dma_wait3A_450 : memref<10000x16xf32, #tpu.memory_space<vmem_shared>>)
        %dma_wait3A_451 = arith.constant 3 : i32
        %dma_wait3A_452 = arith.constant 0 : i32
        %dma_wait3A_453 = arith.constant 0 : i32
        %dma_wait3A_454 = arith.constant 0 : i32
        %dma_wait3A_455 = tpu.memref_slice %arg11[%dma_wait3A_451, %dma_wait3A_453, %dma_wait3A_454] : memref<5x80x128xbf16, #tpu.memory_space<vmem>> -> memref<1x80x128xbf16, #tpu.memory_space<vmem>>
        %dma_wait3A_456 = tpu.memref_squeeze %dma_wait3A_455 : memref<1x80x128xbf16, #tpu.memory_space<vmem>> -> memref<80x128xbf16, #tpu.memory_space<vmem>>
        %dma_wait3A_457 = arith.constant 0 : i32
        %dma_wait3A_458 = tpu.memref_slice %arg10[%dma_wait3A_452, %dma_wait3A_457] : memref<125x80xi32, #tpu.memory_space<vmem>> -> memref<1x80xi32, #tpu.memory_space<vmem>>
        %dma_wait3A_459 = tpu.memref_squeeze %dma_wait3A_458 : memref<1x80xi32, #tpu.memory_space<vmem>> -> memref<80xi32, #tpu.memory_space<vmem>>
        %dma_wait3A_460 = arith.constant 0 : i32
        %dma_wait3A_461 = arith.constant 0 : i32
        %dma_wait3A_462 = tpu.memref_slice %arg15[%dma_wait3A_460, %dma_wait3A_461] : memref<10000x128xbf16, #tpu.memory_space<vmem_shared>> -> memref<10000x128xbf16, #tpu.memory_space<vmem_shared>>
        tpu.wait_indirect_dma semaphore(%arg25 : memref<!tpu.dma_semaphore, #tpu.memory_space<semaphore_mem>>) src(%dma_wait3A_456 : memref<80x128xbf16, #tpu.memory_space<vmem>>) dst(%dma_wait3A_462 : memref<10000x128xbf16, #tpu.memory_space<vmem_shared>>)
        %dma_wait3A_463 = arith.constant 0 : i32
        %dma_wait3A_464 = arith.constant 0 : i32
        %dma_wait3A_465 = tpu.memref_slice %arg10[%dma_wait3A_463, %dma_wait3A_464] : memref<125x80xi32, #tpu.memory_space<vmem>> -> memref<1x80xi32, #tpu.memory_space<vmem>>
        %dma_wait3A_466 = tpu.memref_squeeze %dma_wait3A_465 : memref<1x80xi32, #tpu.memory_space<vmem>> -> memref<80xi32, #tpu.memory_space<vmem>>
        %dma_wait3A_467 = arith.constant 0 : i32
        %dma_wait3A_468 = arith.constant 0 : i32
        %dma_wait3A_469 = tpu.memref_slice %arg16[%dma_wait3A_467, %dma_wait3A_468] : memref<10000x16xf32, #tpu.memory_space<vmem_shared>> -> memref<10000x16xf32, #tpu.memory_space<vmem_shared>>
        tpu.wait_indirect_dma semaphore(%arg30 : memref<!tpu.dma_semaphore, #tpu.memory_space<semaphore_mem>>) src(%arg12 : memref<80x16xf32, #tpu.memory_space<vmem>>) dst(%dma_wait3A_469 : memref<10000x16xf32, #tpu.memory_space<vmem_shared>>)
        %dma_wait3A_470 = arith.constant 4 : i32
        %dma_wait3A_471 = arith.constant 0 : i32
        %dma_wait3A_472 = arith.constant 0 : i32
        %dma_wait3A_473 = arith.constant 0 : i32
        %dma_wait3A_474 = tpu.memref_slice %arg11[%dma_wait3A_470, %dma_wait3A_472, %dma_wait3A_473] : memref<5x80x128xbf16, #tpu.memory_space<vmem>> -> memref<1x80x128xbf16, #tpu.memory_space<vmem>>
        %dma_wait3A_475 = tpu.memref_squeeze %dma_wait3A_474 : memref<1x80x128xbf16, #tpu.memory_space<vmem>> -> memref<80x128xbf16, #tpu.memory_space<vmem>>
        %dma_wait3A_476 = arith.constant 0 : i32
        %dma_wait3A_477 = tpu.memref_slice %arg10[%dma_wait3A_471, %dma_wait3A_476] : memref<125x80xi32, #tpu.memory_space<vmem>> -> memref<1x80xi32, #tpu.memory_space<vmem>>
        %dma_wait3A_478 = tpu.memref_squeeze %dma_wait3A_477 : memref<1x80xi32, #tpu.memory_space<vmem>> -> memref<80xi32, #tpu.memory_space<vmem>>
        %dma_wait3A_479 = arith.constant 0 : i32
        %dma_wait3A_480 = arith.constant 0 : i32
        %dma_wait3A_481 = tpu.memref_slice %arg15[%dma_wait3A_479, %dma_wait3A_480] : memref<10000x128xbf16, #tpu.memory_space<vmem_shared>> -> memref<10000x128xbf16, #tpu.memory_space<vmem_shared>>
        tpu.wait_indirect_dma semaphore(%arg26 : memref<!tpu.dma_semaphore, #tpu.memory_space<semaphore_mem>>) src(%dma_wait3A_475 : memref<80x128xbf16, #tpu.memory_space<vmem>>) dst(%dma_wait3A_481 : memref<10000x128xbf16, #tpu.memory_space<vmem_shared>>)
        %dma_wait3A_482 = arith.constant 0 : i32
        %dma_wait3A_483 = arith.constant 0 : i32
        %dma_wait3A_484 = tpu.memref_slice %arg10[%dma_wait3A_482, %dma_wait3A_483] : memref<125x80xi32, #tpu.memory_space<vmem>> -> memref<1x80xi32, #tpu.memory_space<vmem>>
        %dma_wait3A_485 = tpu.memref_squeeze %dma_wait3A_484 : memref<1x80xi32, #tpu.memory_space<vmem>> -> memref<80xi32, #tpu.memory_space<vmem>>
        %dma_wait3A_486 = arith.constant 0 : i32
        %dma_wait3A_487 = arith.constant 0 : i32
        %dma_wait3A_488 = tpu.memref_slice %arg16[%dma_wait3A_486, %dma_wait3A_487] : memref<10000x16xf32, #tpu.memory_space<vmem_shared>> -> memref<10000x16xf32, #tpu.memory_space<vmem_shared>>
        tpu.wait_indirect_dma semaphore(%arg31 : memref<!tpu.dma_semaphore, #tpu.memory_space<semaphore_mem>>) src(%arg12 : memref<80x16xf32, #tpu.memory_space<vmem>>) dst(%dma_wait3A_488 : memref<10000x16xf32, #tpu.memory_space<vmem_shared>>)
      } else {
      }
      %add3A_169 = arith.constant 0 : i32
      %add3A_170 = arith.addi %mul3A_164, %add3A_169 : i32
      %dma_start3A = arith.constant 0 : i32
      %dma_start3A_171 = arith.constant 0 : i32
      %dma_start3A_172 = arith.constant 0 : i32
      %dma_start3A_173 = tpu.memref_slice %arg11[%dma_start3A, %dma_start3A_171, %dma_start3A_172] : memref<5x80x128xbf16, #tpu.memory_space<vmem>> -> memref<1x80x128xbf16, #tpu.memory_space<vmem>>
      %dma_start3A_174 = tpu.memref_squeeze %dma_start3A_173 : memref<1x80x128xbf16, #tpu.memory_space<vmem>> -> memref<80x128xbf16, #tpu.memory_space<vmem>>
      %dma_start3A_175 = arith.constant 0 : i32
      %dma_start3A_176 = tpu.memref_slice %arg9[%add3A_170, %dma_start3A_175] : memref<125x80xi32, #tpu.memory_space<vmem>> -> memref<1x80xi32, #tpu.memory_space<vmem>>
      %dma_start3A_177 = tpu.memref_squeeze %dma_start3A_176 : memref<1x80xi32, #tpu.memory_space<vmem>> -> memref<80xi32, #tpu.memory_space<vmem>>
      %dma_start3A_178 = arith.constant 0 : i32
      %dma_start3A_179 = arith.constant 0 : i32
      %dma_start3A_180 = tpu.memref_slice %arg2[%dma_start3A_178, %dma_start3A_179] : memref<10000x128xbf16, #tpu.memory_space<hbm>> -> memref<10000x128xbf16, #tpu.memory_space<hbm>>
      tpu.enqueue_indirect_dma source(%dma_start3A_180 : memref<10000x128xbf16, #tpu.memory_space<hbm>>) target(%dma_start3A_174 : memref<80x128xbf16, #tpu.memory_space<vmem>>) offsets(%dma_start3A_177 : memref<80xi32, #tpu.memory_space<vmem>>) semaphore(%arg17 : memref<!tpu.dma_semaphore, #tpu.memory_space<semaphore_mem>>)
      %add3A_181 = arith.constant 1 : i32
      %add3A_182 = arith.addi %mul3A_164, %add3A_181 : i32
      %dma_start3A_183 = arith.constant 1 : i32
      %dma_start3A_184 = arith.constant 0 : i32
      %dma_start3A_185 = arith.constant 0 : i32
      %dma_start3A_186 = tpu.memref_slice %arg11[%dma_start3A_183, %dma_start3A_184, %dma_start3A_185] : memref<5x80x128xbf16, #tpu.memory_space<vmem>> -> memref<1x80x128xbf16, #tpu.memory_space<vmem>>
      %dma_start3A_187 = tpu.memref_squeeze %dma_start3A_186 : memref<1x80x128xbf16, #tpu.memory_space<vmem>> -> memref<80x128xbf16, #tpu.memory_space<vmem>>
      %dma_start3A_188 = arith.constant 0 : i32
      %dma_start3A_189 = tpu.memref_slice %arg9[%add3A_182, %dma_start3A_188] : memref<125x80xi32, #tpu.memory_space<vmem>> -> memref<1x80xi32, #tpu.memory_space<vmem>>
      %dma_start3A_190 = tpu.memref_squeeze %dma_start3A_189 : memref<1x80xi32, #tpu.memory_space<vmem>> -> memref<80xi32, #tpu.memory_space<vmem>>
      %dma_start3A_191 = arith.constant 0 : i32
      %dma_start3A_192 = arith.constant 0 : i32
      %dma_start3A_193 = tpu.memref_slice %arg2[%dma_start3A_191, %dma_start3A_192] : memref<10000x128xbf16, #tpu.memory_space<hbm>> -> memref<10000x128xbf16, #tpu.memory_space<hbm>>
      tpu.enqueue_indirect_dma source(%dma_start3A_193 : memref<10000x128xbf16, #tpu.memory_space<hbm>>) target(%dma_start3A_187 : memref<80x128xbf16, #tpu.memory_space<vmem>>) offsets(%dma_start3A_190 : memref<80xi32, #tpu.memory_space<vmem>>) semaphore(%arg18 : memref<!tpu.dma_semaphore, #tpu.memory_space<semaphore_mem>>)
      %add3A_194 = arith.constant 2 : i32
      %add3A_195 = arith.addi %mul3A_164, %add3A_194 : i32
      %dma_start3A_196 = arith.constant 2 : i32
      %dma_start3A_197 = arith.constant 0 : i32
      %dma_start3A_198 = arith.constant 0 : i32
      %dma_start3A_199 = tpu.memref_slice %arg11[%dma_start3A_196, %dma_start3A_197, %dma_start3A_198] : memref<5x80x128xbf16, #tpu.memory_space<vmem>> -> memref<1x80x128xbf16, #tpu.memory_space<vmem>>
      %dma_start3A_200 = tpu.memref_squeeze %dma_start3A_199 : memref<1x80x128xbf16, #tpu.memory_space<vmem>> -> memref<80x128xbf16, #tpu.memory_space<vmem>>
      %dma_start3A_201 = arith.constant 0 : i32
      %dma_start3A_202 = tpu.memref_slice %arg9[%add3A_195, %dma_start3A_201] : memref<125x80xi32, #tpu.memory_space<vmem>> -> memref<1x80xi32, #tpu.memory_space<vmem>>
      %dma_start3A_203 = tpu.memref_squeeze %dma_start3A_202 : memref<1x80xi32, #tpu.memory_space<vmem>> -> memref<80xi32, #tpu.memory_space<vmem>>
      %dma_start3A_204 = arith.constant 0 : i32
      %dma_start3A_205 = arith.constant 0 : i32
      %dma_start3A_206 = tpu.memref_slice %arg2[%dma_start3A_204, %dma_start3A_205] : memref<10000x128xbf16, #tpu.memory_space<hbm>> -> memref<10000x128xbf16, #tpu.memory_space<hbm>>
      tpu.enqueue_indirect_dma source(%dma_start3A_206 : memref<10000x128xbf16, #tpu.memory_space<hbm>>) target(%dma_start3A_200 : memref<80x128xbf16, #tpu.memory_space<vmem>>) offsets(%dma_start3A_203 : memref<80xi32, #tpu.memory_space<vmem>>) semaphore(%arg19 : memref<!tpu.dma_semaphore, #tpu.memory_space<semaphore_mem>>)
      %add3A_207 = arith.constant 3 : i32
      %add3A_208 = arith.addi %mul3A_164, %add3A_207 : i32
      %dma_start3A_209 = arith.constant 3 : i32
      %dma_start3A_210 = arith.constant 0 : i32
      %dma_start3A_211 = arith.constant 0 : i32
      %dma_start3A_212 = tpu.memref_slice %arg11[%dma_start3A_209, %dma_start3A_210, %dma_start3A_211] : memref<5x80x128xbf16, #tpu.memory_space<vmem>> -> memref<1x80x128xbf16, #tpu.memory_space<vmem>>
      %dma_start3A_213 = tpu.memref_squeeze %dma_start3A_212 : memref<1x80x128xbf16, #tpu.memory_space<vmem>> -> memref<80x128xbf16, #tpu.memory_space<vmem>>
      %dma_start3A_214 = arith.constant 0 : i32
      %dma_start3A_215 = tpu.memref_slice %arg9[%add3A_208, %dma_start3A_214] : memref<125x80xi32, #tpu.memory_space<vmem>> -> memref<1x80xi32, #tpu.memory_space<vmem>>
      %dma_start3A_216 = tpu.memref_squeeze %dma_start3A_215 : memref<1x80xi32, #tpu.memory_space<vmem>> -> memref<80xi32, #tpu.memory_space<vmem>>
      %dma_start3A_217 = arith.constant 0 : i32
      %dma_start3A_218 = arith.constant 0 : i32
      %dma_start3A_219 = tpu.memref_slice %arg2[%dma_start3A_217, %dma_start3A_218] : memref<10000x128xbf16, #tpu.memory_space<hbm>> -> memref<10000x128xbf16, #tpu.memory_space<hbm>>
      tpu.enqueue_indirect_dma source(%dma_start3A_219 : memref<10000x128xbf16, #tpu.memory_space<hbm>>) target(%dma_start3A_213 : memref<80x128xbf16, #tpu.memory_space<vmem>>) offsets(%dma_start3A_216 : memref<80xi32, #tpu.memory_space<vmem>>) semaphore(%arg20 : memref<!tpu.dma_semaphore, #tpu.memory_space<semaphore_mem>>)
      %add3A_220 = arith.constant 4 : i32
      %add3A_221 = arith.addi %mul3A_164, %add3A_220 : i32
      %dma_start3A_222 = arith.constant 4 : i32
      %dma_start3A_223 = arith.constant 0 : i32
      %dma_start3A_224 = arith.constant 0 : i32
      %dma_start3A_225 = tpu.memref_slice %arg11[%dma_start3A_222, %dma_start3A_223, %dma_start3A_224] : memref<5x80x128xbf16, #tpu.memory_space<vmem>> -> memref<1x80x128xbf16, #tpu.memory_space<vmem>>
      %dma_start3A_226 = tpu.memref_squeeze %dma_start3A_225 : memref<1x80x128xbf16, #tpu.memory_space<vmem>> -> memref<80x128xbf16, #tpu.memory_space<vmem>>
      %dma_start3A_227 = arith.constant 0 : i32
      %dma_start3A_228 = tpu.memref_slice %arg9[%add3A_221, %dma_start3A_227] : memref<125x80xi32, #tpu.memory_space<vmem>> -> memref<1x80xi32, #tpu.memory_space<vmem>>
      %dma_start3A_229 = tpu.memref_squeeze %dma_start3A_228 : memref<1x80xi32, #tpu.memory_space<vmem>> -> memref<80xi32, #tpu.memory_space<vmem>>
      %dma_start3A_230 = arith.constant 0 : i32
      %dma_start3A_231 = arith.constant 0 : i32
      %dma_start3A_232 = tpu.memref_slice %arg2[%dma_start3A_230, %dma_start3A_231] : memref<10000x128xbf16, #tpu.memory_space<hbm>> -> memref<10000x128xbf16, #tpu.memory_space<hbm>>
      tpu.enqueue_indirect_dma source(%dma_start3A_232 : memref<10000x128xbf16, #tpu.memory_space<hbm>>) target(%dma_start3A_226 : memref<80x128xbf16, #tpu.memory_space<vmem>>) offsets(%dma_start3A_229 : memref<80xi32, #tpu.memory_space<vmem>>) semaphore(%arg21 : memref<!tpu.dma_semaphore, #tpu.memory_space<semaphore_mem>>)
      %dma_wait3A_233 = arith.constant 0 : i32
      %dma_wait3A_234 = arith.constant 0 : i32
      %dma_wait3A_235 = arith.constant 0 : i32
      %dma_wait3A_236 = tpu.memref_slice %arg11[%dma_wait3A_233, %dma_wait3A_234, %dma_wait3A_235] : memref<5x80x128xbf16, #tpu.memory_space<vmem>> -> memref<1x80x128xbf16, #tpu.memory_space<vmem>>
      %dma_wait3A_237 = tpu.memref_squeeze %dma_wait3A_236 : memref<1x80x128xbf16, #tpu.memory_space<vmem>> -> memref<80x128xbf16, #tpu.memory_space<vmem>>
      %dma_wait3A_238 = arith.constant 0 : i32
      %dma_wait3A_239 = tpu.memref_slice %arg9[%add3A_170, %dma_wait3A_238] : memref<125x80xi32, #tpu.memory_space<vmem>> -> memref<1x80xi32, #tpu.memory_space<vmem>>
      %dma_wait3A_240 = tpu.memref_squeeze %dma_wait3A_239 : memref<1x80xi32, #tpu.memory_space<vmem>> -> memref<80xi32, #tpu.memory_space<vmem>>
      %dma_wait3A_241 = arith.constant 0 : i32
      %dma_wait3A_242 = arith.constant 0 : i32
      %dma_wait3A_243 = tpu.memref_slice %arg2[%dma_wait3A_241, %dma_wait3A_242] : memref<10000x128xbf16, #tpu.memory_space<hbm>> -> memref<10000x128xbf16, #tpu.memory_space<hbm>>
      tpu.wait_indirect_dma semaphore(%arg17 : memref<!tpu.dma_semaphore, #tpu.memory_space<semaphore_mem>>) src(%dma_wait3A_243 : memref<10000x128xbf16, #tpu.memory_space<hbm>>) dst(%dma_wait3A_237 : memref<80x128xbf16, #tpu.memory_space<vmem>>)
      %add3A_244 = arith.constant 0 : i32
      %add3A_245 = arith.addi %mul3A_164, %add3A_244 : i32
      %dma_start3A_246 = arith.constant 0 : i32
      %dma_start3A_247 = arith.constant 0 : i32
      %dma_start3A_248 = arith.constant 0 : i32
      %dma_start3A_249 = tpu.memref_slice %arg11[%dma_start3A_246, %dma_start3A_247, %dma_start3A_248] : memref<5x80x128xbf16, #tpu.memory_space<vmem>> -> memref<1x80x128xbf16, #tpu.memory_space<vmem>>
      %dma_start3A_250 = tpu.memref_squeeze %dma_start3A_249 : memref<1x80x128xbf16, #tpu.memory_space<vmem>> -> memref<80x128xbf16, #tpu.memory_space<vmem>>
      %dma_start3A_251 = arith.constant 0 : i32
      %dma_start3A_252 = tpu.memref_slice %arg10[%add3A_245, %dma_start3A_251] : memref<125x80xi32, #tpu.memory_space<vmem>> -> memref<1x80xi32, #tpu.memory_space<vmem>>
      %dma_start3A_253 = tpu.memref_squeeze %dma_start3A_252 : memref<1x80xi32, #tpu.memory_space<vmem>> -> memref<80xi32, #tpu.memory_space<vmem>>
      %dma_start3A_254 = arith.constant 0 : i32
      %dma_start3A_255 = arith.constant 0 : i32
      %dma_start3A_256 = tpu.memref_slice %arg15[%dma_start3A_254, %dma_start3A_255] : memref<10000x128xbf16, #tpu.memory_space<vmem_shared>> -> memref<10000x128xbf16, #tpu.memory_space<vmem_shared>>
      tpu.enqueue_indirect_dma source(%dma_start3A_250 : memref<80x128xbf16, #tpu.memory_space<vmem>>) target(%dma_start3A_256 : memref<10000x128xbf16, #tpu.memory_space<vmem_shared>>) offsets(%dma_start3A_253 : memref<80xi32, #tpu.memory_space<vmem>>) semaphore(%arg22 : memref<!tpu.dma_semaphore, #tpu.memory_space<semaphore_mem>>) {add = true}
      %add3A_257 = arith.constant 0 : i32
      %add3A_258 = arith.addi %mul3A_164, %add3A_257 : i32
      %dma_start3A_259 = arith.constant 0 : i32
      %dma_start3A_260 = tpu.memref_slice %arg10[%add3A_258, %dma_start3A_259] : memref<125x80xi32, #tpu.memory_space<vmem>> -> memref<1x80xi32, #tpu.memory_space<vmem>>
      %dma_start3A_261 = tpu.memref_squeeze %dma_start3A_260 : memref<1x80xi32, #tpu.memory_space<vmem>> -> memref<80xi32, #tpu.memory_space<vmem>>
      %dma_start3A_262 = arith.constant 0 : i32
      %dma_start3A_263 = arith.constant 0 : i32
      %dma_start3A_264 = tpu.memref_slice %arg16[%dma_start3A_262, %dma_start3A_263] : memref<10000x16xf32, #tpu.memory_space<vmem_shared>> -> memref<10000x16xf32, #tpu.memory_space<vmem_shared>>
      tpu.enqueue_indirect_dma source(%arg12 : memref<80x16xf32, #tpu.memory_space<vmem>>) target(%dma_start3A_264 : memref<10000x16xf32, #tpu.memory_space<vmem_shared>>) offsets(%dma_start3A_261 : memref<80xi32, #tpu.memory_space<vmem>>) semaphore(%arg27 : memref<!tpu.dma_semaphore, #tpu.memory_space<semaphore_mem>>) {add = true}
      %dma_wait3A_265 = arith.constant 1 : i32
      %dma_wait3A_266 = arith.constant 0 : i32
      %dma_wait3A_267 = arith.constant 0 : i32
      %dma_wait3A_268 = tpu.memref_slice %arg11[%dma_wait3A_265, %dma_wait3A_266, %dma_wait3A_267] : memref<5x80x128xbf16, #tpu.memory_space<vmem>> -> memref<1x80x128xbf16, #tpu.memory_space<vmem>>
      %dma_wait3A_269 = tpu.memref_squeeze %dma_wait3A_268 : memref<1x80x128xbf16, #tpu.memory_space<vmem>> -> memref<80x128xbf16, #tpu.memory_space<vmem>>
      %dma_wait3A_270 = arith.constant 0 : i32
      %dma_wait3A_271 = tpu.memref_slice %arg9[%add3A_182, %dma_wait3A_270] : memref<125x80xi32, #tpu.memory_space<vmem>> -> memref<1x80xi32, #tpu.memory_space<vmem>>
      %dma_wait3A_272 = tpu.memref_squeeze %dma_wait3A_271 : memref<1x80xi32, #tpu.memory_space<vmem>> -> memref<80xi32, #tpu.memory_space<vmem>>
      %dma_wait3A_273 = arith.constant 0 : i32
      %dma_wait3A_274 = arith.constant 0 : i32
      %dma_wait3A_275 = tpu.memref_slice %arg2[%dma_wait3A_273, %dma_wait3A_274] : memref<10000x128xbf16, #tpu.memory_space<hbm>> -> memref<10000x128xbf16, #tpu.memory_space<hbm>>
      tpu.wait_indirect_dma semaphore(%arg18 : memref<!tpu.dma_semaphore, #tpu.memory_space<semaphore_mem>>) src(%dma_wait3A_275 : memref<10000x128xbf16, #tpu.memory_space<hbm>>) dst(%dma_wait3A_269 : memref<80x128xbf16, #tpu.memory_space<vmem>>)
      %add3A_276 = arith.constant 1 : i32
      %add3A_277 = arith.addi %mul3A_164, %add3A_276 : i32
      %dma_start3A_278 = arith.constant 1 : i32
      %dma_start3A_279 = arith.constant 0 : i32
      %dma_start3A_280 = arith.constant 0 : i32
      %dma_start3A_281 = tpu.memref_slice %arg11[%dma_start3A_278, %dma_start3A_279, %dma_start3A_280] : memref<5x80x128xbf16, #tpu.memory_space<vmem>> -> memref<1x80x128xbf16, #tpu.memory_space<vmem>>
      %dma_start3A_282 = tpu.memref_squeeze %dma_start3A_281 : memref<1x80x128xbf16, #tpu.memory_space<vmem>> -> memref<80x128xbf16, #tpu.memory_space<vmem>>
      %dma_start3A_283 = arith.constant 0 : i32
      %dma_start3A_284 = tpu.memref_slice %arg10[%add3A_277, %dma_start3A_283] : memref<125x80xi32, #tpu.memory_space<vmem>> -> memref<1x80xi32, #tpu.memory_space<vmem>>
      %dma_start3A_285 = tpu.memref_squeeze %dma_start3A_284 : memref<1x80xi32, #tpu.memory_space<vmem>> -> memref<80xi32, #tpu.memory_space<vmem>>
      %dma_start3A_286 = arith.constant 0 : i32
      %dma_start3A_287 = arith.constant 0 : i32
      %dma_start3A_288 = tpu.memref_slice %arg15[%dma_start3A_286, %dma_start3A_287] : memref<10000x128xbf16, #tpu.memory_space<vmem_shared>> -> memref<10000x128xbf16, #tpu.memory_space<vmem_shared>>
      tpu.enqueue_indirect_dma source(%dma_start3A_282 : memref<80x128xbf16, #tpu.memory_space<vmem>>) target(%dma_start3A_288 : memref<10000x128xbf16, #tpu.memory_space<vmem_shared>>) offsets(%dma_start3A_285 : memref<80xi32, #tpu.memory_space<vmem>>) semaphore(%arg23 : memref<!tpu.dma_semaphore, #tpu.memory_space<semaphore_mem>>) {add = true}
      %add3A_289 = arith.constant 1 : i32
      %add3A_290 = arith.addi %mul3A_164, %add3A_289 : i32
      %dma_start3A_291 = arith.constant 0 : i32
      %dma_start3A_292 = tpu.memref_slice %arg10[%add3A_290, %dma_start3A_291] : memref<125x80xi32, #tpu.memory_space<vmem>> -> memref<1x80xi32, #tpu.memory_space<vmem>>
      %dma_start3A_293 = tpu.memref_squeeze %dma_start3A_292 : memref<1x80xi32, #tpu.memory_space<vmem>> -> memref<80xi32, #tpu.memory_space<vmem>>
      %dma_start3A_294 = arith.constant 0 : i32
      %dma_start3A_295 = arith.constant 0 : i32
      %dma_start3A_296 = tpu.memref_slice %arg16[%dma_start3A_294, %dma_start3A_295] : memref<10000x16xf32, #tpu.memory_space<vmem_shared>> -> memref<10000x16xf32, #tpu.memory_space<vmem_shared>>
      tpu.enqueue_indirect_dma source(%arg12 : memref<80x16xf32, #tpu.memory_space<vmem>>) target(%dma_start3A_296 : memref<10000x16xf32, #tpu.memory_space<vmem_shared>>) offsets(%dma_start3A_293 : memref<80xi32, #tpu.memory_space<vmem>>) semaphore(%arg28 : memref<!tpu.dma_semaphore, #tpu.memory_space<semaphore_mem>>) {add = true}
      %dma_wait3A_297 = arith.constant 2 : i32
      %dma_wait3A_298 = arith.constant 0 : i32
      %dma_wait3A_299 = arith.constant 0 : i32
      %dma_wait3A_300 = tpu.memref_slice %arg11[%dma_wait3A_297, %dma_wait3A_298, %dma_wait3A_299] : memref<5x80x128xbf16, #tpu.memory_space<vmem>> -> memref<1x80x128xbf16, #tpu.memory_space<vmem>>
      %dma_wait3A_301 = tpu.memref_squeeze %dma_wait3A_300 : memref<1x80x128xbf16, #tpu.memory_space<vmem>> -> memref<80x128xbf16, #tpu.memory_space<vmem>>
      %dma_wait3A_302 = arith.constant 0 : i32
      %dma_wait3A_303 = tpu.memref_slice %arg9[%add3A_195, %dma_wait3A_302] : memref<125x80xi32, #tpu.memory_space<vmem>> -> memref<1x80xi32, #tpu.memory_space<vmem>>
      %dma_wait3A_304 = tpu.memref_squeeze %dma_wait3A_303 : memref<1x80xi32, #tpu.memory_space<vmem>> -> memref<80xi32, #tpu.memory_space<vmem>>
      %dma_wait3A_305 = arith.constant 0 : i32
      %dma_wait3A_306 = arith.constant 0 : i32
      %dma_wait3A_307 = tpu.memref_slice %arg2[%dma_wait3A_305, %dma_wait3A_306] : memref<10000x128xbf16, #tpu.memory_space<hbm>> -> memref<10000x128xbf16, #tpu.memory_space<hbm>>
      tpu.wait_indirect_dma semaphore(%arg19 : memref<!tpu.dma_semaphore, #tpu.memory_space<semaphore_mem>>) src(%dma_wait3A_307 : memref<10000x128xbf16, #tpu.memory_space<hbm>>) dst(%dma_wait3A_301 : memref<80x128xbf16, #tpu.memory_space<vmem>>)
      %add3A_308 = arith.constant 2 : i32
      %add3A_309 = arith.addi %mul3A_164, %add3A_308 : i32
      %dma_start3A_310 = arith.constant 2 : i32
      %dma_start3A_311 = arith.constant 0 : i32
      %dma_start3A_312 = arith.constant 0 : i32
      %dma_start3A_313 = tpu.memref_slice %arg11[%dma_start3A_310, %dma_start3A_311, %dma_start3A_312] : memref<5x80x128xbf16, #tpu.memory_space<vmem>> -> memref<1x80x128xbf16, #tpu.memory_space<vmem>>
      %dma_start3A_314 = tpu.memref_squeeze %dma_start3A_313 : memref<1x80x128xbf16, #tpu.memory_space<vmem>> -> memref<80x128xbf16, #tpu.memory_space<vmem>>
      %dma_start3A_315 = arith.constant 0 : i32
      %dma_start3A_316 = tpu.memref_slice %arg10[%add3A_309, %dma_start3A_315] : memref<125x80xi32, #tpu.memory_space<vmem>> -> memref<1x80xi32, #tpu.memory_space<vmem>>
      %dma_start3A_317 = tpu.memref_squeeze %dma_start3A_316 : memref<1x80xi32, #tpu.memory_space<vmem>> -> memref<80xi32, #tpu.memory_space<vmem>>
      %dma_start3A_318 = arith.constant 0 : i32
      %dma_start3A_319 = arith.constant 0 : i32
      %dma_start3A_320 = tpu.memref_slice %arg15[%dma_start3A_318, %dma_start3A_319] : memref<10000x128xbf16, #tpu.memory_space<vmem_shared>> -> memref<10000x128xbf16, #tpu.memory_space<vmem_shared>>
      tpu.enqueue_indirect_dma source(%dma_start3A_314 : memref<80x128xbf16, #tpu.memory_space<vmem>>) target(%dma_start3A_320 : memref<10000x128xbf16, #tpu.memory_space<vmem_shared>>) offsets(%dma_start3A_317 : memref<80xi32, #tpu.memory_space<vmem>>) semaphore(%arg24 : memref<!tpu.dma_semaphore, #tpu.memory_space<semaphore_mem>>) {add = true}
      %add3A_321 = arith.constant 2 : i32
      %add3A_322 = arith.addi %mul3A_164, %add3A_321 : i32
      %dma_start3A_323 = arith.constant 0 : i32
      %dma_start3A_324 = tpu.memref_slice %arg10[%add3A_322, %dma_start3A_323] : memref<125x80xi32, #tpu.memory_space<vmem>> -> memref<1x80xi32, #tpu.memory_space<vmem>>
      %dma_start3A_325 = tpu.memref_squeeze %dma_start3A_324 : memref<1x80xi32, #tpu.memory_space<vmem>> -> memref<80xi32, #tpu.memory_space<vmem>>
      %dma_start3A_326 = arith.constant 0 : i32
      %dma_start3A_327 = arith.constant 0 : i32
      %dma_start3A_328 = tpu.memref_slice %arg16[%dma_start3A_326, %dma_start3A_327] : memref<10000x16xf32, #tpu.memory_space<vmem_shared>> -> memref<10000x16xf32, #tpu.memory_space<vmem_shared>>
      tpu.enqueue_indirect_dma source(%arg12 : memref<80x16xf32, #tpu.memory_space<vmem>>) target(%dma_start3A_328 : memref<10000x16xf32, #tpu.memory_space<vmem_shared>>) offsets(%dma_start3A_325 : memref<80xi32, #tpu.memory_space<vmem>>) semaphore(%arg29 : memref<!tpu.dma_semaphore, #tpu.memory_space<semaphore_mem>>) {add = true}
      %dma_wait3A_329 = arith.constant 3 : i32
      %dma_wait3A_330 = arith.constant 0 : i32
      %dma_wait3A_331 = arith.constant 0 : i32
      %dma_wait3A_332 = tpu.memref_slice %arg11[%dma_wait3A_329, %dma_wait3A_330, %dma_wait3A_331] : memref<5x80x128xbf16, #tpu.memory_space<vmem>> -> memref<1x80x128xbf16, #tpu.memory_space<vmem>>
      %dma_wait3A_333 = tpu.memref_squeeze %dma_wait3A_332 : memref<1x80x128xbf16, #tpu.memory_space<vmem>> -> memref<80x128xbf16, #tpu.memory_space<vmem>>
      %dma_wait3A_334 = arith.constant 0 : i32
      %dma_wait3A_335 = tpu.memref_slice %arg9[%add3A_208, %dma_wait3A_334] : memref<125x80xi32, #tpu.memory_space<vmem>> -> memref<1x80xi32, #tpu.memory_space<vmem>>
      %dma_wait3A_336 = tpu.memref_squeeze %dma_wait3A_335 : memref<1x80xi32, #tpu.memory_space<vmem>> -> memref<80xi32, #tpu.memory_space<vmem>>
      %dma_wait3A_337 = arith.constant 0 : i32
      %dma_wait3A_338 = arith.constant 0 : i32
      %dma_wait3A_339 = tpu.memref_slice %arg2[%dma_wait3A_337, %dma_wait3A_338] : memref<10000x128xbf16, #tpu.memory_space<hbm>> -> memref<10000x128xbf16, #tpu.memory_space<hbm>>
      tpu.wait_indirect_dma semaphore(%arg20 : memref<!tpu.dma_semaphore, #tpu.memory_space<semaphore_mem>>) src(%dma_wait3A_339 : memref<10000x128xbf16, #tpu.memory_space<hbm>>) dst(%dma_wait3A_333 : memref<80x128xbf16, #tpu.memory_space<vmem>>)
      %add3A_340 = arith.constant 3 : i32
      %add3A_341 = arith.addi %mul3A_164, %add3A_340 : i32
      %dma_start3A_342 = arith.constant 3 : i32
      %dma_start3A_343 = arith.constant 0 : i32
      %dma_start3A_344 = arith.constant 0 : i32
      %dma_start3A_345 = tpu.memref_slice %arg11[%dma_start3A_342, %dma_start3A_343, %dma_start3A_344] : memref<5x80x128xbf16, #tpu.memory_space<vmem>> -> memref<1x80x128xbf16, #tpu.memory_space<vmem>>
      %dma_start3A_346 = tpu.memref_squeeze %dma_start3A_345 : memref<1x80x128xbf16, #tpu.memory_space<vmem>> -> memref<80x128xbf16, #tpu.memory_space<vmem>>
      %dma_start3A_347 = arith.constant 0 : i32
      %dma_start3A_348 = tpu.memref_slice %arg10[%add3A_341, %dma_start3A_347] : memref<125x80xi32, #tpu.memory_space<vmem>> -> memref<1x80xi32, #tpu.memory_space<vmem>>
      %dma_start3A_349 = tpu.memref_squeeze %dma_start3A_348 : memref<1x80xi32, #tpu.memory_space<vmem>> -> memref<80xi32, #tpu.memory_space<vmem>>
      %dma_start3A_350 = arith.constant 0 : i32
      %dma_start3A_351 = arith.constant 0 : i32
      %dma_start3A_352 = tpu.memref_slice %arg15[%dma_start3A_350, %dma_start3A_351] : memref<10000x128xbf16, #tpu.memory_space<vmem_shared>> -> memref<10000x128xbf16, #tpu.memory_space<vmem_shared>>
      tpu.enqueue_indirect_dma source(%dma_start3A_346 : memref<80x128xbf16, #tpu.memory_space<vmem>>) target(%dma_start3A_352 : memref<10000x128xbf16, #tpu.memory_space<vmem_shared>>) offsets(%dma_start3A_349 : memref<80xi32, #tpu.memory_space<vmem>>) semaphore(%arg25 : memref<!tpu.dma_semaphore, #tpu.memory_space<semaphore_mem>>) {add = true}
      %add3A_353 = arith.constant 3 : i32
      %add3A_354 = arith.addi %mul3A_164, %add3A_353 : i32
      %dma_start3A_355 = arith.constant 0 : i32
      %dma_start3A_356 = tpu.memref_slice %arg10[%add3A_354, %dma_start3A_355] : memref<125x80xi32, #tpu.memory_space<vmem>> -> memref<1x80xi32, #tpu.memory_space<vmem>>
      %dma_start3A_357 = tpu.memref_squeeze %dma_start3A_356 : memref<1x80xi32, #tpu.memory_space<vmem>> -> memref<80xi32, #tpu.memory_space<vmem>>
      %dma_start3A_358 = arith.constant 0 : i32
      %dma_start3A_359 = arith.constant 0 : i32
      %dma_start3A_360 = tpu.memref_slice %arg16[%dma_start3A_358, %dma_start3A_359] : memref<10000x16xf32, #tpu.memory_space<vmem_shared>> -> memref<10000x16xf32, #tpu.memory_space<vmem_shared>>
      tpu.enqueue_indirect_dma source(%arg12 : memref<80x16xf32, #tpu.memory_space<vmem>>) target(%dma_start3A_360 : memref<10000x16xf32, #tpu.memory_space<vmem_shared>>) offsets(%dma_start3A_357 : memref<80xi32, #tpu.memory_space<vmem>>) semaphore(%arg30 : memref<!tpu.dma_semaphore, #tpu.memory_space<semaphore_mem>>) {add = true}
      %dma_wait3A_361 = arith.constant 4 : i32
      %dma_wait3A_362 = arith.constant 0 : i32
      %dma_wait3A_363 = arith.constant 0 : i32
      %dma_wait3A_364 = tpu.memref_slice %arg11[%dma_wait3A_361, %dma_wait3A_362, %dma_wait3A_363] : memref<5x80x128xbf16, #tpu.memory_space<vmem>> -> memref<1x80x128xbf16, #tpu.memory_space<vmem>>
      %dma_wait3A_365 = tpu.memref_squeeze %dma_wait3A_364 : memref<1x80x128xbf16, #tpu.memory_space<vmem>> -> memref<80x128xbf16, #tpu.memory_space<vmem>>
      %dma_wait3A_366 = arith.constant 0 : i32
      %dma_wait3A_367 = tpu.memref_slice %arg9[%add3A_221, %dma_wait3A_366] : memref<125x80xi32, #tpu.memory_space<vmem>> -> memref<1x80xi32, #tpu.memory_space<vmem>>
      %dma_wait3A_368 = tpu.memref_squeeze %dma_wait3A_367 : memref<1x80xi32, #tpu.memory_space<vmem>> -> memref<80xi32, #tpu.memory_space<vmem>>
      %dma_wait3A_369 = arith.constant 0 : i32
      %dma_wait3A_370 = arith.constant 0 : i32
      %dma_wait3A_371 = tpu.memref_slice %arg2[%dma_wait3A_369, %dma_wait3A_370] : memref<10000x128xbf16, #tpu.memory_space<hbm>> -> memref<10000x128xbf16, #tpu.memory_space<hbm>>
      tpu.wait_indirect_dma semaphore(%arg21 : memref<!tpu.dma_semaphore, #tpu.memory_space<semaphore_mem>>) src(%dma_wait3A_371 : memref<10000x128xbf16, #tpu.memory_space<hbm>>) dst(%dma_wait3A_365 : memref<80x128xbf16, #tpu.memory_space<vmem>>)
      %add3A_372 = arith.constant 4 : i32
      %add3A_373 = arith.addi %mul3A_164, %add3A_372 : i32
      %dma_start3A_374 = arith.constant 4 : i32
      %dma_start3A_375 = arith.constant 0 : i32
      %dma_start3A_376 = arith.constant 0 : i32
      %dma_start3A_377 = tpu.memref_slice %arg11[%dma_start3A_374, %dma_start3A_375, %dma_start3A_376] : memref<5x80x128xbf16, #tpu.memory_space<vmem>> -> memref<1x80x128xbf16, #tpu.memory_space<vmem>>
      %dma_start3A_378 = tpu.memref_squeeze %dma_start3A_377 : memref<1x80x128xbf16, #tpu.memory_space<vmem>> -> memref<80x128xbf16, #tpu.memory_space<vmem>>
      %dma_start3A_379 = arith.constant 0 : i32
      %dma_start3A_380 = tpu.memref_slice %arg10[%add3A_373, %dma_start3A_379] : memref<125x80xi32, #tpu.memory_space<vmem>> -> memref<1x80xi32, #tpu.memory_space<vmem>>
      %dma_start3A_381 = tpu.memref_squeeze %dma_start3A_380 : memref<1x80xi32, #tpu.memory_space<vmem>> -> memref<80xi32, #tpu.memory_space<vmem>>
      %dma_start3A_382 = arith.constant 0 : i32
      %dma_start3A_383 = arith.constant 0 : i32
      %dma_start3A_384 = tpu.memref_slice %arg15[%dma_start3A_382, %dma_start3A_383] : memref<10000x128xbf16, #tpu.memory_space<vmem_shared>> -> memref<10000x128xbf16, #tpu.memory_space<vmem_shared>>
      tpu.enqueue_indirect_dma source(%dma_start3A_378 : memref<80x128xbf16, #tpu.memory_space<vmem>>) target(%dma_start3A_384 : memref<10000x128xbf16, #tpu.memory_space<vmem_shared>>) offsets(%dma_start3A_381 : memref<80xi32, #tpu.memory_space<vmem>>) semaphore(%arg26 : memref<!tpu.dma_semaphore, #tpu.memory_space<semaphore_mem>>) {add = true}
      %add3A_385 = arith.constant 4 : i32
      %add3A_386 = arith.addi %mul3A_164, %add3A_385 : i32
      %dma_start3A_387 = arith.constant 0 : i32
      %dma_start3A_388 = tpu.memref_slice %arg10[%add3A_386, %dma_start3A_387] : memref<125x80xi32, #tpu.memory_space<vmem>> -> memref<1x80xi32, #tpu.memory_space<vmem>>
      %dma_start3A_389 = tpu.memref_squeeze %dma_start3A_388 : memref<1x80xi32, #tpu.memory_space<vmem>> -> memref<80xi32, #tpu.memory_space<vmem>>
      %dma_start3A_390 = arith.constant 0 : i32
      %dma_start3A_391 = arith.constant 0 : i32
      %dma_start3A_392 = tpu.memref_slice %arg16[%dma_start3A_390, %dma_start3A_391] : memref<10000x16xf32, #tpu.memory_space<vmem_shared>> -> memref<10000x16xf32, #tpu.memory_space<vmem_shared>>
      tpu.enqueue_indirect_dma source(%arg12 : memref<80x16xf32, #tpu.memory_space<vmem>>) target(%dma_start3A_392 : memref<10000x16xf32, #tpu.memory_space<vmem_shared>>) offsets(%dma_start3A_389 : memref<80xi32, #tpu.memory_space<vmem>>) semaphore(%arg31 : memref<!tpu.dma_semaphore, #tpu.memory_space<semaphore_mem>>) {add = true}
      %scan3A_393 = arith.constant 0 : i32
      scf.yield %scan3A_393 : i32
    }
    %scan3A_55 = arith.constant 25 : i32
    %dma_wait3A = arith.constant 0 : i32
    %dma_wait3A_56 = arith.constant 0 : i32
    %dma_wait3A_57 = arith.constant 0 : i32
    %dma_wait3A_58 = arith.constant 0 : i32
    %dma_wait3A_59 = tpu.memref_slice %arg11[%dma_wait3A, %dma_wait3A_57, %dma_wait3A_58] : memref<5x80x128xbf16, #tpu.memory_space<vmem>> -> memref<1x80x128xbf16, #tpu.memory_space<vmem>>
    %dma_wait3A_60 = tpu.memref_squeeze %dma_wait3A_59 : memref<1x80x128xbf16, #tpu.memory_space<vmem>> -> memref<80x128xbf16, #tpu.memory_space<vmem>>
    %dma_wait3A_61 = arith.constant 0 : i32
    %dma_wait3A_62 = tpu.memref_slice %arg10[%dma_wait3A_56, %dma_wait3A_61] : memref<125x80xi32, #tpu.memory_space<vmem>> -> memref<1x80xi32, #tpu.memory_space<vmem>>
    %dma_wait3A_63 = tpu.memref_squeeze %dma_wait3A_62 : memref<1x80xi32, #tpu.memory_space<vmem>> -> memref<80xi32, #tpu.memory_space<vmem>>
    %dma_wait3A_64 = arith.constant 0 : i32
    %dma_wait3A_65 = arith.constant 0 : i32
    %dma_wait3A_66 = tpu.memref_slice %arg15[%dma_wait3A_64, %dma_wait3A_65] : memref<10000x128xbf16, #tpu.memory_space<vmem_shared>> -> memref<10000x128xbf16, #tpu.memory_space<vmem_shared>>
    tpu.wait_indirect_dma semaphore(%arg22 : memref<!tpu.dma_semaphore, #tpu.memory_space<semaphore_mem>>) src(%dma_wait3A_60 : memref<80x128xbf16, #tpu.memory_space<vmem>>) dst(%dma_wait3A_66 : memref<10000x128xbf16, #tpu.memory_space<vmem_shared>>)
    %dma_wait3A_67 = arith.constant 0 : i32
    %dma_wait3A_68 = arith.constant 0 : i32
    %dma_wait3A_69 = tpu.memref_slice %arg10[%dma_wait3A_67, %dma_wait3A_68] : memref<125x80xi32, #tpu.memory_space<vmem>> -> memref<1x80xi32, #tpu.memory_space<vmem>>
    %dma_wait3A_70 = tpu.memref_squeeze %dma_wait3A_69 : memref<1x80xi32, #tpu.memory_space<vmem>> -> memref<80xi32, #tpu.memory_space<vmem>>
    %dma_wait3A_71 = arith.constant 0 : i32
    %dma_wait3A_72 = arith.constant 0 : i32
    %dma_wait3A_73 = tpu.memref_slice %arg16[%dma_wait3A_71, %dma_wait3A_72] : memref<10000x16xf32, #tpu.memory_space<vmem_shared>> -> memref<10000x16xf32, #tpu.memory_space<vmem_shared>>
    tpu.wait_indirect_dma semaphore(%arg27 : memref<!tpu.dma_semaphore, #tpu.memory_space<semaphore_mem>>) src(%arg12 : memref<80x16xf32, #tpu.memory_space<vmem>>) dst(%dma_wait3A_73 : memref<10000x16xf32, #tpu.memory_space<vmem_shared>>)
    %dma_wait3A_74 = arith.constant 1 : i32
    %dma_wait3A_75 = arith.constant 0 : i32
    %dma_wait3A_76 = arith.constant 0 : i32
    %dma_wait3A_77 = arith.constant 0 : i32
    %dma_wait3A_78 = tpu.memref_slice %arg11[%dma_wait3A_74, %dma_wait3A_76, %dma_wait3A_77] : memref<5x80x128xbf16, #tpu.memory_space<vmem>> -> memref<1x80x128xbf16, #tpu.memory_space<vmem>>
    %dma_wait3A_79 = tpu.memref_squeeze %dma_wait3A_78 : memref<1x80x128xbf16, #tpu.memory_space<vmem>> -> memref<80x128xbf16, #tpu.memory_space<vmem>>
    %dma_wait3A_80 = arith.constant 0 : i32
    %dma_wait3A_81 = tpu.memref_slice %arg10[%dma_wait3A_75, %dma_wait3A_80] : memref<125x80xi32, #tpu.memory_space<vmem>> -> memref<1x80xi32, #tpu.memory_space<vmem>>
    %dma_wait3A_82 = tpu.memref_squeeze %dma_wait3A_81 : memref<1x80xi32, #tpu.memory_space<vmem>> -> memref<80xi32, #tpu.memory_space<vmem>>
    %dma_wait3A_83 = arith.constant 0 : i32
    %dma_wait3A_84 = arith.constant 0 : i32
    %dma_wait3A_85 = tpu.memref_slice %arg15[%dma_wait3A_83, %dma_wait3A_84] : memref<10000x128xbf16, #tpu.memory_space<vmem_shared>> -> memref<10000x128xbf16, #tpu.memory_space<vmem_shared>>
    tpu.wait_indirect_dma semaphore(%arg23 : memref<!tpu.dma_semaphore, #tpu.memory_space<semaphore_mem>>) src(%dma_wait3A_79 : memref<80x128xbf16, #tpu.memory_space<vmem>>) dst(%dma_wait3A_85 : memref<10000x128xbf16, #tpu.memory_space<vmem_shared>>)
    %dma_wait3A_86 = arith.constant 0 : i32
    %dma_wait3A_87 = arith.constant 0 : i32
    %dma_wait3A_88 = tpu.memref_slice %arg10[%dma_wait3A_86, %dma_wait3A_87] : memref<125x80xi32, #tpu.memory_space<vmem>> -> memref<1x80xi32, #tpu.memory_space<vmem>>
    %dma_wait3A_89 = tpu.memref_squeeze %dma_wait3A_88 : memref<1x80xi32, #tpu.memory_space<vmem>> -> memref<80xi32, #tpu.memory_space<vmem>>
    %dma_wait3A_90 = arith.constant 0 : i32
    %dma_wait3A_91 = arith.constant 0 : i32
    %dma_wait3A_92 = tpu.memref_slice %arg16[%dma_wait3A_90, %dma_wait3A_91] : memref<10000x16xf32, #tpu.memory_space<vmem_shared>> -> memref<10000x16xf32, #tpu.memory_space<vmem_shared>>
    tpu.wait_indirect_dma semaphore(%arg28 : memref<!tpu.dma_semaphore, #tpu.memory_space<semaphore_mem>>) src(%arg12 : memref<80x16xf32, #tpu.memory_space<vmem>>) dst(%dma_wait3A_92 : memref<10000x16xf32, #tpu.memory_space<vmem_shared>>)
    %dma_wait3A_93 = arith.constant 2 : i32
    %dma_wait3A_94 = arith.constant 0 : i32
    %dma_wait3A_95 = arith.constant 0 : i32
    %dma_wait3A_96 = arith.constant 0 : i32
    %dma_wait3A_97 = tpu.memref_slice %arg11[%dma_wait3A_93, %dma_wait3A_95, %dma_wait3A_96] : memref<5x80x128xbf16, #tpu.memory_space<vmem>> -> memref<1x80x128xbf16, #tpu.memory_space<vmem>>
    %dma_wait3A_98 = tpu.memref_squeeze %dma_wait3A_97 : memref<1x80x128xbf16, #tpu.memory_space<vmem>> -> memref<80x128xbf16, #tpu.memory_space<vmem>>
    %dma_wait3A_99 = arith.constant 0 : i32
    %dma_wait3A_100 = tpu.memref_slice %arg10[%dma_wait3A_94, %dma_wait3A_99] : memref<125x80xi32, #tpu.memory_space<vmem>> -> memref<1x80xi32, #tpu.memory_space<vmem>>
    %dma_wait3A_101 = tpu.memref_squeeze %dma_wait3A_100 : memref<1x80xi32, #tpu.memory_space<vmem>> -> memref<80xi32, #tpu.memory_space<vmem>>
    %dma_wait3A_102 = arith.constant 0 : i32
    %dma_wait3A_103 = arith.constant 0 : i32
    %dma_wait3A_104 = tpu.memref_slice %arg15[%dma_wait3A_102, %dma_wait3A_103] : memref<10000x128xbf16, #tpu.memory_space<vmem_shared>> -> memref<10000x128xbf16, #tpu.memory_space<vmem_shared>>
    tpu.wait_indirect_dma semaphore(%arg24 : memref<!tpu.dma_semaphore, #tpu.memory_space<semaphore_mem>>) src(%dma_wait3A_98 : memref<80x128xbf16, #tpu.memory_space<vmem>>) dst(%dma_wait3A_104 : memref<10000x128xbf16, #tpu.memory_space<vmem_shared>>)
    %dma_wait3A_105 = arith.constant 0 : i32
    %dma_wait3A_106 = arith.constant 0 : i32
    %dma_wait3A_107 = tpu.memref_slice %arg10[%dma_wait3A_105, %dma_wait3A_106] : memref<125x80xi32, #tpu.memory_space<vmem>> -> memref<1x80xi32, #tpu.memory_space<vmem>>
    %dma_wait3A_108 = tpu.memref_squeeze %dma_wait3A_107 : memref<1x80xi32, #tpu.memory_space<vmem>> -> memref<80xi32, #tpu.memory_space<vmem>>
    %dma_wait3A_109 = arith.constant 0 : i32
    %dma_wait3A_110 = arith.constant 0 : i32
    %dma_wait3A_111 = tpu.memref_slice %arg16[%dma_wait3A_109, %dma_wait3A_110] : memref<10000x16xf32, #tpu.memory_space<vmem_shared>> -> memref<10000x16xf32, #tpu.memory_space<vmem_shared>>
    tpu.wait_indirect_dma semaphore(%arg29 : memref<!tpu.dma_semaphore, #tpu.memory_space<semaphore_mem>>) src(%arg12 : memref<80x16xf32, #tpu.memory_space<vmem>>) dst(%dma_wait3A_111 : memref<10000x16xf32, #tpu.memory_space<vmem_shared>>)
    %dma_wait3A_112 = arith.constant 3 : i32
    %dma_wait3A_113 = arith.constant 0 : i32
    %dma_wait3A_114 = arith.constant 0 : i32
    %dma_wait3A_115 = arith.constant 0 : i32
    %dma_wait3A_116 = tpu.memref_slice %arg11[%dma_wait3A_112, %dma_wait3A_114, %dma_wait3A_115] : memref<5x80x128xbf16, #tpu.memory_space<vmem>> -> memref<1x80x128xbf16, #tpu.memory_space<vmem>>
    %dma_wait3A_117 = tpu.memref_squeeze %dma_wait3A_116 : memref<1x80x128xbf16, #tpu.memory_space<vmem>> -> memref<80x128xbf16, #tpu.memory_space<vmem>>
    %dma_wait3A_118 = arith.constant 0 : i32
    %dma_wait3A_119 = tpu.memref_slice %arg10[%dma_wait3A_113, %dma_wait3A_118] : memref<125x80xi32, #tpu.memory_space<vmem>> -> memref<1x80xi32, #tpu.memory_space<vmem>>
    %dma_wait3A_120 = tpu.memref_squeeze %dma_wait3A_119 : memref<1x80xi32, #tpu.memory_space<vmem>> -> memref<80xi32, #tpu.memory_space<vmem>>
    %dma_wait3A_121 = arith.constant 0 : i32
    %dma_wait3A_122 = arith.constant 0 : i32
    %dma_wait3A_123 = tpu.memref_slice %arg15[%dma_wait3A_121, %dma_wait3A_122] : memref<10000x128xbf16, #tpu.memory_space<vmem_shared>> -> memref<10000x128xbf16, #tpu.memory_space<vmem_shared>>
    tpu.wait_indirect_dma semaphore(%arg25 : memref<!tpu.dma_semaphore, #tpu.memory_space<semaphore_mem>>) src(%dma_wait3A_117 : memref<80x128xbf16, #tpu.memory_space<vmem>>) dst(%dma_wait3A_123 : memref<10000x128xbf16, #tpu.memory_space<vmem_shared>>)
    %dma_wait3A_124 = arith.constant 0 : i32
    %dma_wait3A_125 = arith.constant 0 : i32
    %dma_wait3A_126 = tpu.memref_slice %arg10[%dma_wait3A_124, %dma_wait3A_125] : memref<125x80xi32, #tpu.memory_space<vmem>> -> memref<1x80xi32, #tpu.memory_space<vmem>>
    %dma_wait3A_127 = tpu.memref_squeeze %dma_wait3A_126 : memref<1x80xi32, #tpu.memory_space<vmem>> -> memref<80xi32, #tpu.memory_space<vmem>>
    %dma_wait3A_128 = arith.constant 0 : i32
    %dma_wait3A_129 = arith.constant 0 : i32
    %dma_wait3A_130 = tpu.memref_slice %arg16[%dma_wait3A_128, %dma_wait3A_129] : memref<10000x16xf32, #tpu.memory_space<vmem_shared>> -> memref<10000x16xf32, #tpu.memory_space<vmem_shared>>
    tpu.wait_indirect_dma semaphore(%arg30 : memref<!tpu.dma_semaphore, #tpu.memory_space<semaphore_mem>>) src(%arg12 : memref<80x16xf32, #tpu.memory_space<vmem>>) dst(%dma_wait3A_130 : memref<10000x16xf32, #tpu.memory_space<vmem_shared>>)
    %dma_wait3A_131 = arith.constant 4 : i32
    %dma_wait3A_132 = arith.constant 0 : i32
    %dma_wait3A_133 = arith.constant 0 : i32
    %dma_wait3A_134 = arith.constant 0 : i32
    %dma_wait3A_135 = tpu.memref_slice %arg11[%dma_wait3A_131, %dma_wait3A_133, %dma_wait3A_134] : memref<5x80x128xbf16, #tpu.memory_space<vmem>> -> memref<1x80x128xbf16, #tpu.memory_space<vmem>>
    %dma_wait3A_136 = tpu.memref_squeeze %dma_wait3A_135 : memref<1x80x128xbf16, #tpu.memory_space<vmem>> -> memref<80x128xbf16, #tpu.memory_space<vmem>>
    %dma_wait3A_137 = arith.constant 0 : i32
    %dma_wait3A_138 = tpu.memref_slice %arg10[%dma_wait3A_132, %dma_wait3A_137] : memref<125x80xi32, #tpu.memory_space<vmem>> -> memref<1x80xi32, #tpu.memory_space<vmem>>
    %dma_wait3A_139 = tpu.memref_squeeze %dma_wait3A_138 : memref<1x80xi32, #tpu.memory_space<vmem>> -> memref<80xi32, #tpu.memory_space<vmem>>
    %dma_wait3A_140 = arith.constant 0 : i32
    %dma_wait3A_141 = arith.constant 0 : i32
    %dma_wait3A_142 = tpu.memref_slice %arg15[%dma_wait3A_140, %dma_wait3A_141] : memref<10000x128xbf16, #tpu.memory_space<vmem_shared>> -> memref<10000x128xbf16, #tpu.memory_space<vmem_shared>>
    tpu.wait_indirect_dma semaphore(%arg26 : memref<!tpu.dma_semaphore, #tpu.memory_space<semaphore_mem>>) src(%dma_wait3A_136 : memref<80x128xbf16, #tpu.memory_space<vmem>>) dst(%dma_wait3A_142 : memref<10000x128xbf16, #tpu.memory_space<vmem_shared>>)
    %dma_wait3A_143 = arith.constant 0 : i32
    %dma_wait3A_144 = arith.constant 0 : i32
    %dma_wait3A_145 = tpu.memref_slice %arg10[%dma_wait3A_143, %dma_wait3A_144] : memref<125x80xi32, #tpu.memory_space<vmem>> -> memref<1x80xi32, #tpu.memory_space<vmem>>
    %dma_wait3A_146 = tpu.memref_squeeze %dma_wait3A_145 : memref<1x80xi32, #tpu.memory_space<vmem>> -> memref<80xi32, #tpu.memory_space<vmem>>
    %dma_wait3A_147 = arith.constant 0 : i32
    %dma_wait3A_148 = arith.constant 0 : i32
    %dma_wait3A_149 = tpu.memref_slice %arg16[%dma_wait3A_147, %dma_wait3A_148] : memref<10000x16xf32, #tpu.memory_space<vmem_shared>> -> memref<10000x16xf32, #tpu.memory_space<vmem_shared>>
    tpu.wait_indirect_dma semaphore(%arg31 : memref<!tpu.dma_semaphore, #tpu.memory_space<semaphore_mem>>) src(%arg12 : memref<80x16xf32, #tpu.memory_space<vmem>>) dst(%dma_wait3A_149 : memref<10000x16xf32, #tpu.memory_space<vmem_shared>>)
    %barrier3A_150 = arith.constant 0 : index
    tpu.barrier barrier_id(%barrier3A_150)
    %eq3A_151 = arith.constant 0 : i32
    %eq3A_152 = arith.cmpi eq, %arg0, %eq3A_151 : i32
    %convert_element_type3A_153 = arith.extui %eq3A_152 : i1 to i32
    %cond3A_154 = arith.constant 0 : i32
    %cond3A_155 = arith.cmpi ne, %convert_element_type3A_153, %cond3A_154 : i32
    scf.if %cond3A_155 {
      "tpu.region"() ({
        %run_scoped3A = tpu.sem_alloc : memref<!tpu.dma_semaphore, #tpu.memory_space<semaphore_mem>>
        %dma_start3A = arith.constant 0 : i32
        %dma_start3A_171 = tpu.memref_slice %arg5[%multiple_of3A, %dma_start3A] : memref<10000x128xbf16, #tpu.memory_space<hbm>> -> memref<624x128xbf16, #tpu.memory_space<hbm>>
        %dma_start3A_172 = arith.constant 0 : i32
        %dma_start3A_173 = tpu.memref_slice %arg15[%multiple_of3A, %dma_start3A_172] : memref<10000x128xbf16, #tpu.memory_space<vmem_shared>> -> memref<624x128xbf16, #tpu.memory_space<vmem_shared>>
        tpu.enqueue_dma source(%dma_start3A_173 : memref<624x128xbf16, #tpu.memory_space<vmem_shared>>) target(%dma_start3A_171 : memref<624x128xbf16, #tpu.memory_space<hbm>>) target_semaphore(%run_scoped3A : memref<!tpu.dma_semaphore, #tpu.memory_space<semaphore_mem>>)
        %dma_wait3A_174 = arith.constant 0 : i32
        %dma_wait3A_175 = tpu.memref_slice %arg5[%multiple_of3A, %dma_wait3A_174] : memref<10000x128xbf16, #tpu.memory_space<hbm>> -> memref<624x128xbf16, #tpu.memory_space<hbm>>
        %dma_wait3A_176 = arith.constant 0 : i32
        %dma_wait3A_177 = tpu.memref_slice %arg15[%multiple_of3A, %dma_wait3A_176] : memref<10000x128xbf16, #tpu.memory_space<vmem_shared>> -> memref<624x128xbf16, #tpu.memory_space<vmem_shared>>
        tpu.wait_dma2 semaphore(%run_scoped3A : memref<!tpu.dma_semaphore, #tpu.memory_space<semaphore_mem>>) src(%dma_wait3A_177 : memref<624x128xbf16, #tpu.memory_space<vmem_shared>>) dst(%dma_wait3A_175 : memref<624x128xbf16, #tpu.memory_space<hbm>>)
        tpu.yield
      }) : () -> ()
      %eq3A_161 = arith.constant 15 : i32
      %eq3A_162 = arith.cmpi eq, %arg1, %eq3A_161 : i32
      %convert_element_type3A_163 = arith.extui %eq3A_162 : i1 to i32
      %cond3A_164 = arith.constant 0 : i32
      %cond3A_165 = arith.cmpi ne, %convert_element_type3A_163, %cond3A_164 : i32
      scf.if %cond3A_165 {
        "tpu.region"() ({
          %run_scoped3A = tpu.sem_alloc : memref<!tpu.dma_semaphore, #tpu.memory_space<semaphore_mem>>
          %dma_start3A = arith.constant 9984 : i32
          %dma_start3A_171 = arith.constant 0 : i32
          %dma_start3A_172 = tpu.memref_slice %arg5[%dma_start3A, %dma_start3A_171] : memref<10000x128xbf16, #tpu.memory_space<hbm>> -> memref<16x128xbf16, #tpu.memory_space<hbm>>
          %dma_start3A_173 = arith.constant 9984 : i32
          %dma_start3A_174 = arith.constant 0 : i32
          %dma_start3A_175 = tpu.memref_slice %arg15[%dma_start3A_173, %dma_start3A_174] : memref<10000x128xbf16, #tpu.memory_space<vmem_shared>> -> memref<16x128xbf16, #tpu.memory_space<vmem_shared>>
          tpu.enqueue_dma source(%dma_start3A_175 : memref<16x128xbf16, #tpu.memory_space<vmem_shared>>) target(%dma_start3A_172 : memref<16x128xbf16, #tpu.memory_space<hbm>>) target_semaphore(%run_scoped3A : memref<!tpu.dma_semaphore, #tpu.memory_space<semaphore_mem>>)
          %dma_wait3A_176 = arith.constant 9984 : i32
          %dma_wait3A_177 = arith.constant 0 : i32
          %dma_wait3A_178 = tpu.memref_slice %arg5[%dma_wait3A_176, %dma_wait3A_177] : memref<10000x128xbf16, #tpu.memory_space<hbm>> -> memref<16x128xbf16, #tpu.memory_space<hbm>>
          %dma_wait3A_179 = arith.constant 9984 : i32
          %dma_wait3A_180 = arith.constant 0 : i32
          %dma_wait3A_181 = tpu.memref_slice %arg15[%dma_wait3A_179, %dma_wait3A_180] : memref<10000x128xbf16, #tpu.memory_space<vmem_shared>> -> memref<16x128xbf16, #tpu.memory_space<vmem_shared>>
          tpu.wait_dma2 semaphore(%run_scoped3A : memref<!tpu.dma_semaphore, #tpu.memory_space<semaphore_mem>>) src(%dma_wait3A_181 : memref<16x128xbf16, #tpu.memory_space<vmem_shared>>) dst(%dma_wait3A_178 : memref<16x128xbf16, #tpu.memory_space<hbm>>)
          tpu.yield
        }) : () -> ()
      } else {
      }
      "tpu.region"() ({
        %run_scoped3A = tpu.sem_alloc : memref<!tpu.dma_semaphore, #tpu.memory_space<semaphore_mem>>
        %dma_start3A = arith.constant 0 : i32
        %dma_start3A_171 = tpu.memref_slice %arg7[%multiple_of3A, %dma_start3A] : memref<10000x16xf32, #tpu.memory_space<hbm>> -> memref<624x16xf32, #tpu.memory_space<hbm>>
        %dma_start3A_172 = arith.constant 0 : i32
        %dma_start3A_173 = tpu.memref_slice %arg16[%multiple_of3A, %dma_start3A_172] : memref<10000x16xf32, #tpu.memory_space<vmem_shared>> -> memref<624x16xf32, #tpu.memory_space<vmem_shared>>
        tpu.enqueue_dma source(%dma_start3A_173 : memref<624x16xf32, #tpu.memory_space<vmem_shared>>) target(%dma_start3A_171 : memref<624x16xf32, #tpu.memory_space<hbm>>) target_semaphore(%run_scoped3A : memref<!tpu.dma_semaphore, #tpu.memory_space<semaphore_mem>>)
        %dma_wait3A_174 = arith.constant 0 : i32
        %dma_wait3A_175 = tpu.memref_slice %arg7[%multiple_of3A, %dma_wait3A_174] : memref<10000x16xf32, #tpu.memory_space<hbm>> -> memref<624x16xf32, #tpu.memory_space<hbm>>
        %dma_wait3A_176 = arith.constant 0 : i32
        %dma_wait3A_177 = tpu.memref_slice %arg16[%multiple_of3A, %dma_wait3A_176] : memref<10000x16xf32, #tpu.memory_space<vmem_shared>> -> memref<624x16xf32, #tpu.memory_space<vmem_shared>>
        tpu.wait_dma2 semaphore(%run_scoped3A : memref<!tpu.dma_semaphore, #tpu.memory_space<semaphore_mem>>) src(%dma_wait3A_177 : memref<624x16xf32, #tpu.memory_space<vmem_shared>>) dst(%dma_wait3A_175 : memref<624x16xf32, #tpu.memory_space<hbm>>)
        tpu.yield
      }) : () -> ()
      %eq3A_166 = arith.constant 15 : i32
      %eq3A_167 = arith.cmpi eq, %arg1, %eq3A_166 : i32
      %convert_element_type3A_168 = arith.extui %eq3A_167 : i1 to i32
      %cond3A_169 = arith.constant 0 : i32
      %cond3A_170 = arith.cmpi ne, %convert_element_type3A_168, %cond3A_169 : i32
      scf.if %cond3A_170 {
        "tpu.region"() ({
          %run_scoped3A = tpu.sem_alloc : memref<!tpu.dma_semaphore, #tpu.memory_space<semaphore_mem>>
          %dma_start3A = arith.constant 9984 : i32
          %dma_start3A_171 = arith.constant 0 : i32
          %dma_start3A_172 = tpu.memref_slice %arg7[%dma_start3A, %dma_start3A_171] : memref<10000x16xf32, #tpu.memory_space<hbm>> -> memref<16x16xf32, #tpu.memory_space<hbm>>
          %dma_start3A_173 = arith.constant 9984 : i32
          %dma_start3A_174 = arith.constant 0 : i32
          %dma_start3A_175 = tpu.memref_slice %arg16[%dma_start3A_173, %dma_start3A_174] : memref<10000x16xf32, #tpu.memory_space<vmem_shared>> -> memref<16x16xf32, #tpu.memory_space<vmem_shared>>
          tpu.enqueue_dma source(%dma_start3A_175 : memref<16x16xf32, #tpu.memory_space<vmem_shared>>) target(%dma_start3A_172 : memref<16x16xf32, #tpu.memory_space<hbm>>) target_semaphore(%run_scoped3A : memref<!tpu.dma_semaphore, #tpu.memory_space<semaphore_mem>>)
          %dma_wait3A_176 = arith.constant 9984 : i32
          %dma_wait3A_177 = arith.constant 0 : i32
          %dma_wait3A_178 = tpu.memref_slice %arg7[%dma_wait3A_176, %dma_wait3A_177] : memref<10000x16xf32, #tpu.memory_space<hbm>> -> memref<16x16xf32, #tpu.memory_space<hbm>>
          %dma_wait3A_179 = arith.constant 9984 : i32
          %dma_wait3A_180 = arith.constant 0 : i32
          %dma_wait3A_181 = tpu.memref_slice %arg16[%dma_wait3A_179, %dma_wait3A_180] : memref<10000x16xf32, #tpu.memory_space<vmem_shared>> -> memref<16x16xf32, #tpu.memory_space<vmem_shared>>
          tpu.wait_dma2 semaphore(%run_scoped3A : memref<!tpu.dma_semaphore, #tpu.memory_space<semaphore_mem>>) src(%dma_wait3A_181 : memref<16x16xf32, #tpu.memory_space<vmem_shared>>) dst(%dma_wait3A_178 : memref<16x16xf32, #tpu.memory_space<hbm>>)
          tpu.yield
        }) : () -> ()
      } else {
      }
    } else {
    }
    %eq3A_156 = arith.constant 1 : i32
    %eq3A_157 = arith.cmpi eq, %arg0, %eq3A_156 : i32
    %convert_element_type3A_158 = arith.extui %eq3A_157 : i1 to i32
    %cond3A_159 = arith.constant 0 : i32
    %cond3A_160 = arith.cmpi ne, %convert_element_type3A_158, %cond3A_159 : i32
    scf.if %cond3A_160 {
      "tpu.region"() ({
        %run_scoped3A = tpu.sem_alloc : memref<!tpu.dma_semaphore, #tpu.memory_space<semaphore_mem>>
        %dma_start3A = arith.constant 0 : i32
        %dma_start3A_171 = tpu.memref_slice %arg6[%multiple_of3A, %dma_start3A] : memref<10000x128xbf16, #tpu.memory_space<hbm>> -> memref<624x128xbf16, #tpu.memory_space<hbm>>
        %dma_start3A_172 = arith.constant 0 : i32
        %dma_start3A_173 = tpu.memref_slice %arg15[%multiple_of3A, %dma_start3A_172] : memref<10000x128xbf16, #tpu.memory_space<vmem_shared>> -> memref<624x128xbf16, #tpu.memory_space<vmem_shared>>
        tpu.enqueue_dma source(%dma_start3A_173 : memref<624x128xbf16, #tpu.memory_space<vmem_shared>>) target(%dma_start3A_171 : memref<624x128xbf16, #tpu.memory_space<hbm>>) target_semaphore(%run_scoped3A : memref<!tpu.dma_semaphore, #tpu.memory_space<semaphore_mem>>)
        %dma_wait3A_174 = arith.constant 0 : i32
        %dma_wait3A_175 = tpu.memref_slice %arg6[%multiple_of3A, %dma_wait3A_174] : memref<10000x128xbf16, #tpu.memory_space<hbm>> -> memref<624x128xbf16, #tpu.memory_space<hbm>>
        %dma_wait3A_176 = arith.constant 0 : i32
        %dma_wait3A_177 = tpu.memref_slice %arg15[%multiple_of3A, %dma_wait3A_176] : memref<10000x128xbf16, #tpu.memory_space<vmem_shared>> -> memref<624x128xbf16, #tpu.memory_space<vmem_shared>>
        tpu.wait_dma2 semaphore(%run_scoped3A : memref<!tpu.dma_semaphore, #tpu.memory_space<semaphore_mem>>) src(%dma_wait3A_177 : memref<624x128xbf16, #tpu.memory_space<vmem_shared>>) dst(%dma_wait3A_175 : memref<624x128xbf16, #tpu.memory_space<hbm>>)
        tpu.yield
      }) : () -> ()
      %eq3A_161 = arith.constant 15 : i32
      %eq3A_162 = arith.cmpi eq, %arg1, %eq3A_161 : i32
      %convert_element_type3A_163 = arith.extui %eq3A_162 : i1 to i32
      %cond3A_164 = arith.constant 0 : i32
      %cond3A_165 = arith.cmpi ne, %convert_element_type3A_163, %cond3A_164 : i32
      scf.if %cond3A_165 {
        "tpu.region"() ({
          %run_scoped3A = tpu.sem_alloc : memref<!tpu.dma_semaphore, #tpu.memory_space<semaphore_mem>>
          %dma_start3A = arith.constant 9984 : i32
          %dma_start3A_171 = arith.constant 0 : i32
          %dma_start3A_172 = tpu.memref_slice %arg6[%dma_start3A, %dma_start3A_171] : memref<10000x128xbf16, #tpu.memory_space<hbm>> -> memref<16x128xbf16, #tpu.memory_space<hbm>>
          %dma_start3A_173 = arith.constant 9984 : i32
          %dma_start3A_174 = arith.constant 0 : i32
          %dma_start3A_175 = tpu.memref_slice %arg15[%dma_start3A_173, %dma_start3A_174] : memref<10000x128xbf16, #tpu.memory_space<vmem_shared>> -> memref<16x128xbf16, #tpu.memory_space<vmem_shared>>
          tpu.enqueue_dma source(%dma_start3A_175 : memref<16x128xbf16, #tpu.memory_space<vmem_shared>>) target(%dma_start3A_172 : memref<16x128xbf16, #tpu.memory_space<hbm>>) target_semaphore(%run_scoped3A : memref<!tpu.dma_semaphore, #tpu.memory_space<semaphore_mem>>)
          %dma_wait3A_176 = arith.constant 9984 : i32
          %dma_wait3A_177 = arith.constant 0 : i32
          %dma_wait3A_178 = tpu.memref_slice %arg6[%dma_wait3A_176, %dma_wait3A_177] : memref<10000x128xbf16, #tpu.memory_space<hbm>> -> memref<16x128xbf16, #tpu.memory_space<hbm>>
          %dma_wait3A_179 = arith.constant 9984 : i32
          %dma_wait3A_180 = arith.constant 0 : i32
          %dma_wait3A_181 = tpu.memref_slice %arg15[%dma_wait3A_179, %dma_wait3A_180] : memref<10000x128xbf16, #tpu.memory_space<vmem_shared>> -> memref<16x128xbf16, #tpu.memory_space<vmem_shared>>
          tpu.wait_dma2 semaphore(%run_scoped3A : memref<!tpu.dma_semaphore, #tpu.memory_space<semaphore_mem>>) src(%dma_wait3A_181 : memref<16x128xbf16, #tpu.memory_space<vmem_shared>>) dst(%dma_wait3A_178 : memref<16x128xbf16, #tpu.memory_space<hbm>>)
          tpu.yield
        }) : () -> ()
      } else {
      }
      "tpu.region"() ({
        %run_scoped3A = tpu.sem_alloc : memref<!tpu.dma_semaphore, #tpu.memory_space<semaphore_mem>>
        %dma_start3A = arith.constant 0 : i32
        %dma_start3A_171 = tpu.memref_slice %arg8[%multiple_of3A, %dma_start3A] : memref<10000x16xf32, #tpu.memory_space<hbm>> -> memref<624x16xf32, #tpu.memory_space<hbm>>
        %dma_start3A_172 = arith.constant 0 : i32
        %dma_start3A_173 = tpu.memref_slice %arg16[%multiple_of3A, %dma_start3A_172] : memref<10000x16xf32, #tpu.memory_space<vmem_shared>> -> memref<624x16xf32, #tpu.memory_space<vmem_shared>>
        tpu.enqueue_dma source(%dma_start3A_173 : memref<624x16xf32, #tpu.memory_space<vmem_shared>>) target(%dma_start3A_171 : memref<624x16xf32, #tpu.memory_space<hbm>>) target_semaphore(%run_scoped3A : memref<!tpu.dma_semaphore, #tpu.memory_space<semaphore_mem>>)
        %dma_wait3A_174 = arith.constant 0 : i32
        %dma_wait3A_175 = tpu.memref_slice %arg8[%multiple_of3A, %dma_wait3A_174] : memref<10000x16xf32, #tpu.memory_space<hbm>> -> memref<624x16xf32, #tpu.memory_space<hbm>>
        %dma_wait3A_176 = arith.constant 0 : i32
        %dma_wait3A_177 = tpu.memref_slice %arg16[%multiple_of3A, %dma_wait3A_176] : memref<10000x16xf32, #tpu.memory_space<vmem_shared>> -> memref<624x16xf32, #tpu.memory_space<vmem_shared>>
        tpu.wait_dma2 semaphore(%run_scoped3A : memref<!tpu.dma_semaphore, #tpu.memory_space<semaphore_mem>>) src(%dma_wait3A_177 : memref<624x16xf32, #tpu.memory_space<vmem_shared>>) dst(%dma_wait3A_175 : memref<624x16xf32, #tpu.memory_space<hbm>>)
        tpu.yield
      }) : () -> ()
      %eq3A_166 = arith.constant 15 : i32
      %eq3A_167 = arith.cmpi eq, %arg1, %eq3A_166 : i32
      %convert_element_type3A_168 = arith.extui %eq3A_167 : i1 to i32
      %cond3A_169 = arith.constant 0 : i32
      %cond3A_170 = arith.cmpi ne, %convert_element_type3A_168, %cond3A_169 : i32
      scf.if %cond3A_170 {
        "tpu.region"() ({
          %run_scoped3A = tpu.sem_alloc : memref<!tpu.dma_semaphore, #tpu.memory_space<semaphore_mem>>
          %dma_start3A = arith.constant 9984 : i32
          %dma_start3A_171 = arith.constant 0 : i32
          %dma_start3A_172 = tpu.memref_slice %arg8[%dma_start3A, %dma_start3A_171] : memref<10000x16xf32, #tpu.memory_space<hbm>> -> memref<16x16xf32, #tpu.memory_space<hbm>>
          %dma_start3A_173 = arith.constant 9984 : i32
          %dma_start3A_174 = arith.constant 0 : i32
          %dma_start3A_175 = tpu.memref_slice %arg16[%dma_start3A_173, %dma_start3A_174] : memref<10000x16xf32, #tpu.memory_space<vmem_shared>> -> memref<16x16xf32, #tpu.memory_space<vmem_shared>>
          tpu.enqueue_dma source(%dma_start3A_175 : memref<16x16xf32, #tpu.memory_space<vmem_shared>>) target(%dma_start3A_172 : memref<16x16xf32, #tpu.memory_space<hbm>>) target_semaphore(%run_scoped3A : memref<!tpu.dma_semaphore, #tpu.memory_space<semaphore_mem>>)
          %dma_wait3A_176 = arith.constant 9984 : i32
          %dma_wait3A_177 = arith.constant 0 : i32
          %dma_wait3A_178 = tpu.memref_slice %arg8[%dma_wait3A_176, %dma_wait3A_177] : memref<10000x16xf32, #tpu.memory_space<hbm>> -> memref<16x16xf32, #tpu.memory_space<hbm>>
          %dma_wait3A_179 = arith.constant 9984 : i32
          %dma_wait3A_180 = arith.constant 0 : i32
          %dma_wait3A_181 = tpu.memref_slice %arg16[%dma_wait3A_179, %dma_wait3A_180] : memref<10000x16xf32, #tpu.memory_space<vmem_shared>> -> memref<16x16xf32, #tpu.memory_space<vmem_shared>>
          tpu.wait_dma2 semaphore(%run_scoped3A : memref<!tpu.dma_semaphore, #tpu.memory_space<semaphore_mem>>) src(%dma_wait3A_181 : memref<16x16xf32, #tpu.memory_space<vmem_shared>>) dst(%dma_wait3A_178 : memref<16x16xf32, #tpu.memory_space<hbm>>)
          tpu.yield
        }) : () -> ()
      } else {
      }
    } else {
    }
    return
  }
}

module attributes {stable_mosaic.version = 14 : i64} {
  func.func @_tc_body1(%arg0: i32, %arg1: memref<1000x128xbf16, #tpu.memory_space<vmem>>, %arg2: memref<1000x128xbf16, #tpu.memory_space<vmem>>, %arg3: memref<1000x128xbf16, #tpu.memory_space<vmem>>, %arg4: memref<1000x16xf32, #tpu.memory_space<vmem>>, %arg5: memref<1000x16xf32, #tpu.memory_space<vmem>>, %arg6: memref<128x128xf32, #tpu.memory_space<vmem>>, %arg7: memref<1x128xf32, #tpu.memory_space<vmem>>, %arg8: memref<128x128xf32, #tpu.memory_space<vmem>>, %arg9: memref<1000x128xbf16, #tpu.memory_space<vmem>>) attributes {dimension_semantics = [#tpu.dimension_semantics<arbitrary>], iteration_bounds = array<i64: 10>, scalar_prefetch = 0 : i64, scratch_operands = 0 : i64, tpu.core_type = #tpu.core_type<tc>, window_params = [{transform_indices = @transform_0, window_bounds = array<i64: 1000, 128>}, {transform_indices = @transform_1, window_bounds = array<i64: 1000, 128>}, {transform_indices = @transform_2, window_bounds = array<i64: 1000, 128>}, {transform_indices = @transform_3, window_bounds = array<i64: 1000, 16>}, {transform_indices = @transform_4, window_bounds = array<i64: 1000, 16>}, {pipeline_mode = #tpu.pipeline_mode<synchronous>, transform_indices = @transform_5, window_bounds = array<i64: 128, 128>}, {pipeline_mode = #tpu.pipeline_mode<synchronous>, transform_indices = @transform_6, window_bounds = array<i64: 1, 128>}, {pipeline_mode = #tpu.pipeline_mode<synchronous>, transform_indices = @transform_7, window_bounds = array<i64: 128, 128>}, {transform_indices = @transform_8, window_bounds = array<i64: 1000, 128>}]} {
    %get3A = arith.constant 0 : index
    %get3A_0 = arith.constant 0 : index
    %get3A_1 = vector.load %arg2[%get3A, %get3A_0] : memref<1000x128xbf16, #tpu.memory_space<vmem>>, vector<1000x128xbf16>
    %convert_element_type3A = arith.extf %get3A_1 : vector<1000x128xbf16> to vector<1000x128xf32>
    %get3A_2 = arith.constant 0 : index
    %get3A_3 = arith.constant 0 : index
    %get3A_4 = vector.load %arg3[%get3A_2, %get3A_3] : memref<1000x128xbf16, #tpu.memory_space<vmem>>, vector<1000x128xbf16>
    %convert_element_type3A_5 = arith.extf %get3A_4 : vector<1000x128xbf16> to vector<1000x128xf32>
    %add3A = arith.addf %convert_element_type3A, %convert_element_type3A_5 : vector<1000x128xf32>
    %get3A_6 = arith.constant 0 : index
    %get3A_7 = arith.constant 0 : index
    %get3A_8 = vector.load %arg4[%get3A_6, %get3A_7] : memref<1000x16xf32, #tpu.memory_space<vmem>>, vector<1000x1xf32>
    %get3A_9 = arith.constant 0 : index
    %get3A_10 = arith.constant 0 : index
    %get3A_11 = vector.load %arg5[%get3A_9, %get3A_10] : memref<1000x16xf32, #tpu.memory_space<vmem>>, vector<1000x1xf32>
    %add3A_12 = arith.addf %get3A_8, %get3A_11 : vector<1000x1xf32>
    %max3A = arith.constant 1.000000e+00 : f32
    %max3A_13 = vector.broadcast %max3A : f32 to vector<1000x1xf32>
    %max3A_14 = arith.maximumf %add3A_12, %max3A_13 : vector<1000x1xf32>
    %div3A = vector.broadcast %max3A_14 : vector<1000x1xf32> to vector<1000x128xf32>
    %div3A_15 = arith.divf %add3A, %div3A : vector<1000x128xf32>
    %get3A_16 = arith.constant 0 : index
    %get3A_17 = arith.constant 0 : index
    %get3A_18 = vector.load %arg6[%get3A_16, %get3A_17] : memref<128x128xf32, #tpu.memory_space<vmem>>, vector<128x128xf32>
    %dot_general3A = arith.constant dense<0.000000e+00> : vector<1000x128xf32>
    %dot_general3A_19 = tpu.matmul %div3A_15, %get3A_18, %dot_general3A {dimension_numbers = #tpu.dot_dimension_numbers<[1], [1], [0], [0], [0, 0, 1, 0], [], []>, transpose_lhs_hint = false} : vector<1000x128xf32>, vector<128x128xf32>, vector<1000x128xf32> -> vector<1000x128xf32>
    %get3A_20 = arith.constant 0 : index
    %get3A_21 = arith.constant 0 : index
    %get3A_22 = vector.load %arg7[%get3A_20, %get3A_21] : memref<1x128xf32, #tpu.memory_space<vmem>>, vector<1x128xf32>
    %add3A_23 = vector.broadcast %get3A_22 : vector<1x128xf32> to vector<1000x128xf32>
    %add3A_24 = arith.addf %dot_general3A_19, %add3A_23 : vector<1000x128xf32>
    %get3A_25 = arith.constant 0 : index
    %get3A_26 = arith.constant 0 : index
    %get3A_27 = vector.load %arg1[%get3A_25, %get3A_26] : memref<1000x128xbf16, #tpu.memory_space<vmem>>, vector<1000x128xbf16>
    %convert_element_type3A_28 = arith.extf %get3A_27 : vector<1000x128xbf16> to vector<1000x128xf32>
    %get3A_29 = arith.constant 0 : index
    %get3A_30 = arith.constant 0 : index
    %get3A_31 = vector.load %arg8[%get3A_29, %get3A_30] : memref<128x128xf32, #tpu.memory_space<vmem>>, vector<128x128xf32>
    %dot_general3A_32 = arith.constant dense<0.000000e+00> : vector<1000x128xf32>
    %dot_general3A_33 = tpu.matmul %convert_element_type3A_28, %get3A_31, %dot_general3A_32 {dimension_numbers = #tpu.dot_dimension_numbers<[1], [1], [0], [0], [0, 0, 1, 0], [], []>, transpose_lhs_hint = false} : vector<1000x128xf32>, vector<128x128xf32>, vector<1000x128xf32> -> vector<1000x128xf32>
    %add3A_34 = arith.addf %add3A_24, %dot_general3A_33 : vector<1000x128xf32>
    %max3A_35 = arith.constant 0.000000e+00 : f32
    %max3A_36 = vector.broadcast %max3A_35 : f32 to vector<1000x128xf32>
    %max3A_37 = arith.maximumf %add3A_34, %max3A_36 : vector<1000x128xf32>
    %convert_element_type3A_38 = arith.truncf %max3A_37 : vector<1000x128xf32> to vector<1000x128xbf16>
    %swap3A = arith.constant 0 : index
    %swap3A_39 = arith.constant 0 : index
    %swap3A_40 = vector.load %arg9[%swap3A, %swap3A_39] : memref<1000x128xbf16, #tpu.memory_space<vmem>>, vector<1000x128xbf16>
    tpu.vector_store %arg9[%swap3A, %swap3A_39], %convert_element_type3A_38 {strides = array<i32>} : memref<1000x128xbf16, #tpu.memory_space<vmem>>, vector<1000x128xbf16>,
    return
  }
  func.func @transform_0(%arg0: i32) -> (i32, i32) {
    %c0_i32 = arith.constant 0 : i32
    %c0_i32_0 = arith.constant 0 : i32
    return %arg0, %c0_i32 : i32, i32
  }
  func.func @transform_1(%arg0: i32) -> (i32, i32) {
    %c0_i32 = arith.constant 0 : i32
    %c0_i32_0 = arith.constant 0 : i32
    return %arg0, %c0_i32 : i32, i32
  }
  func.func @transform_2(%arg0: i32) -> (i32, i32) {
    %c0_i32 = arith.constant 0 : i32
    %c0_i32_0 = arith.constant 0 : i32
    return %arg0, %c0_i32 : i32, i32
  }
  func.func @transform_3(%arg0: i32) -> (i32, i32) {
    %c0_i32 = arith.constant 0 : i32
    %c0_i32_0 = arith.constant 0 : i32
    return %arg0, %c0_i32 : i32, i32
  }
  func.func @transform_4(%arg0: i32) -> (i32, i32) {
    %c0_i32 = arith.constant 0 : i32
    %c0_i32_0 = arith.constant 0 : i32
    return %arg0, %c0_i32 : i32, i32
  }
  func.func @transform_5(%arg0: i32) -> (i32, i32) {
    %c0_i32 = arith.constant 0 : i32
    %c0_i32_0 = arith.constant 0 : i32
    %c0_i32_1 = arith.constant 0 : i32
    return %c0_i32, %c0_i32_0 : i32, i32
  }
  func.func @transform_6(%arg0: i32) -> (i32, i32) {
    %c0_i32 = arith.constant 0 : i32
    %c0_i32_0 = arith.constant 0 : i32
    %c0_i32_1 = arith.constant 0 : i32
    return %c0_i32, %c0_i32_0 : i32, i32
  }
  func.func @transform_7(%arg0: i32) -> (i32, i32) {
    %c0_i32 = arith.constant 0 : i32
    %c0_i32_0 = arith.constant 0 : i32
    %c0_i32_1 = arith.constant 0 : i32
    return %c0_i32, %c0_i32_0 : i32, i32
  }
  func.func @transform_8(%arg0: i32) -> (i32, i32) {
    %c0_i32 = arith.constant 0 : i32
    %c0_i32_0 = arith.constant 0 : i32
    return %arg0, %c0_i32 : i32, i32
  }
}

module attributes {stable_mosaic.version = 14 : i64} {
  func.func @_tc_body2(%arg0: i32, %arg1: memref<1000x128xbf16, #tpu.memory_space<vmem>>, %arg2: memref<1000x128xbf16, #tpu.memory_space<vmem>>, %arg3: memref<1000x128xbf16, #tpu.memory_space<vmem>>, %arg4: memref<1000x16xf32, #tpu.memory_space<vmem>>, %arg5: memref<1000x16xf32, #tpu.memory_space<vmem>>, %arg6: memref<128x128xf32, #tpu.memory_space<vmem>>, %arg7: memref<1x128xf32, #tpu.memory_space<vmem>>, %arg8: memref<128x128xf32, #tpu.memory_space<vmem>>, %arg9: memref<1000x128xf32, #tpu.memory_space<vmem>>) attributes {dimension_semantics = [#tpu.dimension_semantics<arbitrary>], iteration_bounds = array<i64: 10>, scalar_prefetch = 0 : i64, scratch_operands = 0 : i64, tpu.core_type = #tpu.core_type<tc>, window_params = [{transform_indices = @transform_0, window_bounds = array<i64: 1000, 128>}, {transform_indices = @transform_1, window_bounds = array<i64: 1000, 128>}, {transform_indices = @transform_2, window_bounds = array<i64: 1000, 128>}, {transform_indices = @transform_3, window_bounds = array<i64: 1000, 16>}, {transform_indices = @transform_4, window_bounds = array<i64: 1000, 16>}, {pipeline_mode = #tpu.pipeline_mode<synchronous>, transform_indices = @transform_5, window_bounds = array<i64: 128, 128>}, {pipeline_mode = #tpu.pipeline_mode<synchronous>, transform_indices = @transform_6, window_bounds = array<i64: 1, 128>}, {pipeline_mode = #tpu.pipeline_mode<synchronous>, transform_indices = @transform_7, window_bounds = array<i64: 128, 128>}, {transform_indices = @transform_8, window_bounds = array<i64: 1000, 128>}]} {
    %get3A = arith.constant 0 : index
    %get3A_0 = arith.constant 0 : index
    %get3A_1 = vector.load %arg2[%get3A, %get3A_0] : memref<1000x128xbf16, #tpu.memory_space<vmem>>, vector<1000x128xbf16>
    %convert_element_type3A = arith.extf %get3A_1 : vector<1000x128xbf16> to vector<1000x128xf32>
    %get3A_2 = arith.constant 0 : index
    %get3A_3 = arith.constant 0 : index
    %get3A_4 = vector.load %arg3[%get3A_2, %get3A_3] : memref<1000x128xbf16, #tpu.memory_space<vmem>>, vector<1000x128xbf16>
    %convert_element_type3A_5 = arith.extf %get3A_4 : vector<1000x128xbf16> to vector<1000x128xf32>
    %add3A = arith.addf %convert_element_type3A, %convert_element_type3A_5 : vector<1000x128xf32>
    %get3A_6 = arith.constant 0 : index
    %get3A_7 = arith.constant 0 : index
    %get3A_8 = vector.load %arg4[%get3A_6, %get3A_7] : memref<1000x16xf32, #tpu.memory_space<vmem>>, vector<1000x1xf32>
    %get3A_9 = arith.constant 0 : index
    %get3A_10 = arith.constant 0 : index
    %get3A_11 = vector.load %arg5[%get3A_9, %get3A_10] : memref<1000x16xf32, #tpu.memory_space<vmem>>, vector<1000x1xf32>
    %add3A_12 = arith.addf %get3A_8, %get3A_11 : vector<1000x1xf32>
    %max3A = arith.constant 1.000000e+00 : f32
    %max3A_13 = vector.broadcast %max3A : f32 to vector<1000x1xf32>
    %max3A_14 = arith.maximumf %add3A_12, %max3A_13 : vector<1000x1xf32>
    %div3A = vector.broadcast %max3A_14 : vector<1000x1xf32> to vector<1000x128xf32>
    %div3A_15 = arith.divf %add3A, %div3A : vector<1000x128xf32>
    %get3A_16 = arith.constant 0 : index
    %get3A_17 = arith.constant 0 : index
    %get3A_18 = vector.load %arg6[%get3A_16, %get3A_17] : memref<128x128xf32, #tpu.memory_space<vmem>>, vector<128x128xf32>
    %dot_general3A = arith.constant dense<0.000000e+00> : vector<1000x128xf32>
    %dot_general3A_19 = tpu.matmul %div3A_15, %get3A_18, %dot_general3A {dimension_numbers = #tpu.dot_dimension_numbers<[1], [1], [0], [0], [0, 0, 1, 0], [], []>, transpose_lhs_hint = false} : vector<1000x128xf32>, vector<128x128xf32>, vector<1000x128xf32> -> vector<1000x128xf32>
    %get3A_20 = arith.constant 0 : index
    %get3A_21 = arith.constant 0 : index
    %get3A_22 = vector.load %arg7[%get3A_20, %get3A_21] : memref<1x128xf32, #tpu.memory_space<vmem>>, vector<1x128xf32>
    %add3A_23 = vector.broadcast %get3A_22 : vector<1x128xf32> to vector<1000x128xf32>
    %add3A_24 = arith.addf %dot_general3A_19, %add3A_23 : vector<1000x128xf32>
    %get3A_25 = arith.constant 0 : index
    %get3A_26 = arith.constant 0 : index
    %get3A_27 = vector.load %arg1[%get3A_25, %get3A_26] : memref<1000x128xbf16, #tpu.memory_space<vmem>>, vector<1000x128xbf16>
    %convert_element_type3A_28 = arith.extf %get3A_27 : vector<1000x128xbf16> to vector<1000x128xf32>
    %get3A_29 = arith.constant 0 : index
    %get3A_30 = arith.constant 0 : index
    %get3A_31 = vector.load %arg8[%get3A_29, %get3A_30] : memref<128x128xf32, #tpu.memory_space<vmem>>, vector<128x128xf32>
    %dot_general3A_32 = arith.constant dense<0.000000e+00> : vector<1000x128xf32>
    %dot_general3A_33 = tpu.matmul %convert_element_type3A_28, %get3A_31, %dot_general3A_32 {dimension_numbers = #tpu.dot_dimension_numbers<[1], [1], [0], [0], [0, 0, 1, 0], [], []>, transpose_lhs_hint = false} : vector<1000x128xf32>, vector<128x128xf32>, vector<1000x128xf32> -> vector<1000x128xf32>
    %add3A_34 = arith.addf %add3A_24, %dot_general3A_33 : vector<1000x128xf32>
    %logistic3A = arith.negf %add3A_34 : vector<1000x128xf32>
    %logistic3A_35 = math.exp %logistic3A : vector<1000x128xf32>
    %logistic3A_36 = arith.constant 1.000000e+00 : f32
    %logistic3A_37 = vector.broadcast %logistic3A_36 : f32 to vector<1000x128xf32>
    %logistic3A_38 = arith.addf %logistic3A_37, %logistic3A_35 : vector<1000x128xf32>
    %logistic3A_39 = arith.divf %logistic3A_37, %logistic3A_38 : vector<1000x128xf32>
    %swap3A = arith.constant 0 : index
    %swap3A_40 = arith.constant 0 : index
    %swap3A_41 = vector.load %arg9[%swap3A, %swap3A_40] : memref<1000x128xf32, #tpu.memory_space<vmem>>, vector<1000x128xf32>
    tpu.vector_store %arg9[%swap3A, %swap3A_40], %logistic3A_39 {strides = array<i32>} : memref<1000x128xf32, #tpu.memory_space<vmem>>, vector<1000x128xf32>,
    return
  }
  func.func @transform_0(%arg0: i32) -> (i32, i32) {
    %c0_i32 = arith.constant 0 : i32
    %c0_i32_0 = arith.constant 0 : i32
    return %arg0, %c0_i32 : i32, i32
  }
  func.func @transform_1(%arg0: i32) -> (i32, i32) {
    %c0_i32 = arith.constant 0 : i32
    %c0_i32_0 = arith.constant 0 : i32
    return %arg0, %c0_i32 : i32, i32
  }
  func.func @transform_2(%arg0: i32) -> (i32, i32) {
    %c0_i32 = arith.constant 0 : i32
    %c0_i32_0 = arith.constant 0 : i32
    return %arg0, %c0_i32 : i32, i32
  }
  func.func @transform_3(%arg0: i32) -> (i32, i32) {
    %c0_i32 = arith.constant 0 : i32
    %c0_i32_0 = arith.constant 0 : i32
    return %arg0, %c0_i32 : i32, i32
  }
  func.func @transform_4(%arg0: i32) -> (i32, i32) {
    %c0_i32 = arith.constant 0 : i32
    %c0_i32_0 = arith.constant 0 : i32
    return %arg0, %c0_i32 : i32, i32
  }
  func.func @transform_5(%arg0: i32) -> (i32, i32) {
    %c0_i32 = arith.constant 0 : i32
    %c0_i32_0 = arith.constant 0 : i32
    %c0_i32_1 = arith.constant 0 : i32
    return %c0_i32, %c0_i32_0 : i32, i32
  }
  func.func @transform_6(%arg0: i32) -> (i32, i32) {
    %c0_i32 = arith.constant 0 : i32
    %c0_i32_0 = arith.constant 0 : i32
    %c0_i32_1 = arith.constant 0 : i32
    return %c0_i32, %c0_i32_0 : i32, i32
  }
  func.func @transform_7(%arg0: i32) -> (i32, i32) {
    %c0_i32 = arith.constant 0 : i32
    %c0_i32_0 = arith.constant 0 : i32
    %c0_i32_1 = arith.constant 0 : i32
    return %c0_i32, %c0_i32_0 : i32, i32
  }
  func.func @transform_8(%arg0: i32) -> (i32, i32) {
    %c0_i32 = arith.constant 0 : i32
    %c0_i32_0 = arith.constant 0 : i32
    return %arg0, %c0_i32 : i32, i32
  }
}

</mosaic_0001>

<sc_bundles>
// kernel: kernel.6.cloned.1.call-start
scs
__scs_entry_jumppad:
0x0: {  	(pc) =	sbr.rel $0x88, $3  }
0x1: {  	(tag) =	ssettag $0x0;
	lr =	simm.s32 $0x1  }
0x2: {  	[smem:$0x3F99] =	sst lr;
	_ =	strace $0xD0000000  }
0x3: {  	_ = 	snop  }
0x4: {  	_ = 	snop  }
0x5: {  	_ = 	snop  }
0x6: {  	_ = 	snop  }
0x7: {  	_ = 	snop  }
__scs_overlays_trampoline_lowered:
0x8: {  	[smem:$0x3FA8] =	sst s0  }
0x9: {  	[smem:$0x3FA9] =	sst s1  }
0xa: {  	[smem:$0x3FAA] =	sst s2  }
0xb: {  	[smem:$0x3FAB] =	sst s3  }
0xc: {  	[smem:$0x3FAC] =	sst s4  }
0xd: {  	[smem:$0x3FAD] =	sst s5  }
0xe: {  	[smem:$0x3FAE] =	sst s6  }
0xf: {  	[smem:$0x3FAF] =	sst s7  }
0x10: {  	[smem:$0x3FB0] =	sst s8  }
0x11: {  	[smem:$0x3FB1] =	sst s9;
	s0 =	simm.s32 @!p0 $0x0  }
0x12: {  	s1 =	sld [smem:$0x3F97];
	s0 =	simm.s32 @p0 $0x1  }
0x13: {  	[smem:$0x3FB2] =	sst s0;
	s0 =	simm.s32 @!p1 $0x0  }
0x14: {  	s2 =	sld [smem:$0x3F96];
	s0 =	simm.s32 @p1 $0x1  }
0x15: {  	[smem:$0x3FB3] =	sst s0;
	s0 =	simm.s32 @!p2 $0x0  }
0x16: {  	s3 =	sld [smem:$0x3FDB];
	s0 =	simm.s32 @p2 $0x1  }
0x17: {  	s4 =	simm.s32 $0x1BF5;
	[smem:$0x3FB5] =	sst s0  }
0x18: {  	s0 =	sld [smem:$0x3F98];
	_ =	swait.ge [sflag:s4], $0x0  }
0x19: {  	s7 =	sld [smem:$0x3F99]  }
0x1a: {  	s8 =	sadd.s32 $0xFFFFE003, lr  }
0x1b: {  	s9 =	sadd.s32 $0xFFFFFEF7, lr;
	s5 =	simm.s32 $0xFFFFFFFF;
	p2 =	slt.u32 s8, $0xFFFFF086  }
0x1c: {  	p1 =	slt.u32 s9, $0xF7A;
	s5 =	simm.s32 @!p2 $0x0  }
0x1d: {  	s5 =	simm.s32 @p1 $0x1;
	p0 =	seq.s32 s7, s2  }
0x1e: {  	s7 =	smul.u32 @!p0 $0xF7A, s2;
	p2 =	seq.s32 @!p0 s5, $0x0  }
0x1f: {  	s9 =	smul.u32 $0xF7A, s1;
	s8 =	simm.s32 @!p0 $0x1BF5;
	p2 =	por !p2, p0  }
0x20: {  	[sflag:s8] =	ssyncset.s32 @!p0 $0xFFFFF086;
	s6 =	sadd.s32 @!p0 s3, s7;
	s7 =	simm.s32 @!p0 $0x108  }
0x21: {  	s3 =	sadd.s32 s3, s9;
	s6 =	sadd.s32 @!p0 $0x88, s6;
	s7 =	simm.s32 @p2 $0x1082  }
0x22: {  	[simem:s7], [sflag:s8] =	dma.local @!p0 [hbm:s6], $0xF7A  }
0x23: {  	s9 =	sor.u32 $0xD0000000, s2;
	s6 =	simm.s32 $0x108;
	_ =	swait.ge @!p0 [sflag:s8], $0x0  }
0x24: {  	s3 =	sadd.s32 $0x88, s3;
	s6 =	simm.s32 @!p1 $0x1082;
	[sflag:s4] =	ssyncset.s32 $0xFFFFF086  }
0x25: {  	[simem:s6], [sflag:s4] =	dma.local [hbm:s3], $0xF7A  }
0x26: {  	[smem:$0x3F99] =	sst s1;
	(tag) =	ssettag s2;
	_ =	strace s9  }
0x27: {  	s1 =	sld [smem:$0x3FA9]  }
0x28: {  	s2 =	sld [smem:$0x3FAA]  }
0x29: {  	s4 =	sld [smem:$0x3FAC]  }
0x2a: {  	p0 =	seq.s32 s5, $0x0;
	s5 =	sld [smem:$0x3FAD]  }
0x2b: {  	s6 =	sld [smem:$0x3FAE]  }
0x2c: {  	s7 =	sld [smem:$0x3FAF]  }
0x2d: {  	s3 =	simm.s32 $0x108;
	s8 =	sld [smem:$0x3FB0]  }
0x2e: {  	s3 =	simm.s32 @!p0 $0x1082;
	s9 =	sld [smem:$0x3FB1]  }
0x2f: {  	lr =	sadd.s32 s0, s3;
	s0 =	sld [smem:$0x3FA8]  }
0x30: {  	s3 =	sld [smem:$0x3FAB]  }
0x31: {  	[smem:$0x3FB4] =	sst s10  }
0x32: {  	s10 =	sld [smem:$0x3FB2];
	_ =	sdelay $0x3  }
0x33: {  	p0 =	seq.s32 s10, $0x1;
	s10 =	sld [smem:$0x3FB4];
	_ =	sdelay $0x3  }
0x34: {  	[smem:$0x3FB4] =	sst s10  }
0x35: {  	s10 =	sld [smem:$0x3FB3];
	_ =	sdelay $0x3  }
0x36: {  	p1 =	seq.s32 s10, $0x1;
	s10 =	sld [smem:$0x3FB4];
	_ =	sdelay $0x3  }
0x37: {  	[smem:$0x3FB4] =	sst s10  }
0x38: {  	s10 =	sld [smem:$0x3FB5]  }
0x39: {  	_ = 	snop;
	(pc) =	sbr.ind lr, $3  }
0x3a: {  	_ = 	snop  }
0x3b: {  	_ = 	snop  }
0x3c: {  	p2 =	seq.s32 s10, $0x1;
	s10 =	sld [smem:$0x3FB4]  }
0x3d: {  	_ =	shalt  }
0x3e: {  	_ =	shalt  }
0x3f: {  	_ =	shalt  }
0x40: {  	_ =	shalt  }
0x41: {  	_ =	shalt  }
0x42: {  	_ =	shalt  }
0x43: {  	_ =	shalt  }
0x44: {  	_ =	shalt  }
0x45: {  	_ =	shalt  }
0x46: {  	_ =	shalt  }
0x47: {  	_ =	shalt  }
0x48: {  	_ =	shalt  }
0x49: {  	_ =	shalt  }
0x4a: {  	_ =	shalt  }
0x4b: {  	_ =	shalt  }
0x4c: {  	_ =	shalt  }
0x4d: {  	_ =	shalt  }
0x4e: {  	_ =	shalt  }
0x4f: {  	_ =	shalt  }
0x50: {  	_ =	shalt  }
0x51: {  	_ =	shalt  }
0x52: {  	_ =	shalt  }
0x53: {  	_ =	shalt  }
0x54: {  	_ =	shalt  }
0x55: {  	_ =	shalt  }
0x56: {  	_ =	shalt  }
0x57: {  	_ =	shalt  }
0x58: {  	_ =	shalt  }
0x59: {  	_ =	shalt  }
0x5a: {  	_ =	shalt  }
0x5b: {  	_ =	shalt  }
0x5c: {  	_ =	shalt  }
0x5d: {  	_ =	shalt  }
0x5e: {  	_ =	shalt  }
0x5f: {  	_ =	shalt  }
0x60: {  	_ =	shalt  }
0x61: {  	_ =	shalt  }
0x62: {  	_ =	shalt  }
0x63: {  	_ =	shalt  }
0x64: {  	_ =	shalt  }
0x65: {  	_ =	shalt  }
0x66: {  	_ =	shalt  }
0x67: {  	_ =	shalt  }
0x68: {  	_ =	shalt  }
0x69: {  	_ =	shalt  }
0x6a: {  	_ =	shalt  }
0x6b: {  	_ =	shalt  }
0x6c: {  	_ =	shalt  }
0x6d: {  	_ =	shalt  }
0x6e: {  	_ =	shalt  }
0x6f: {  	_ =	shalt  }
0x70: {  	_ =	shalt  }
0x71: {  	_ =	shalt  }
0x72: {  	_ =	shalt  }
0x73: {  	_ =	shalt  }
0x74: {  	_ =	shalt  }
0x75: {  	_ =	shalt  }
0x76: {  	_ =	shalt  }
0x77: {  	_ =	shalt  }
0x78: {  	_ =	shalt  }
0x79: {  	_ =	shalt  }
0x7a: {  	_ =	shalt  }
0x7b: {  	_ =	shalt  }
0x7c: {  	_ =	shalt  }
0x7d: {  	_ =	shalt  }
0x7e: {  	_ =	shalt  }
0x7f: {  	_ =	shalt  }
0x80: {  	_ =	shalt  }
0x81: {  	_ =	shalt  }
0x82: {  	_ =	shalt  }
0x83: {  	_ =	shalt  }
0x84: {  	_ =	shalt  }
0x85: {  	_ =	shalt  }
0x86: {  	_ =	shalt  }
0x87: {  	_ =	shalt  }
.Lfunc_end0:
.L_simem_size_0:
called_computation_lowered:
.L_overlay_start_0:
0x88: {  	s2 =	sld [smem:$0x3FD9]  }
0x89: {  	s3 =	sld [smem:$0x3FFE];
	_ =	sdelay $0x1  }
0x8a: {  	s1 =	srdreg.scid  }
0x8b: {  	s0 =	sand.u32 $0x1, s1  }
0x8c: {  	s17 =	sshll.u32 s0, $0xA;
	s2 =	sadd.s32 s3, s2  }
0x8d: {  	s2 =	sadd.s32 s2, s17  }
0x8e: {  	[smem:$0x3FC0] =	sst s2  }
0x8f: {  	_ = 	snop  }
0x90: {  	s2 =	sld [smem:$0x3FD0];
	(tm) =	ssettm $0x1  }
0x91: {  	s18 =	sld [smem:$0x3FFB];
	_ =	sdelay $0x3  }
0x92: {  	_ =	strace s18  }
0x93: {  	s3 =	sld [smem:$0x3FFC];
	_ =	sdelay $0x3  }
0x94: {  	_ =	strace s3  }
0x95: {  	s3 =	sld [smem:$0x3FFD];
	_ =	sdelay $0x3  }
0x96: {  	_ =	strace s3  }
0x97: {  	_ =	strace $0x8FFFFFFF  }
0x98: {  	s19 =	sld [smem:$0x3FDB];
	_ =	sdelay $0x1  }
0x99: {  	s4 =	simm.s32 $_scs_section_size  }
0x9a: {  	s5 =	simm.s32 $_size__tile_overlayer_lowered;
	s6 =	simm.s32 $_tile_overlayer_lowered  }
0x9b: {  	s22 =	simm.s32 $0x1BFF;
	s21 =	sshll.u32 s6, $0x1;
	s3 =	sadd.s32 s4, s19  }
0x9c: {  	s7 =	simm.s32 $0x0;
	s20 =	sshll.u32 s5, $0x1;
	s5 =	sadd.s32 s21, s3  }
0x9d: {  	[timem:s7], [sflag:s22] =	dma.local [hbm:s5], s20  }
0x9e: {  	_ =	swait.ge [sflag:s22], s20  }
0x9f: {  	s4 =	ssub.s32 $0x0, s20;
	[sflag:s22] =	ssyncset.done $0x0  }
0xa0: {  	[sflag:s22] =	ssyncadd.s32 s4;
	_ =	sdelay $0x1  }
0xa1: {  	s23 =	simm.s32 $0x1B8B  }
0xa2: {  	_ =	swait.ge [sflag:s23], $0x1  }
0xa3: {  	[sflag:s23] =	ssyncset.done $0x0  }
0xa4: {  	s25 =	simm.s32 $0x1B8E;
	s24 =	sld [smem:$0x3FFE];
	[sflag:s23] =	ssyncadd.s32 $0xFFFFFFFF  }
0xa5: {  	s26 =	simm.s32 $execute0_lowered;
	[smem:$0x3FD2] =	sst s25  }
0xa6: {  	s5 =	sshll.u32 s26, $0x1;
	_ =	strace $0x80000046;
	[dreg:$0x1] =	wrdreg $0xFFFFFFFF  }
0xa7: {  	s28 =	simm.s32 $_size_execute0_lowered;
	s3 =	sadd.s32 s3, s5;
	[dreg:$0x0] =	wrdreg $0x0  }
0xa8: {  	s5 =	sshll.u32 s28, $0x1;
	[dreg:$0x2] =	wrdreg s3  }
0xa9: {  	[dreg:$0x3] =	wrdreg s5  }
0xaa: {  	[dreg:$0x4] =	wrdreg $0xC0  }
0xab: {  	_ =	task [dreg:s7], $0x5FFFF  }
0xac: {  	[dreg:$0x1] =	wrdreg $0xFFFFFFFF  }
0xad: {  	[dreg:$0x0] =	wrdreg $0x60  }
0xae: {  	[dreg:$0x2] =	wrdreg s2  }
0xaf: {  	[dreg:$0x3] =	wrdreg s24  }
0xb0: {  	[dreg:$0x4] =	wrdreg $0xD7A00  }
0xb1: {  	[dreg:$0x5] =	wrdreg $0x173E00  }
0xb2: {  	[dreg:$0x6] =	wrdreg $0x9  }
0xb3: {  	_ =	task.clear_ibuf [dreg:s7], $0x7FFFF;
	_ =	strace $0x90000046  }
0xb4: {  	s29 =	simm.s32 $0x9;
	_ =	strace $0x80000048  }
0xb5: {  	_ =	swait.ge [sflag:s29], $0x1  }
0xb6: {  	[sflag:s29] =	ssyncadd.s32 $0xFFFFFFFF  }
0xb7: {  	_ =	strace $0x90000048  }
0xb8: {  	_ =	sfence  }
0xb9: {  	s30 =	sld [smem:$0x0];
	_ =	sdelay $0x2  }
0xba: {  	s31 =	sshll.u32 s1, $0xD;
	s1 =	sshrl.u32 s1, $0x2  }
0xbb: {  	s3 =	sand.u32 $0x4000, s31;
	s1 =	sadd.s32 s1, s30  }
0xbc: {  	s0 =	sor.u32 s3, s0;
	s1 =	sshll.u32 s1, $0x11  }
0xbd: {  	s0 =	sor.u32 s1, s0  }
0xbe: {  	s0 =	sadd.s32 $0x8F2B, s0  }
0xbf: {  	[sflag:s0] =	ssyncadd.remote.s32 $0x1  }
0xc0: {  	_ =	sfence.sel $0xFFFF  }
0xc1: {  	[dreg:$0x0] =	wrdreg $0xFFFFFFFF;
	(pc) =	sbr.abs _section_cstart, $3  }
0xc2: {  	[dreg:$0x1] =	wrdreg $0xFFFFFFFF  }
0xc3: {  	_ =	task.clear_ibuf [dreg:s7], $0x2FFFF;
	_ =	strace $0x9FFFFFFF  }
0xc4: {  	(tm) =	ssettm $0x7FFFFFFF  }
0xc5: {  	_ =	shalt  }
tec
execute0_lowered:
.L_overlay_start_1:
0x0: {  	(tag) =	ssettag $0x1  }
0x1: {  	s0 =	rddreg [dreg:$0x0];
	s1 =	srdreg.scid  }
0x2: {  	s2 =	rddreg [dreg:$0x1];
	s16 =	stileid.u32  }
0x3: {  	s3 =	rddreg [dreg:$0x2];
	s7 =	smul.u32 $0x13800, s16  }
0x4: {  	s4 =	rddreg [dreg:$0x3];
	s29 =	simm.s32 $0xA;
	s8 =	smul.u32 $0x2700, s16  }
0x5: {  	s30 =	simm.s32 $0xF;
	s1 =	sand.u32 $0x1, s1;
	s15 =	smul.u32 $0x270, s16  }
0x6: {  	s18 =	smul.u32 $0x9C00, s16;
	s20 =	sadd.s32 $0x29A00, s2;
	s21 =	sadd.s32 $0x41F20, s2  }
0x7: {  	s23 =	sadd.s32 $0x42400, s2;
	s26 =	sadd.s32 $0x3D400, s2;
	s28 =	smul.u32 $0x27000, s16  }
0x8: {  	p1 =	sne.s32 s16, $0xF;
	s5 =	sshll.u32 s1, $0x4;
	s10 =	ssub.s32 $0x2, s1  }
0x9: {  	p0 =	seq.s32 s1, $0x1;
	s6 =	sor.u32 s16, s5;
	s5 =	simm.s32 $0x0  }
0xa: {  	s9 =	sshrl.u32 s7, $0x4;
	s31 =	sshrl.u32 s8, $0x3;
	s11 =	sshrl.u32 s10, $0x1  }
0xb: {  	s17 =	sshrl.u32 s7, $0x1;
	s22 =	sshrl.u32 s18, $0x2;
	[smem:$0x7FF] =	sst s5  }
0xc: {  	s7 =	sadd.s32 $0x68, s15;
	_ =	strace $0x80000047;
	[dreg:$0x9] =	wrdreg s20  }
0xd: {  	s1 =	sshrl.u32 s28, $0x2;
	s18 =	sadd.s32 $0x138, s15;
	[dreg:$0xa] =	wrdreg s21  }
0xe: {  	s6 =	smul.u32 $0x4E2, s6;
	s12 =	sadd.s32 s9, s2;
	[dreg:$0xb] =	wrdreg s23  }
0xf: {  	s13 =	sadd.s32 s31, s2;
	s31 =	sadd.s32 $0x46F20, s2;
	[dreg:$0xe] =	wrdreg s26  }
0x10: {  	s10 =	ssub.s32 s10, s11;
	s1 =	sadd.s32 s1, s3;
	[dreg:$0xf] =	wrdreg s31  }
0x11: {  	s9 =	sadd.s32 s17, s3;
	s14 =	sadd.s32 $0x16200, s12;
	[dreg:$0x12] =	wrdreg s1  }
0x12: {  	s19 =	sadd.s32 $0x3D600, s13;
	s24 =	sadd.s32 $0x29C00, s12;
	[dreg:$0x7] =	wrdreg s14  }
0x13: {  	s25 =	sadd.s32 $0x42600, s13;
	s13 =	sadd.s32 $0xD0, s15;
	[dreg:$0x8] =	wrdreg s19  }
0x14: {  	s20 =	sshll.u32 s18, $0x6;
	s23 =	sadd.s32 $0x208, s15;
	[dreg:$0xc] =	wrdreg s24  }
0x15: {  	s6 =	sadd.s32 s6, s2;
	s14 =	sadd.s32 s22, s4;
	[dreg:$0xd] =	wrdreg s25  }
0x16: {  	s2 =	sadd.s32 $0x47400, s2;
	s17 =	sshll.u32 s13, $0x6;
	s19 =	sadd.s32 $0x1A0, s15  }
0x17: {  	s1 =	sshll.u32 s13, $0x4;
	s24 =	sshll.u32 s23, $0x6;
	s25 =	sshll.u32 s18, $0x4  }
0x18: {  	s13 =	simm.s32 $0xD120;
	s15 =	simm.s32 $0x50;
	s18 =	simm.s32 $0x7620  }
0x19: {  	s11 =	sadd.s32 $0xC400, s6;
	s6 =	sadd.s32 $0x2600, s6;
	[dreg:$0x10] =	wrdreg s2  }
0x1a: {  	s21 =	sshll.u32 s19, $0x6;
	s2 =	sshll.u32 s7, $0x4;
	s1 =	sadd.s32 s1, s4  }
0x1b: {  	s26 =	sshll.u32 s19, $0x4;
	s19 =	simm.s32 $0x8A20;
	[dreg:$0x5] =	wrdreg s11  }
0x1c: {  	[dreg:$0x6] =	wrdreg s6;
	s11 =	sadd.s32 s8, s4;
	s8 =	smax.u32 s10, $0x1  }
0x1d: {  	s10 =	sshll.u32 s7, $0x6;
	s6 =	sadd.s32 s17, s3;
	[dreg:$0x19] =	wrdreg s1  }
0x1e: {  	s22 =	sadd.s32 s21, s3;
	s2 =	sadd.s32 s2, s4;
	[dreg:$0x11] =	wrdreg s8  }
0x1f: {  	s1 =	sadd.s32 s25, s4;
	s28 =	sadd.s32 s26, s4;
	[dreg:$0x14] =	wrdreg s6  }
0x20: {  	s7 =	sadd.s32 $0x9C000, s3;
	s17 =	simm.s32 $0x6220;
	[dreg:$0x16] =	wrdreg s22  }
0x21: {  	s21 =	simm.s32 $0x1;
	s25 =	simm.s32 $0x4;
	[dreg:$0x18] =	wrdreg s2  }
0x22: {  	s26 =	simm.s32 $0x5;
	s12 =	sadd.s32 s10, s3;
	[dreg:$0x1a] =	wrdreg s1  }
0x23: {  	s6 =	sadd.s32 s20, s3;
	s10 =	sadd.s32 s24, s3;
	[dreg:$0x1b] =	wrdreg s28  }
0x24: {  	s1 =	simm.s32 @!p1 $0x0;
	s8 =	sadd.s32 $0x27000, s4;
	[dreg:$0x13] =	wrdreg s12  }
0x25: {  	s20 =	simm.s32 $0x9E20;
	s22 =	simm.s32 $0xB220;
	[dreg:$0x15] =	wrdreg s6  }
0x26: {  	s24 =	simm.s32 $0x3;
	[dreg:$0x17] =	wrdreg s10;
	s6 =	sshll.u32 s23, $0x4  }
0x27: {  	s1 =	simm.s32 @p1 $0x1;
	p1 =	seq.s32 s16, $0xF;
	s10 =	simm.s32 $0xB720  }
0x28: {  	s12 =	simm.s32 $0x10;
	[smem:$0x7FB] =	sst s1;
	s1 =	simm.s32 @!p1 $0x0  }
0x29: {  	s31 =	sadd.s32 s6, s4;
	s1 =	simm.s32 @p1 $0x1;
	p1 =	sne.s32 @p0 s16, $0xF  }
0x2a: {  	s23 =	simm.s32 $0x2;
	[dreg:$0x1c] =	wrdreg s31;
	p2 =	por !p1, !p0  }
0x2b: {  	[smem:$0x7FC] =	sst s1;
	p4 =	por p1, !p0;
	s1 =	simm.s32 @!p2 $0x0  }
0x2c: {  	p1 =	sne.s32 @!p0 s16, $0xF;
	s16 =	simm.s32 $0x4E20;
	s1 =	simm.s32 @p2 $0x1  }
0x2d: {  	v0 =	vimm.bf16 $0.0e+00;
	v1 =	vimm.f32 $0.0e+00;
	v2 =	vimm.f32 $1.000000000e+00;
	p5 =	por !p1, p0;
	p6 =	por p1, p0;
	[smem:$0x7FD] =	sst s1  }
.LBB2_1:
0x2e: {  	s2 =	simm.s32 $0x100;
	s1 =	simm.s32 $0x0  }
.LBB2_2:
0x2f: {  	p1 =	sne.s32 s2, $0x6700;
	[tilespmem:s1+$0xB750] =	vst v0;
	s6 =	smov.u32 s2;
	s2 =	sadd.s32 $0x100, s2  }
.Ltmp0:
0x30: {  	[tilespmem:s1+$0xB740] =	vst v0;
	(pc) =	sbr.rel @p1 .LBB2_2-.Ltmp0, $3  }
0x31: {  	[tilespmem:s1+$0xB720] =	vst v0  }
0x32: {  	[tilespmem:s1+$0xB730] =	vst v0;
	_ =	sdelay $0x1  }
0x33: {  	s1 =	sshra.s32 s6, $0x2  }
0x34: {  	[tilespmem:s1+$0xB750] =	vst v0  }
0x35: {  	[tilespmem:s1+$0xB740] =	vst v0  }
0x36: {  	[tilespmem:s1+$0xB720] =	vst v0  }
0x37: {  	[tilespmem:s1+$0xB730] =	vst v0;
	s6 =	rddreg [dreg:$0x12]  }
0x38: {  	[spmem:s6] =	stream.linear.scatter [tilespmem:s10], [sflag:$0x10], $0x1A00, $0x38;
	[tilespmem:$0x19AF0] =	vst v63  }
0x39: {  	_ =	swait.ge [sflag:s12], $0x1A00  }
0x3a: {  	[sflag:s12] =	ssyncset.done $0x0  }
0x3b: {  	s28 =	rddreg [dreg:$0x13];
	[sflag:s12] =	ssyncadd.s32 $0xFFFFE600  }
0x3c: {  	[spmem:s28] =	stream.linear.scatter [tilespmem:s10], [sflag:$0x10], $0x1A00, $0x38;
	[tilespmem:$0x19AF0] =	vst v63  }
0x3d: {  	_ =	swait.ge [sflag:s12], $0x1A00  }
0x3e: {  	[sflag:s12] =	ssyncset.done $0x0  }
0x3f: {  	s31 =	rddreg [dreg:$0x14];
	[sflag:s12] =	ssyncadd.s32 $0xFFFFE600  }
0x40: {  	[spmem:s31] =	stream.linear.scatter [tilespmem:s10], [sflag:$0x10], $0x1A00, $0x38;
	[tilespmem:$0x19AF0] =	vst v63  }
0x41: {  	_ =	swait.ge [sflag:s12], $0x1A00  }
0x42: {  	[sflag:s12] =	ssyncset.done $0x0  }
0x43: {  	s2 =	rddreg [dreg:$0x15];
	[sflag:s12] =	ssyncadd.s32 $0xFFFFE600  }
0x44: {  	[spmem:s2] =	stream.linear.scatter [tilespmem:s10], [sflag:$0x10], $0x1A00, $0x38;
	[tilespmem:$0x19AF0] =	vst v63  }
0x45: {  	_ =	swait.ge [sflag:s12], $0x1A00  }
0x46: {  	[sflag:s12] =	ssyncset.done $0x0  }
0x47: {  	s6 =	rddreg [dreg:$0x16];
	[sflag:s12] =	ssyncadd.s32 $0xFFFFE600  }
0x48: {  	[spmem:s6] =	stream.linear.scatter [tilespmem:s10], [sflag:$0x10], $0x1A00, $0x38;
	[tilespmem:$0x19AF0] =	vst v63  }
0x49: {  	_ =	swait.ge [sflag:s12], $0x1A00  }
0x4a: {  	[sflag:s12] =	ssyncset.done $0x0  }
0x4b: {  	s28 =	rddreg [dreg:$0x17];
	[sflag:s12] =	ssyncadd.s32 $0xFFFFE600  }
0x4c: {  	[spmem:s28] =	stream.linear.scatter [tilespmem:s10], [sflag:$0x10], $0x1A00, $0x38;
	[tilespmem:$0x19AF0] =	vst v63  }
0x4d: {  	_ =	swait.ge [sflag:s12], $0x1A00  }
0x4e: {  	s31 =	sld [smem:$0x7FB];
	_ =	sdelay $0x2  }
0x4f: {  	[sflag:s12] =	ssyncset.done $0x0;
	p1 =	seq.s32 s31, $0x1  }
0x50: {  	[sflag:s12] =	ssyncadd.s32 $0xFFFFE600;
	s1 =	simm.s32 @!p1 $0xB720  }
0x51: {  	[spmem:s7] =	stream.linear.scatter @!p1 [tilespmem:s1], [sflag:$0x10], $0x400, $0x38;
	[tilespmem:$0x19AF0] =	vst v63  }
0x52: {  	s1 =	simm.s32 @!p1 $0x10  }
0x53: {  	_ =	swait.ge @!p1 [sflag:s1], $0x400  }
0x54: {  	[sflag:s1] =	ssyncset.done @!p1 $0x0  }
0x55: {  	s2 =	simm.s32 $0x0;
	[sflag:s1] =	ssyncadd.s32 @!p1 $0xFFFFFC00;
	s1 =	simm.s32 $0x40  }
.LBB2_4:
0x56: {  	p1 =	seq.s32 s1, $0x19C0;
	[tilespmem:s2+$0xD120] =	vst v1;
	s2 =	smov.u32 s1;
	s1 =	sadd.s32 $0x40, s1  }
.Ltmp1:
0x57: {  	(pc) =	sbr.rel @!p1 .LBB2_4-.Ltmp1, $2  }
0x58: {  	_ =	sdelay $0x2  }
0x59: {  	s2 =	sshra.s32 s2, $0x2  }
0x5a: {  	[tilespmem:s2+$0xD120] =	vst v1;
	s1 =	simm.s32 $0x40;
	s2 =	simm.s32 $0x0  }
.LBB2_6:
0x5b: {  	p1 =	seq.s32 s1, $0x13C0;
	[tilespmem:s2+$0xB220] =	vst v2;
	s2 =	smov.u32 s1;
	s1 =	sadd.s32 $0x40, s1  }
.Ltmp2:
0x5c: {  	(pc) =	sbr.rel @!p1 .LBB2_6-.Ltmp2, $2  }
0x5d: {  	_ =	sdelay $0x2  }
0x5e: {  	s2 =	sshra.s32 s2, $0x2  }
0x5f: {  	[tilespmem:s2+$0xB220] =	vst v2  }
0x60: {  	[spmem:s14] =	stream.linear.scatter [tilespmem:s13], [sflag:$0x10], $0x680, $0x38;
	[tilespmem:$0x19AF0] =	vst v63  }
0x61: {  	_ =	swait.ge [sflag:s12], $0x680  }
0x62: {  	[sflag:s12] =	ssyncset.done $0x0  }
0x63: {  	s1 =	rddreg [dreg:$0x18];
	[sflag:s12] =	ssyncadd.s32 $0xFFFFF980  }
0x64: {  	[spmem:s1] =	stream.linear.scatter [tilespmem:s13], [sflag:$0x10], $0x680, $0x38;
	[tilespmem:$0x19AF0] =	vst v63  }
0x65: {  	_ =	swait.ge [sflag:s12], $0x680  }
0x66: {  	[sflag:s12] =	ssyncset.done $0x0  }
0x67: {  	s28 =	rddreg [dreg:$0x19];
	[sflag:s12] =	ssyncadd.s32 $0xFFFFF980  }
0x68: {  	[spmem:s28] =	stream.linear.scatter [tilespmem:s13], [sflag:$0x10], $0x680, $0x38;
	[tilespmem:$0x19AF0] =	vst v63  }
0x69: {  	_ =	swait.ge [sflag:s12], $0x680  }
0x6a: {  	[sflag:s12] =	ssyncset.done $0x0  }
0x6b: {  	s2 =	rddreg [dreg:$0x1a];
	[sflag:s12] =	ssyncadd.s32 $0xFFFFF980  }
0x6c: {  	[spmem:s2] =	stream.linear.scatter [tilespmem:s13], [sflag:$0x10], $0x680, $0x38;
	[tilespmem:$0x19AF0] =	vst v63  }
0x6d: {  	_ =	swait.ge [sflag:s12], $0x680  }
0x6e: {  	[sflag:s12] =	ssyncset.done $0x0  }
0x6f: {  	s6 =	rddreg [dreg:$0x1b];
	[sflag:s12] =	ssyncadd.s32 $0xFFFFF980  }
0x70: {  	[spmem:s6] =	stream.linear.scatter [tilespmem:s13], [sflag:$0x10], $0x680, $0x38;
	[tilespmem:$0x19AF0] =	vst v63  }
0x71: {  	_ =	swait.ge [sflag:s12], $0x680  }
0x72: {  	[sflag:s12] =	ssyncset.done $0x0  }
0x73: {  	s28 =	rddreg [dreg:$0x1c];
	[sflag:s12] =	ssyncadd.s32 $0xFFFFF980  }
0x74: {  	[spmem:s28] =	stream.linear.scatter [tilespmem:s13], [sflag:$0x10], $0x680, $0x38;
	[tilespmem:$0x19AF0] =	vst v63  }
0x75: {  	_ =	swait.ge [sflag:s12], $0x680  }
0x76: {  	s2 =	sld [smem:$0x7FC];
	_ =	sdelay $0x2  }
0x77: {  	[sflag:s12] =	ssyncset.done $0x0;
	p1 =	seq.s32 s2, $0x1  }
0x78: {  	[sflag:s12] =	ssyncadd.s32 $0xFFFFF980;
	s1 =	simm.s32 @p1 $0xD120  }
0x79: {  	[spmem:s8] =	stream.linear.scatter @p1 [tilespmem:s1], [sflag:$0x10], $0x100, $0x38;
	[tilespmem:$0x19AF0] =	vst v63  }
0x7a: {  	s1 =	simm.s32 @p1 $0x10  }
0x7b: {  	_ =	swait.ge @p1 [sflag:s1], $0x100  }
0x7c: {  	[sflag:s1] =	ssyncset.done @p1 $0x0  }
0x7d: {  	s6 =	rddreg [dreg:$0x5];
	[sflag:s1] =	ssyncadd.s32 @p1 $0xFFFFFF00;
	s1 =	simm.s32 $0x0  }
0x7e: {  	[tilespmem:s1], [sflag:$0x10] =	stream.linear.gather [hbm4b:s6+s1], $0x2710, $0x38;
	[tilespmem:$0x19AF0] =	vst v63  }
0x7f: {  	_ =	swait.ge [sflag:s12], $0x2710  }
0x80: {  	[sflag:s12] =	ssyncset.done $0x0  }
0x81: {  	s6 =	simm.s32 $0x2710;
	s28 =	rddreg [dreg:$0x6];
	[sflag:s12] =	ssyncadd.s32 $0xFFFFD8F0  }
0x82: {  	[tilespmem:s6], [sflag:$0x10] =	stream.linear.gather [hbm4b:s28+s1], $0x2710, $0x38;
	[tilespmem:$0x19AF0] =	vst v63  }
0x83: {  	_ =	swait.ge [sflag:s12], $0x2710  }
0x84: {  	p2 =	por $0x1, $0x1;
	[sflag:s12] =	ssyncset.done $0x0  }
0x85: {  	p1 =	por p2, p2;
	[sflag:s12] =	ssyncadd.s32 $0xFFFFD8F0  }
0x86: {  	s1 =	simm.s32 @!p1 $0x6;
	[bflag:$0x0] =	sbarrier.arrive $0xFFFF  }
0x87: {  	_ =	swait.ge @!p1 [sflag:s1], $0x1400  }
0x88: {  	[sflag:s1] =	ssyncset.done @!p1 $0x0  }
0x89: {  	[sflag:s1] =	ssyncadd.s32 @!p1 $0xFFFFEC00;
	s1 =	simm.s32 @!p1 $0xB  }
0x8a: {  	_ =	swait.ge @!p1 [sflag:s1], $0x500  }
0x8b: {  	[sflag:s1] =	ssyncset.done @!p1 $0x0  }
0x8c: {  	[sflag:s1] =	ssyncadd.s32 @!p1 $0xFFFFFB00;
	s1 =	simm.s32 @!p1 $0x7  }
0x8d: {  	_ =	swait.ge @!p1 [sflag:s1], $0x1400  }
0x8e: {  	[sflag:s1] =	ssyncset.done @!p1 $0x0  }
0x8f: {  	[sflag:s1] =	ssyncadd.s32 @!p1 $0xFFFFEC00;
	s1 =	simm.s32 @!p1 $0xC  }
0x90: {  	_ =	swait.ge @!p1 [sflag:s1], $0x500  }
0x91: {  	[sflag:s1] =	ssyncset.done @!p1 $0x0  }
0x92: {  	[sflag:s1] =	ssyncadd.s32 @!p1 $0xFFFFFB00;
	s1 =	simm.s32 @!p1 $0x8  }
0x93: {  	_ =	swait.ge @!p1 [sflag:s1], $0x1400  }
0x94: {  	[sflag:s1] =	ssyncset.done @!p1 $0x0  }
0x95: {  	[sflag:s1] =	ssyncadd.s32 @!p1 $0xFFFFEC00;
	s1 =	simm.s32 @!p1 $0xD  }
0x96: {  	_ =	swait.ge @!p1 [sflag:s1], $0x500  }
0x97: {  	[sflag:s1] =	ssyncset.done @!p1 $0x0  }
0x98: {  	[sflag:s1] =	ssyncadd.s32 @!p1 $0xFFFFFB00;
	s1 =	simm.s32 @!p1 $0x9  }
0x99: {  	_ =	swait.ge @!p1 [sflag:s1], $0x1400  }
0x9a: {  	[sflag:s1] =	ssyncset.done @!p1 $0x0  }
0x9b: {  	[sflag:s1] =	ssyncadd.s32 @!p1 $0xFFFFEC00;
	s1 =	simm.s32 @!p1 $0xE  }
0x9c: {  	_ =	swait.ge @!p1 [sflag:s1], $0x500  }
0x9d: {  	[sflag:s1] =	ssyncset.done @!p1 $0x0  }
0x9e: {  	[sflag:s1] =	ssyncadd.s32 @!p1 $0xFFFFFB00;
	s1 =	simm.s32 @!p1 $0xA  }
0x9f: {  	_ =	swait.ge @!p1 [sflag:s1], $0x1400  }
0xa0: {  	[sflag:s1] =	ssyncset.done @!p1 $0x0  }
0xa1: {  	[sflag:s1] =	ssyncadd.s32 @!p1 $0xFFFFEC00;
	s1 =	simm.s32 @!p1 $0xF  }
0xa2: {  	_ =	swait.ge @!p1 [sflag:s1], $0x500  }
0xa3: {  	[sflag:s1] =	ssyncset.done @!p1 $0x0  }
0xa4: {  	s2 =	simm.s32 $0x0;
	[sflag:s1] =	ssyncadd.s32 @!p1 $0xFFFFFB00  }
0xa5: {  	[tilespmem:s16], [sflag:$0x1] =	stream.indirect.gather [hbm4b:s0+s15], $0x40, s2, s15, $0xb8;
	[tilespmem:$0x19AF0] =	vst v63  }
0xa6: {  	s6 =	simm.s32 $0x50  }
0xa7: {  	[tilespmem:s17], [sflag:$0x2] =	stream.indirect.gather [hbm4b:s0+s15], $0x40, s6, s15, $0xb8;
	[tilespmem:$0x19AF0] =	vst v63  }
0xa8: {  	s28 =	simm.s32 $0xA0  }
0xa9: {  	[tilespmem:s18], [sflag:$0x3] =	stream.indirect.gather [hbm4b:s0+s15], $0x40, s28, s15, $0xb8;
	[tilespmem:$0x19AF0] =	vst v63  }
0xaa: {  	s2 =	simm.s32 $0xF0  }
0xab: {  	[tilespmem:s19], [sflag:$0x4] =	stream.indirect.gather [hbm4b:s0+s15], $0x40, s2, s15, $0xb8;
	[tilespmem:$0x19AF0] =	vst v63  }
0xac: {  	s6 =	simm.s32 $0x140  }
0xad: {  	[tilespmem:s20], [sflag:$0x5] =	stream.indirect.gather [hbm4b:s0+s15], $0x40, s6, s15, $0xb8;
	[tilespmem:$0x19AF0] =	vst v63  }
0xae: {  	_ =	swait.ge [sflag:s21], $0x1400  }
0xaf: {  	[sflag:s21] =	ssyncset.done $0x0  }
0xb0: {  	s28 =	simm.s32 $0x2710;
	[sflag:s21] =	ssyncadd.s32 $0xFFFFEC00  }
0xb1: {  	[spmem:s3] =	stream.indirect.scatter.add.bf16 [tilespmem:s16], [sflag:$0x6], $0x40, s28, s15, $0xb8;
	[tilespmem:$0x19AF0] =	vst v63  }
0xb2: {  	_ = 	snop  }
0xb3: {  	[spmem:s4] =	stream.indirect.scatter.add.f32 [tilespmem:s22], [sflag:$0xB], $0x10, s28, s15, $0xb8;
	[tilespmem:$0x19AF0] =	vst v63  }
0xb4: {  	_ =	swait.ge [sflag:s23], $0x1400  }
0xb5: {  	[sflag:s23] =	ssyncset.done $0x0  }
0xb6: {  	s2 =	simm.s32 $0x2760;
	[sflag:s23] =	ssyncadd.s32 $0xFFFFEC00  }
0xb7: {  	[spmem:s3] =	stream.indirect.scatter.add.bf16 [tilespmem:s17], [sflag:$0x7], $0x40, s2, s15, $0xb8;
	[tilespmem:$0x19AF0] =	vst v63  }
0xb8: {  	_ = 	snop  }
0xb9: {  	[spmem:s4] =	stream.indirect.scatter.add.f32 [tilespmem:s22], [sflag:$0xC], $0x10, s2, s15, $0xb8;
	[tilespmem:$0x19AF0] =	vst v63  }
0xba: {  	_ =	swait.ge [sflag:s24], $0x1400  }
0xbb: {  	[sflag:s24] =	ssyncset.done $0x0  }
0xbc: {  	s6 =	simm.s32 $0x27B0;
	[sflag:s24] =	ssyncadd.s32 $0xFFFFEC00  }
0xbd: {  	[spmem:s3] =	stream.indirect.scatter.add.bf16 [tilespmem:s18], [sflag:$0x8], $0x40, s6, s15, $0xb8;
	[tilespmem:$0x19AF0] =	vst v63  }
0xbe: {  	_ = 	snop  }
0xbf: {  	[spmem:s4] =	stream.indirect.scatter.add.f32 [tilespmem:s22], [sflag:$0xD], $0x10, s6, s15, $0xb8;
	[tilespmem:$0x19AF0] =	vst v63  }
0xc0: {  	_ =	swait.ge [sflag:s25], $0x1400  }
0xc1: {  	[sflag:s25] =	ssyncset.done $0x0  }
0xc2: {  	s28 =	simm.s32 $0x2800;
	[sflag:s25] =	ssyncadd.s32 $0xFFFFEC00  }
0xc3: {  	[spmem:s3] =	stream.indirect.scatter.add.bf16 [tilespmem:s19], [sflag:$0x9], $0x40, s28, s15, $0xb8;
	[tilespmem:$0x19AF0] =	vst v63  }
0xc4: {  	_ = 	snop  }
0xc5: {  	[spmem:s4] =	stream.indirect.scatter.add.f32 [tilespmem:s22], [sflag:$0xE], $0x10, s28, s15, $0xb8;
	[tilespmem:$0x19AF0] =	vst v63  }
0xc6: {  	p3 =	por $0x0, $0x0;
	_ =	swait.ge [sflag:s26], $0x1400  }
0xc7: {  	s31 =	simm.s32 $0x640;
	s1 =	simm.s32 $0x2850;
	[sflag:s26] =	ssyncset.done $0x0  }
0xc8: {  	p1 =	por p3, p3;
	s2 =	simm.s32 $0xC80;
	[sflag:s26] =	ssyncadd.s32 $0xFFFFEC00  }
0xc9: {  	[spmem:s3] =	stream.indirect.scatter.add.bf16 [tilespmem:s20], [sflag:$0xA], $0x40, s1, s15, $0xb8;
	[tilespmem:$0x19AF0] =	vst v63  }
.LBB2_8:
0xca: {  	[spmem:s4] =	stream.indirect.scatter.add.f32 [tilespmem:s22], [sflag:$0xF], $0x10, s1, s15, $0xb8;
	[tilespmem:$0x19AF0] =	vst v63  }
0xcb: {  	s6 =	smov.u32 s2  }
0xcc: {  	s2 =	sadd.s32 $0x640, s2;
	s1 =	simm.s32 @!p1 $0x6;
	p3 =	seq.s32 s6, $0x0  }
0xcd: {  	p2 =	sne.s32 s2, $0x9C40;
	_ =	swait.ge @!p1 [sflag:s1], $0x1400  }
0xce: {  	[sflag:s1] =	ssyncset.done @!p1 $0x0  }
0xcf: {  	[sflag:s1] =	ssyncadd.s32 @!p1 $0xFFFFEC00;
	s1 =	simm.s32 @!p1 $0xB  }
0xd0: {  	_ =	swait.ge @!p1 [sflag:s1], $0x500  }
0xd1: {  	[sflag:s1] =	ssyncset.done @!p1 $0x0  }
0xd2: {  	[sflag:s1] =	ssyncadd.s32 @!p1 $0xFFFFFB00;
	s1 =	simm.s32 @!p1 $0x7  }
0xd3: {  	_ =	swait.ge @!p1 [sflag:s1], $0x1400  }
0xd4: {  	[sflag:s1] =	ssyncset.done @!p1 $0x0  }
0xd5: {  	[sflag:s1] =	ssyncadd.s32 @!p1 $0xFFFFEC00;
	s1 =	simm.s32 @!p1 $0xC  }
0xd6: {  	_ =	swait.ge @!p1 [sflag:s1], $0x500  }
0xd7: {  	[sflag:s1] =	ssyncset.done @!p1 $0x0  }
0xd8: {  	[sflag:s1] =	ssyncadd.s32 @!p1 $0xFFFFFB00;
	s1 =	simm.s32 @!p1 $0x8  }
0xd9: {  	_ =	swait.ge @!p1 [sflag:s1], $0x1400  }
0xda: {  	[sflag:s1] =	ssyncset.done @!p1 $0x0  }
0xdb: {  	[sflag:s1] =	ssyncadd.s32 @!p1 $0xFFFFEC00;
	s1 =	simm.s32 @!p1 $0xD  }
0xdc: {  	_ =	swait.ge @!p1 [sflag:s1], $0x500  }
0xdd: {  	[sflag:s1] =	ssyncset.done @!p1 $0x0  }
0xde: {  	[sflag:s1] =	ssyncadd.s32 @!p1 $0xFFFFFB00;
	s1 =	simm.s32 @!p1 $0x9  }
0xdf: {  	_ =	swait.ge @!p1 [sflag:s1], $0x1400  }
0xe0: {  	[sflag:s1] =	ssyncset.done @!p1 $0x0  }
0xe1: {  	[sflag:s1] =	ssyncadd.s32 @!p1 $0xFFFFEC00;
	s1 =	simm.s32 @!p1 $0xE  }
0xe2: {  	_ =	swait.ge @!p1 [sflag:s1], $0x500  }
0xe3: {  	[sflag:s1] =	ssyncset.done @!p1 $0x0  }
0xe4: {  	[sflag:s1] =	ssyncadd.s32 @!p1 $0xFFFFFB00;
	s1 =	simm.s32 @!p1 $0xA  }
0xe5: {  	_ =	swait.ge @!p1 [sflag:s1], $0x1400  }
0xe6: {  	[sflag:s1] =	ssyncset.done @!p1 $0x0  }
0xe7: {  	[sflag:s1] =	ssyncadd.s32 @!p1 $0xFFFFEC00;
	s1 =	simm.s32 @!p1 $0xF  }
0xe8: {  	_ =	swait.ge @!p1 [sflag:s1], $0x500  }
0xe9: {  	[sflag:s1] =	ssyncset.done @!p1 $0x0  }
0xea: {  	[sflag:s1] =	ssyncadd.s32 @!p1 $0xFFFFFB00;
	s1 =	sshra.s32 s31, $0x2;
	s31 =	smov.u32 s6  }
0xeb: {  	[tilespmem:s16], [sflag:$0x1] =	stream.indirect.gather [hbm4b:s0+s15], $0x40, s1, s15, $0xb8;
	[tilespmem:$0x19AF0] =	vst v63  }
0xec: {  	p1 =	por p3, p3;
	s6 =	sadd.s32 $0x50, s1  }
0xed: {  	[tilespmem:s17], [sflag:$0x2] =	stream.indirect.gather [hbm4b:s0+s15], $0x40, s6, s15, $0xb8;
	[tilespmem:$0x19AF0] =	vst v63  }
0xee: {  	s6 =	sadd.s32 $0xA0, s1  }
0xef: {  	[tilespmem:s18], [sflag:$0x3] =	stream.indirect.gather [hbm4b:s0+s15], $0x40, s6, s15, $0xb8;
	[tilespmem:$0x19AF0] =	vst v63  }
0xf0: {  	s6 =	sadd.s32 $0xF0, s1  }
0xf1: {  	[tilespmem:s19], [sflag:$0x4] =	stream.indirect.gather [hbm4b:s0+s15], $0x40, s6, s15, $0xb8;
	[tilespmem:$0x19AF0] =	vst v63  }
0xf2: {  	s6 =	sadd.s32 $0x140, s1  }
0xf3: {  	[tilespmem:s20], [sflag:$0x5] =	stream.indirect.gather [hbm4b:s0+s15], $0x40, s6, s15, $0xb8;
	[tilespmem:$0x19AF0] =	vst v63  }
0xf4: {  	_ =	swait.ge [sflag:s21], $0x1400  }
0xf5: {  	[sflag:s21] =	ssyncset.done $0x0  }
0xf6: {  	s6 =	sadd.s32 $0x2710, s1;
	[sflag:s21] =	ssyncadd.s32 $0xFFFFEC00  }
0xf7: {  	[spmem:s3] =	stream.indirect.scatter.add.bf16 [tilespmem:s16], [sflag:$0x6], $0x40, s6, s15, $0xb8;
	[tilespmem:$0x19AF0] =	vst v63  }
0xf8: {  	_ = 	snop  }
0xf9: {  	[spmem:s4] =	stream.indirect.scatter.add.f32 [tilespmem:s22], [sflag:$0xB], $0x10, s6, s15, $0xb8;
	[tilespmem:$0x19AF0] =	vst v63  }
0xfa: {  	_ =	swait.ge [sflag:s23], $0x1400  }
0xfb: {  	[sflag:s23] =	ssyncset.done $0x0  }
0xfc: {  	s6 =	sadd.s32 $0x2760, s1;
	[sflag:s23] =	ssyncadd.s32 $0xFFFFEC00  }
0xfd: {  	[spmem:s3] =	stream.indirect.scatter.add.bf16 [tilespmem:s17], [sflag:$0x7], $0x40, s6, s15, $0xb8;
	[tilespmem:$0x19AF0] =	vst v63  }
0xfe: {  	_ = 	snop  }
0xff: {  	[spmem:s4] =	stream.indirect.scatter.add.f32 [tilespmem:s22], [sflag:$0xC], $0x10, s6, s15, $0xb8;
	[tilespmem:$0x19AF0] =	vst v63  }
0x100: {  	_ =	swait.ge [sflag:s24], $0x1400  }
0x101: {  	[sflag:s24] =	ssyncset.done $0x0  }
0x102: {  	s6 =	sadd.s32 $0x27B0, s1;
	[sflag:s24] =	ssyncadd.s32 $0xFFFFEC00  }
0x103: {  	[spmem:s3] =	stream.indirect.scatter.add.bf16 [tilespmem:s18], [sflag:$0x8], $0x40, s6, s15, $0xb8;
	[tilespmem:$0x19AF0] =	vst v63  }
0x104: {  	_ = 	snop  }
0x105: {  	[spmem:s4] =	stream.indirect.scatter.add.f32 [tilespmem:s22], [sflag:$0xD], $0x10, s6, s15, $0xb8;
	[tilespmem:$0x19AF0] =	vst v63  }
0x106: {  	_ =	swait.ge [sflag:s25], $0x1400  }
0x107: {  	[sflag:s25] =	ssyncset.done $0x0  }
0x108: {  	s6 =	sadd.s32 $0x2800, s1;
	[sflag:s25] =	ssyncadd.s32 $0xFFFFEC00  }
0x109: {  	[spmem:s3] =	stream.indirect.scatter.add.bf16 [tilespmem:s19], [sflag:$0x9], $0x40, s6, s15, $0xb8;
	[tilespmem:$0x19AF0] =	vst v63  }
0x10a: {  	_ = 	snop  }
0x10b: {  	[spmem:s4] =	stream.indirect.scatter.add.f32 [tilespmem:s22], [sflag:$0xE], $0x10, s6, s15, $0xb8;
	[tilespmem:$0x19AF0] =	vst v63  }
.Ltmp3:
0x10c: {  	_ = 	snop;
	(pc) =	sbr.rel @p2 .LBB2_8-.Ltmp3, $4  }
0x10d: {  	_ =	swait.ge [sflag:s26], $0x1400  }
0x10e: {  	[sflag:s26] =	ssyncset.done $0x0  }
0x10f: {  	s1 =	sadd.s32 $0x2850, s1;
	[sflag:s26] =	ssyncadd.s32 $0xFFFFEC00  }
0x110: {  	[spmem:s3] =	stream.indirect.scatter.add.bf16 [tilespmem:s20], [sflag:$0xA], $0x40, s1, s15, $0xb8;
	[tilespmem:$0x19AF0] =	vst v63  }
0x111: {  	[spmem:s4] =	stream.indirect.scatter.add.f32 [tilespmem:s22], [sflag:$0xF], $0x10, s1, s15, $0xb8;
	[tilespmem:$0x19AF0] =	vst v63  }
0x112: {  	s1 =	simm.s32 @!p1 $0x6  }
0x113: {  	_ =	swait.ge @!p1 [sflag:s1], $0x1400  }
0x114: {  	[sflag:s1] =	ssyncset.done @!p1 $0x0  }
0x115: {  	[sflag:s1] =	ssyncadd.s32 @!p1 $0xFFFFEC00;
	s1 =	simm.s32 @!p1 $0xB  }
0x116: {  	_ =	swait.ge @!p1 [sflag:s1], $0x500  }
0x117: {  	[sflag:s1] =	ssyncset.done @!p1 $0x0  }
0x118: {  	[sflag:s1] =	ssyncadd.s32 @!p1 $0xFFFFFB00;
	s1 =	simm.s32 @!p1 $0x7  }
0x119: {  	_ =	swait.ge @!p1 [sflag:s1], $0x1400  }
0x11a: {  	[sflag:s1] =	ssyncset.done @!p1 $0x0  }
0x11b: {  	[sflag:s1] =	ssyncadd.s32 @!p1 $0xFFFFEC00;
	s1 =	simm.s32 @!p1 $0xC  }
0x11c: {  	_ =	swait.ge @!p1 [sflag:s1], $0x500  }
0x11d: {  	[sflag:s1] =	ssyncset.done @!p1 $0x0  }
0x11e: {  	[sflag:s1] =	ssyncadd.s32 @!p1 $0xFFFFFB00;
	s1 =	simm.s32 @!p1 $0x8  }
0x11f: {  	_ =	swait.ge @!p1 [sflag:s1], $0x1400  }
0x120: {  	[sflag:s1] =	ssyncset.done @!p1 $0x0  }
0x121: {  	[sflag:s1] =	ssyncadd.s32 @!p1 $0xFFFFEC00;
	s1 =	simm.s32 @!p1 $0xD  }
0x122: {  	_ =	swait.ge @!p1 [sflag:s1], $0x500  }
0x123: {  	[sflag:s1] =	ssyncset.done @!p1 $0x0  }
0x124: {  	[sflag:s1] =	ssyncadd.s32 @!p1 $0xFFFFFB00;
	s1 =	simm.s32 @!p1 $0x9  }
0x125: {  	_ =	swait.ge @!p1 [sflag:s1], $0x1400  }
0x126: {  	[sflag:s1] =	ssyncset.done @!p1 $0x0  }
0x127: {  	[sflag:s1] =	ssyncadd.s32 @!p1 $0xFFFFEC00;
	s1 =	simm.s32 @!p1 $0xE  }
0x128: {  	_ =	swait.ge @!p1 [sflag:s1], $0x500  }
0x129: {  	[sflag:s1] =	ssyncset.done @!p1 $0x0  }
0x12a: {  	[sflag:s1] =	ssyncadd.s32 @!p1 $0xFFFFFB00;
	s1 =	simm.s32 @!p1 $0xA  }
0x12b: {  	_ =	swait.ge @!p1 [sflag:s1], $0x1400  }
0x12c: {  	[sflag:s1] =	ssyncset.done @!p1 $0x0  }
0x12d: {  	[sflag:s1] =	ssyncadd.s32 @!p1 $0xFFFFEC00;
	s1 =	simm.s32 @!p1 $0xF  }
0x12e: {  	_ =	swait.ge @!p1 [sflag:s1], $0x500  }
0x12f: {  	[sflag:s1] =	ssyncset.done @!p1 $0x0  }
0x130: {  	[sflag:s1] =	ssyncadd.s32 @!p1 $0xFFFFFB00;
	s1 =	sshra.s32 s31, $0x2  }
0x131: {  	[tilespmem:s16], [sflag:$0x1] =	stream.indirect.gather [hbm4b:s0+s15], $0x40, s1, s15, $0xb8;
	[tilespmem:$0x19AF0] =	vst v63  }
0x132: {  	s2 =	sadd.s32 $0x50, s1  }
0x133: {  	[tilespmem:s17], [sflag:$0x2] =	stream.indirect.gather [hbm4b:s0+s15], $0x40, s2, s15, $0xb8;
	[tilespmem:$0x19AF0] =	vst v63  }
0x134: {  	s6 =	sadd.s32 $0xA0, s1  }
0x135: {  	[tilespmem:s18], [sflag:$0x3] =	stream.indirect.gather [hbm4b:s0+s15], $0x40, s6, s15, $0xb8;
	[tilespmem:$0x19AF0] =	vst v63  }
0x136: {  	s28 =	sadd.s32 $0xF0, s1  }
0x137: {  	[tilespmem:s19], [sflag:$0x4] =	stream.indirect.gather [hbm4b:s0+s15], $0x40, s28, s15, $0xb8;
	[tilespmem:$0x19AF0] =	vst v63  }
0x138: {  	s6 =	sadd.s32 $0x140, s1  }
0x139: {  	[tilespmem:s20], [sflag:$0x5] =	stream.indirect.gather [hbm4b:s0+s15], $0x40, s6, s15, $0xb8;
	[tilespmem:$0x19AF0] =	vst v63  }
0x13a: {  	_ =	swait.ge [sflag:s21], $0x1400  }
0x13b: {  	[sflag:s21] =	ssyncset.done $0x0  }
0x13c: {  	s28 =	sadd.s32 $0x2710, s1;
	[sflag:s21] =	ssyncadd.s32 $0xFFFFEC00  }
0x13d: {  	[spmem:s3] =	stream.indirect.scatter.add.bf16 [tilespmem:s16], [sflag:$0x6], $0x40, s28, s15, $0xb8;
	[tilespmem:$0x19AF0] =	vst v63  }
0x13e: {  	_ = 	snop  }
0x13f: {  	[spmem:s4] =	stream.indirect.scatter.add.f32 [tilespmem:s22], [sflag:$0xB], $0x10, s28, s15, $0xb8;
	[tilespmem:$0x19AF0] =	vst v63  }
0x140: {  	_ =	swait.ge [sflag:s23], $0x1400  }
0x141: {  	[sflag:s23] =	ssyncset.done $0x0  }
0x142: {  	s6 =	sadd.s32 $0x2760, s1;
	[sflag:s23] =	ssyncadd.s32 $0xFFFFEC00  }
0x143: {  	[spmem:s3] =	stream.indirect.scatter.add.bf16 [tilespmem:s17], [sflag:$0x7], $0x40, s6, s15, $0xb8;
	[tilespmem:$0x19AF0] =	vst v63  }
0x144: {  	_ = 	snop  }
0x145: {  	[spmem:s4] =	stream.indirect.scatter.add.f32 [tilespmem:s22], [sflag:$0xC], $0x10, s6, s15, $0xb8;
	[tilespmem:$0x19AF0] =	vst v63  }
0x146: {  	_ =	swait.ge [sflag:s24], $0x1400  }
0x147: {  	[sflag:s24] =	ssyncset.done $0x0  }
0x148: {  	s28 =	sadd.s32 $0x27B0, s1;
	[sflag:s24] =	ssyncadd.s32 $0xFFFFEC00  }
0x149: {  	[spmem:s3] =	stream.indirect.scatter.add.bf16 [tilespmem:s18], [sflag:$0x8], $0x40, s28, s15, $0xb8;
	[tilespmem:$0x19AF0] =	vst v63  }
0x14a: {  	_ = 	snop  }
0x14b: {  	[spmem:s4] =	stream.indirect.scatter.add.f32 [tilespmem:s22], [sflag:$0xD], $0x10, s28, s15, $0xb8;
	[tilespmem:$0x19AF0] =	vst v63  }
0x14c: {  	_ =	swait.ge [sflag:s25], $0x1400  }
0x14d: {  	[sflag:s25] =	ssyncset.done $0x0  }
0x14e: {  	s6 =	sadd.s32 $0x2800, s1;
	[sflag:s25] =	ssyncadd.s32 $0xFFFFEC00  }
0x14f: {  	[spmem:s3] =	stream.indirect.scatter.add.bf16 [tilespmem:s19], [sflag:$0x9], $0x40, s6, s15, $0xb8;
	[tilespmem:$0x19AF0] =	vst v63  }
0x150: {  	_ = 	snop  }
0x151: {  	[spmem:s4] =	stream.indirect.scatter.add.f32 [tilespmem:s22], [sflag:$0xE], $0x10, s6, s15, $0xb8;
	[tilespmem:$0x19AF0] =	vst v63  }
0x152: {  	_ =	swait.ge [sflag:s26], $0x1400  }
0x153: {  	[sflag:s26] =	ssyncset.done $0x0  }
0x154: {  	s1 =	sadd.s32 $0x2850, s1;
	[sflag:s26] =	ssyncadd.s32 $0xFFFFEC00  }
0x155: {  	[spmem:s3] =	stream.indirect.scatter.add.bf16 [tilespmem:s20], [sflag:$0xA], $0x40, s1, s15, $0xb8;
	[tilespmem:$0x19AF0] =	vst v63  }
0x156: {  	s28 =	simm.s32 $0x6  }
0x157: {  	[spmem:s4] =	stream.indirect.scatter.add.f32 [tilespmem:s22], [sflag:$0xF], $0x10, s1, s15, $0xb8;
	[tilespmem:$0x19AF0] =	vst v63  }
0x158: {  	_ =	swait.ge [sflag:s28], $0x1400  }
0x159: {  	[sflag:s28] =	ssyncset.done $0x0  }
0x15a: {  	s2 =	simm.s32 $0xB;
	[sflag:s28] =	ssyncadd.s32 $0xFFFFEC00  }
0x15b: {  	_ =	swait.ge [sflag:s2], $0x500  }
0x15c: {  	[sflag:s2] =	ssyncset.done $0x0  }
0x15d: {  	s6 =	simm.s32 $0x7;
	[sflag:s2] =	ssyncadd.s32 $0xFFFFFB00  }
0x15e: {  	_ =	swait.ge [sflag:s6], $0x1400  }
0x15f: {  	[sflag:s6] =	ssyncset.done $0x0  }
0x160: {  	s28 =	simm.s32 $0xC;
	[sflag:s6] =	ssyncadd.s32 $0xFFFFEC00  }
0x161: {  	_ =	swait.ge [sflag:s28], $0x500  }
0x162: {  	[sflag:s28] =	ssyncset.done $0x0  }
0x163: {  	s2 =	simm.s32 $0x8;
	[sflag:s28] =	ssyncadd.s32 $0xFFFFFB00  }
0x164: {  	_ =	swait.ge [sflag:s2], $0x1400  }
0x165: {  	[sflag:s2] =	ssyncset.done $0x0  }
0x166: {  	s6 =	simm.s32 $0xD;
	[sflag:s2] =	ssyncadd.s32 $0xFFFFEC00  }
0x167: {  	_ =	swait.ge [sflag:s6], $0x500  }
0x168: {  	[sflag:s6] =	ssyncset.done $0x0  }
0x169: {  	s28 =	simm.s32 $0x9;
	[sflag:s6] =	ssyncadd.s32 $0xFFFFFB00  }
0x16a: {  	_ =	swait.ge [sflag:s28], $0x1400  }
0x16b: {  	[sflag:s28] =	ssyncset.done $0x0  }
0x16c: {  	s2 =	simm.s32 $0xE;
	[sflag:s28] =	ssyncadd.s32 $0xFFFFEC00  }
0x16d: {  	_ =	swait.ge [sflag:s2], $0x500  }
0x16e: {  	[sflag:s2] =	ssyncset.done $0x0  }
0x16f: {  	[sflag:s2] =	ssyncadd.s32 $0xFFFFFB00  }
0x170: {  	_ =	swait.ge [sflag:s29], $0x1400  }
0x171: {  	[sflag:s29] =	ssyncset.done $0x0  }
0x172: {  	[sflag:s29] =	ssyncadd.s32 $0xFFFFEC00  }
0x173: {  	_ =	swait.ge [sflag:s30], $0x500  }
0x174: {  	[sflag:s30] =	ssyncset.done $0x0  }
0x175: {  	s28 =	stileid.u32;
	[sflag:s30] =	ssyncadd.s32 $0xFFFFFB00  }
0x176: {  	s1 =	sshll.u32 @p0 s28, $0x6;
	[bflag:$0x0] =	sbarrier.arrive $0xFFFF  }
0x177: {  	s1 =	sor.u32 @p0 $0x1C10, s1;
	s2 =	sshrl.u32 @p0 s9, $0x3;
	s6 =	rddreg [dreg:$0xc]  }
0x178: {  	[hbm:s6], [sflag:s1] =	dma.local @p0 [spmem:s2], $0x1380  }
0x179: {  	s2 =	simm.s32 @p0 $0x10  }
0x17a: {  	_ =	swait.ge @p0 [sflag:s2], $0x1380  }
0x17b: {  	s6 =	sld [smem:$0x7FD];
	_ =	sdelay $0x2  }
0x17c: {  	[sflag:s2] =	ssyncset.done @p0 $0x0;
	p1 =	seq.s32 s6, $0x1  }
0x17d: {  	[sflag:s2] =	ssyncadd.s32 @p0 $0xFFFFEC80;
	s6 =	rddreg [dreg:$0xd];
	s2 =	sshrl.u32 @!p1 s11, $0x3  }
0x17e: {  	[hbm:s6], [sflag:s1] =	dma.local @!p1 [spmem:s2], $0x4E0  }
0x17f: {  	s2 =	simm.s32 @!p1 $0x10  }
0x180: {  	_ =	swait.ge @!p1 [sflag:s2], $0x4E0  }
0x181: {  	[sflag:s2] =	ssyncset.done @!p1 $0x0  }
0x182: {  	s6 =	rddreg [dreg:$0xe];
	[sflag:s2] =	ssyncadd.s32 @!p1 $0xFFFFFB20;
	s2 =	sshrl.u32 @!p4 s7, $0x3  }
0x183: {  	[hbm:s6], [sflag:s1] =	dma.local @!p4 [spmem:s2], $0x80  }
0x184: {  	s2 =	simm.s32 @!p4 $0x10  }
0x185: {  	_ =	swait.ge @!p4 [sflag:s2], $0x80  }
0x186: {  	[sflag:s2] =	ssyncset.done @!p4 $0x0  }
0x187: {  	s6 =	sshrl.u32 @!p4 s14, $0x3;
	s31 =	rddreg [dreg:$0xf];
	[sflag:s2] =	ssyncadd.s32 @!p4 $0xFFFFFF80  }
0x188: {  	[hbm:s31], [sflag:s1] =	dma.local @!p4 [spmem:s6], $0x4E0  }
0x189: {  	_ =	swait.ge @!p4 [sflag:s2], $0x4E0  }
0x18a: {  	[sflag:s2] =	ssyncset.done @!p4 $0x0  }
0x18b: {  	s6 =	sshrl.u32 @!p4 s8, $0x3;
	s31 =	rddreg [dreg:$0x10];
	[sflag:s2] =	ssyncadd.s32 @!p4 $0xFFFFFB20  }
0x18c: {  	[hbm:s31], [sflag:s1] =	dma.local @!p4 [spmem:s6], $0x20  }
0x18d: {  	s1 =	sshll.u32 @!p0 s28, $0x6;
	_ =	swait.ge @!p4 [sflag:s2], $0x20  }
0x18e: {  	s1 =	sor.u32 @!p0 $0x1C10, s1;
	[sflag:s2] =	ssyncset.done @!p4 $0x0  }
0x18f: {  	s6 =	rddreg [dreg:$0x7];
	[sflag:s2] =	ssyncadd.s32 @!p4 $0xFFFFFFE0;
	s2 =	sshrl.u32 @!p0 s9, $0x3  }
0x190: {  	[hbm:s6], [sflag:s1] =	dma.local @!p0 [spmem:s2], $0x1380  }
0x191: {  	s2 =	simm.s32 @!p0 $0x10  }
0x192: {  	_ =	swait.ge @!p0 [sflag:s2], $0x1380  }
0x193: {  	[sflag:s2] =	ssyncset.done @!p0 $0x0  }
0x194: {  	s6 =	rddreg [dreg:$0x8];
	[sflag:s2] =	ssyncadd.s32 @!p0 $0xFFFFEC80;
	s2 =	sshrl.u32 @!p5 s11, $0x3  }
0x195: {  	[hbm:s6], [sflag:s1] =	dma.local @!p5 [spmem:s2], $0x4E0  }
0x196: {  	s2 =	simm.s32 @!p5 $0x10  }
0x197: {  	_ =	swait.ge @!p5 [sflag:s2], $0x4E0  }
0x198: {  	[sflag:s2] =	ssyncset.done @!p5 $0x0  }
0x199: {  	s6 =	rddreg [dreg:$0x9];
	[sflag:s2] =	ssyncadd.s32 @!p5 $0xFFFFFB20;
	s2 =	sshrl.u32 @!p6 s7, $0x3  }
0x19a: {  	[hbm:s6], [sflag:s1] =	dma.local @!p6 [spmem:s2], $0x80  }
0x19b: {  	s2 =	simm.s32 @!p6 $0x10  }
0x19c: {  	_ =	swait.ge @!p6 [sflag:s2], $0x80  }
0x19d: {  	[sflag:s2] =	ssyncset.done @!p6 $0x0  }
0x19e: {  	s6 =	sshrl.u32 @!p6 s14, $0x3;
	s28 =	rddreg [dreg:$0xa];
	[sflag:s2] =	ssyncadd.s32 @!p6 $0xFFFFFF80  }
0x19f: {  	[hbm:s28], [sflag:s1] =	dma.local @!p6 [spmem:s6], $0x4E0  }
0x1a0: {  	_ =	swait.ge @!p6 [sflag:s2], $0x4E0  }
0x1a1: {  	[sflag:s2] =	ssyncset.done @!p6 $0x0  }
0x1a2: {  	s6 =	sshrl.u32 @!p6 s8, $0x3;
	s28 =	rddreg [dreg:$0xb];
	[sflag:s2] =	ssyncadd.s32 @!p6 $0xFFFFFB20  }
0x1a3: {  	[hbm:s28], [sflag:s1] =	dma.local @!p6 [spmem:s6], $0x20  }
0x1a4: {  	_ =	swait.ge @!p6 [sflag:s2], $0x20  }
0x1a5: {  	s5 =	sadd.s32 $0x1, s5;
	s28 =	rddreg [dreg:$0x11]  }
0x1a6: {  	p1 =	sne.s32 s5, s28  }
.Ltmp4:
0x1a7: {  	_ = 	snop;
	(pc) =	sbr.rel @p1 .LBB2_1-.Ltmp4, $3  }
0x1a8: {  	_ =	sdelay $0x1  }
0x1a9: {  	[sflag:s2] =	ssyncset.done @!p6 $0x0  }
0x1aa: {  	s31 =	stileid.u32;
	[sflag:s2] =	ssyncadd.s32 @!p6 $0xFFFFFFE0  }
0x1ab: {  	_ =	sfence.sel $0x180000  }
0x1ac: {  	[bflag:$0x0] =	sbarrier.arrive $0xFFFF  }
0x1ad: {  	_ =	strace $0x90000047  }
0x1ae: {  	[bflag:$0x2] =	sbarrier.arrive $0xFFFF  }
0x1af: {  	p0 =	sne.s32 s31, $0x0;
	s0 =	rddreg [dreg:$0x4]  }
0x1b0: {  	s0 =	sadd.s32 @!p0 $0x100000, s0  }
0x1b1: {  	[sflag:s0] =	ssyncadd.tile.s32 @!p0 $0x1;
	_ =	shalt  }
.Lfunc_end2:
_tile_overlayer_lowered:
.L_overlay_start_2:
0x1b2: {  	(tag) =	ssettag $0x2  }
0x1b3: {  	s0 =	rddreg [dreg:$0x0];
	s2 =	stileid.u32  }
0x1b4: {  	s1 =	rddreg [dreg:$0x1];
	p0 =	sne.s32 s2, $0x0  }
0x1b5: {  	s3 =	rddreg [dreg:$0x2];
	[bflag:$0x3] =	sbarrier.arrive $0xFFFF;
	s2 =	simm.s32 @!p0 $0x1C10  }
0x1b6: {  	[timem:s3], [sflag:s2] =	dma.local @!p0 [hbm:s0], s1  }
0x1b7: {  	s0 =	simm.s32 @!p0 $0x10  }
0x1b8: {  	_ =	swait.ge @!p0 [sflag:s0], s1  }
0x1b9: {  	s1 =	ssub.s32 @!p0 $0x0, s1;
	[sflag:s0] =	ssyncset.done @!p0 $0x0  }
0x1ba: {  	[sflag:s0] =	ssyncadd.s32 @!p0 s1  }
0x1bb: {  	[bflag:$0x3] =	sbarrier.arrive $0xFFFF  }
0x1bc: {  	_ =	shalt  }

// kernel: kernel.9.cloned.1.call-start
scs
__scs_entry_jumppad:
0x0: {  	(pc) =	sbr.rel $0x88, $3  }
0x1: {  	(tag) =	ssettag $0x0;
	lr =	simm.s32 $0x1  }
0x2: {  	[smem:$0x3F99] =	sst lr;
	_ =	strace $0xD0000000  }
0x3: {  	_ = 	snop  }
0x4: {  	_ = 	snop  }
0x5: {  	_ = 	snop  }
0x6: {  	_ = 	snop  }
0x7: {  	_ = 	snop  }
__scs_overlays_trampoline_lowered:
0x8: {  	[smem:$0x3FA8] =	sst s0  }
0x9: {  	[smem:$0x3FA9] =	sst s1  }
0xa: {  	[smem:$0x3FAA] =	sst s2  }
0xb: {  	[smem:$0x3FAB] =	sst s3  }
0xc: {  	[smem:$0x3FAC] =	sst s4  }
0xd: {  	[smem:$0x3FAD] =	sst s5  }
0xe: {  	[smem:$0x3FAE] =	sst s6  }
0xf: {  	[smem:$0x3FAF] =	sst s7  }
0x10: {  	[smem:$0x3FB0] =	sst s8  }
0x11: {  	[smem:$0x3FB1] =	sst s9;
	s0 =	simm.s32 @!p0 $0x0  }
0x12: {  	s1 =	sld [smem:$0x3F97];
	s0 =	simm.s32 @p0 $0x1  }
0x13: {  	[smem:$0x3FB2] =	sst s0;
	s0 =	simm.s32 @!p1 $0x0  }
0x14: {  	s2 =	sld [smem:$0x3F96];
	s0 =	simm.s32 @p1 $0x1  }
0x15: {  	[smem:$0x3FB3] =	sst s0;
	s0 =	simm.s32 @!p2 $0x0  }
0x16: {  	s3 =	sld [smem:$0x3FDB];
	s0 =	simm.s32 @p2 $0x1  }
0x17: {  	s4 =	simm.s32 $0x1BF5;
	[smem:$0x3FB5] =	sst s0  }
0x18: {  	s0 =	sld [smem:$0x3F98];
	_ =	swait.ge [sflag:s4], $0x0  }
0x19: {  	s7 =	sld [smem:$0x3F99]  }
0x1a: {  	s8 =	sadd.s32 $0xFFFFE003, lr  }
0x1b: {  	s9 =	sadd.s32 $0xFFFFFEF7, lr;
	s5 =	simm.s32 $0xFFFFFFFF;
	p2 =	slt.u32 s8, $0xFFFFF086  }
0x1c: {  	p1 =	slt.u32 s9, $0xF7A;
	s5 =	simm.s32 @!p2 $0x0  }
0x1d: {  	s5 =	simm.s32 @p1 $0x1;
	p0 =	seq.s32 s7, s2  }
0x1e: {  	s7 =	smul.u32 @!p0 $0xF7A, s2;
	p2 =	seq.s32 @!p0 s5, $0x0  }
0x1f: {  	s9 =	smul.u32 $0xF7A, s1;
	s8 =	simm.s32 @!p0 $0x1BF5;
	p2 =	por !p2, p0  }
0x20: {  	[sflag:s8] =	ssyncset.s32 @!p0 $0xFFFFF086;
	s6 =	sadd.s32 @!p0 s3, s7;
	s7 =	simm.s32 @!p0 $0x108  }
0x21: {  	s3 =	sadd.s32 s3, s9;
	s6 =	sadd.s32 @!p0 $0x88, s6;
	s7 =	simm.s32 @p2 $0x1082  }
0x22: {  	[simem:s7], [sflag:s8] =	dma.local @!p0 [hbm:s6], $0xF7A  }
0x23: {  	s9 =	sor.u32 $0xD0000000, s2;
	s6 =	simm.s32 $0x108;
	_ =	swait.ge @!p0 [sflag:s8], $0x0  }
0x24: {  	s3 =	sadd.s32 $0x88, s3;
	s6 =	simm.s32 @!p1 $0x1082;
	[sflag:s4] =	ssyncset.s32 $0xFFFFF086  }
0x25: {  	[simem:s6], [sflag:s4] =	dma.local [hbm:s3], $0xF7A  }
0x26: {  	[smem:$0x3F99] =	sst s1;
	(tag) =	ssettag s2;
	_ =	strace s9  }
0x27: {  	s1 =	sld [smem:$0x3FA9]  }
0x28: {  	s2 =	sld [smem:$0x3FAA]  }
0x29: {  	s4 =	sld [smem:$0x3FAC]  }
0x2a: {  	p0 =	seq.s32 s5, $0x0;
	s5 =	sld [smem:$0x3FAD]  }
0x2b: {  	s6 =	sld [smem:$0x3FAE]  }
0x2c: {  	s7 =	sld [smem:$0x3FAF]  }
0x2d: {  	s3 =	simm.s32 $0x108;
	s8 =	sld [smem:$0x3FB0]  }
0x2e: {  	s3 =	simm.s32 @!p0 $0x1082;
	s9 =	sld [smem:$0x3FB1]  }
0x2f: {  	lr =	sadd.s32 s0, s3;
	s0 =	sld [smem:$0x3FA8]  }
0x30: {  	s3 =	sld [smem:$0x3FAB]  }
0x31: {  	[smem:$0x3FB4] =	sst s10  }
0x32: {  	s10 =	sld [smem:$0x3FB2];
	_ =	sdelay $0x3  }
0x33: {  	p0 =	seq.s32 s10, $0x1;
	s10 =	sld [smem:$0x3FB4];
	_ =	sdelay $0x3  }
0x34: {  	[smem:$0x3FB4] =	sst s10  }
0x35: {  	s10 =	sld [smem:$0x3FB3];
	_ =	sdelay $0x3  }
0x36: {  	p1 =	seq.s32 s10, $0x1;
	s10 =	sld [smem:$0x3FB4];
	_ =	sdelay $0x3  }
0x37: {  	[smem:$0x3FB4] =	sst s10  }
0x38: {  	s10 =	sld [smem:$0x3FB5]  }
0x39: {  	_ = 	snop;
	(pc) =	sbr.ind lr, $3  }
0x3a: {  	_ = 	snop  }
0x3b: {  	_ = 	snop  }
0x3c: {  	p2 =	seq.s32 s10, $0x1;
	s10 =	sld [smem:$0x3FB4]  }
0x3d: {  	_ =	shalt  }
0x3e: {  	_ =	shalt  }
0x3f: {  	_ =	shalt  }
0x40: {  	_ =	shalt  }
0x41: {  	_ =	shalt  }
0x42: {  	_ =	shalt  }
0x43: {  	_ =	shalt  }
0x44: {  	_ =	shalt  }
0x45: {  	_ =	shalt  }
0x46: {  	_ =	shalt  }
0x47: {  	_ =	shalt  }
0x48: {  	_ =	shalt  }
0x49: {  	_ =	shalt  }
0x4a: {  	_ =	shalt  }
0x4b: {  	_ =	shalt  }
0x4c: {  	_ =	shalt  }
0x4d: {  	_ =	shalt  }
0x4e: {  	_ =	shalt  }
0x4f: {  	_ =	shalt  }
0x50: {  	_ =	shalt  }
0x51: {  	_ =	shalt  }
0x52: {  	_ =	shalt  }
0x53: {  	_ =	shalt  }
0x54: {  	_ =	shalt  }
0x55: {  	_ =	shalt  }
0x56: {  	_ =	shalt  }
0x57: {  	_ =	shalt  }
0x58: {  	_ =	shalt  }
0x59: {  	_ =	shalt  }
0x5a: {  	_ =	shalt  }
0x5b: {  	_ =	shalt  }
0x5c: {  	_ =	shalt  }
0x5d: {  	_ =	shalt  }
0x5e: {  	_ =	shalt  }
0x5f: {  	_ =	shalt  }
0x60: {  	_ =	shalt  }
0x61: {  	_ =	shalt  }
0x62: {  	_ =	shalt  }
0x63: {  	_ =	shalt  }
0x64: {  	_ =	shalt  }
0x65: {  	_ =	shalt  }
0x66: {  	_ =	shalt  }
0x67: {  	_ =	shalt  }
0x68: {  	_ =	shalt  }
0x69: {  	_ =	shalt  }
0x6a: {  	_ =	shalt  }
0x6b: {  	_ =	shalt  }
0x6c: {  	_ =	shalt  }
0x6d: {  	_ =	shalt  }
0x6e: {  	_ =	shalt  }
0x6f: {  	_ =	shalt  }
0x70: {  	_ =	shalt  }
0x71: {  	_ =	shalt  }
0x72: {  	_ =	shalt  }
0x73: {  	_ =	shalt  }
0x74: {  	_ =	shalt  }
0x75: {  	_ =	shalt  }
0x76: {  	_ =	shalt  }
0x77: {  	_ =	shalt  }
0x78: {  	_ =	shalt  }
0x79: {  	_ =	shalt  }
0x7a: {  	_ =	shalt  }
0x7b: {  	_ =	shalt  }
0x7c: {  	_ =	shalt  }
0x7d: {  	_ =	shalt  }
0x7e: {  	_ =	shalt  }
0x7f: {  	_ =	shalt  }
0x80: {  	_ =	shalt  }
0x81: {  	_ =	shalt  }
0x82: {  	_ =	shalt  }
0x83: {  	_ =	shalt  }
0x84: {  	_ =	shalt  }
0x85: {  	_ =	shalt  }
0x86: {  	_ =	shalt  }
0x87: {  	_ =	shalt  }
.Lfunc_end0:
.L_simem_size_0:
called_computation.1_lowered:
.L_overlay_start_0:
0x88: {  	s2 =	sld [smem:$0x3FD9]  }
0x89: {  	s3 =	sld [smem:$0x3FFE];
	_ =	sdelay $0x1  }
0x8a: {  	s1 =	srdreg.scid  }
0x8b: {  	s0 =	sand.u32 $0x1, s1  }
0x8c: {  	s17 =	sshll.u32 s0, $0xA;
	s2 =	sadd.s32 s3, s2  }
0x8d: {  	s2 =	sadd.s32 s2, s17  }
0x8e: {  	[smem:$0x3FC0] =	sst s2  }
0x8f: {  	_ = 	snop  }
0x90: {  	s2 =	sld [smem:$0x3FD0];
	(tm) =	ssettm $0x1  }
0x91: {  	s18 =	sld [smem:$0x3FFB];
	_ =	sdelay $0x3  }
0x92: {  	_ =	strace s18  }
0x93: {  	s3 =	sld [smem:$0x3FFC];
	_ =	sdelay $0x3  }
0x94: {  	_ =	strace s3  }
0x95: {  	s3 =	sld [smem:$0x3FFD];
	_ =	sdelay $0x3  }
0x96: {  	_ =	strace s3  }
0x97: {  	_ =	strace $0x8FFFFFFF  }
0x98: {  	s19 =	sld [smem:$0x3FDB];
	_ =	sdelay $0x1  }
0x99: {  	s4 =	simm.s32 $_scs_section_size  }
0x9a: {  	s5 =	simm.s32 $_size__tile_overlayer_lowered;
	s6 =	simm.s32 $_tile_overlayer_lowered  }
0x9b: {  	s22 =	simm.s32 $0x1BFF;
	s21 =	sshll.u32 s6, $0x1;
	s3 =	sadd.s32 s4, s19  }
0x9c: {  	s7 =	simm.s32 $0x0;
	s20 =	sshll.u32 s5, $0x1;
	s5 =	sadd.s32 s21, s3  }
0x9d: {  	[timem:s7], [sflag:s22] =	dma.local [hbm:s5], s20  }
0x9e: {  	_ =	swait.ge [sflag:s22], s20  }
0x9f: {  	s4 =	ssub.s32 $0x0, s20;
	[sflag:s22] =	ssyncset.done $0x0  }
0xa0: {  	[sflag:s22] =	ssyncadd.s32 s4;
	_ =	sdelay $0x1  }
0xa1: {  	s23 =	simm.s32 $0x1B8B  }
0xa2: {  	_ =	swait.ge [sflag:s23], $0x1  }
0xa3: {  	[sflag:s23] =	ssyncset.done $0x0  }
0xa4: {  	s25 =	simm.s32 $0x1B8E;
	s24 =	sld [smem:$0x3FFE];
	[sflag:s23] =	ssyncadd.s32 $0xFFFFFFFF  }
0xa5: {  	s26 =	simm.s32 $execute0_lowered;
	[smem:$0x3FD2] =	sst s25  }
0xa6: {  	s5 =	sshll.u32 s26, $0x1;
	_ =	strace $0x80000049;
	[dreg:$0x1] =	wrdreg $0xFFFFFFFF  }
0xa7: {  	s28 =	simm.s32 $_size_execute0_lowered;
	s3 =	sadd.s32 s3, s5;
	[dreg:$0x0] =	wrdreg $0x0  }
0xa8: {  	s5 =	sshll.u32 s28, $0x1;
	[dreg:$0x2] =	wrdreg s3  }
0xa9: {  	[dreg:$0x3] =	wrdreg s5  }
0xaa: {  	[dreg:$0x4] =	wrdreg $0xC0  }
0xab: {  	_ =	task [dreg:s7], $0x5FFFF  }
0xac: {  	[dreg:$0x1] =	wrdreg $0xFFFFFFFF  }
0xad: {  	[dreg:$0x0] =	wrdreg $0x60  }
0xae: {  	[dreg:$0x2] =	wrdreg s2  }
0xaf: {  	[dreg:$0x3] =	wrdreg s24  }
0xb0: {  	[dreg:$0x4] =	wrdreg $0xCC200  }
0xb1: {  	[dreg:$0x5] =	wrdreg $0x9  }
0xb2: {  	_ =	task.clear_ibuf [dreg:s7], $0x6FFFF;
	_ =	strace $0x90000049  }
0xb3: {  	s29 =	simm.s32 $0x9;
	_ =	strace $0x8000004B  }
0xb4: {  	_ =	swait.ge [sflag:s29], $0x1  }
0xb5: {  	[sflag:s29] =	ssyncadd.s32 $0xFFFFFFFF  }
0xb6: {  	_ =	strace $0x9000004B  }
0xb7: {  	_ =	sfence  }
0xb8: {  	s30 =	sld [smem:$0x0];
	_ =	sdelay $0x2  }
0xb9: {  	s31 =	sshll.u32 s1, $0xD;
	s1 =	sshrl.u32 s1, $0x2  }
0xba: {  	s3 =	sand.u32 $0x4000, s31;
	s1 =	sadd.s32 s1, s30  }
0xbb: {  	s0 =	sor.u32 s3, s0;
	s1 =	sshll.u32 s1, $0x11  }
0xbc: {  	s0 =	sor.u32 s1, s0  }
0xbd: {  	s0 =	sadd.s32 $0x8F2B, s0  }
0xbe: {  	[sflag:s0] =	ssyncadd.remote.s32 $0x1  }
0xbf: {  	_ =	sfence.sel $0xFFFF  }
0xc0: {  	[dreg:$0x0] =	wrdreg $0xFFFFFFFF;
	(pc) =	sbr.abs _section_cstart, $3  }
0xc1: {  	[dreg:$0x1] =	wrdreg $0xFFFFFFFF  }
0xc2: {  	_ =	task.clear_ibuf [dreg:s7], $0x2FFFF;
	_ =	strace $0x9FFFFFFF  }
0xc3: {  	(tm) =	ssettm $0x7FFFFFFF  }
tec
execute0_lowered:
.L_overlay_start_1:
0x0: {  	(tag) =	ssettag $0x1  }
0x1: {  	s1 =	rddreg [dreg:$0x0]  }
0x2: {  	s0 =	srdreg.scid;
	s2 =	rddreg [dreg:$0x1]  }
0x3: {  	s8 =	stileid.u32;
	s3 =	rddreg [dreg:$0x2]  }
0x4: {  	s20 =	simm.s32 $0xB220;
	s28 =	simm.s32 $0x7620;
	s30 =	simm.s32 $0x8A20  }
0x5: {  	s12 =	simm.s32 $0x2;
	s29 =	simm.s32 $0x3;
	s31 =	simm.s32 $0x4  }
0x6: {  	s0 =	sand.u32 $0x1, s0;
	s9 =	sadd.s32 $0x16200, s2;
	s22 =	smul.u32 $0x13800, s8  }
0x7: {  	s10 =	sadd.s32 $0x29C00, s2;
	s7 =	sadd.s32 $0x9C000, s3;
	s23 =	smul.u32 $0x27000, s8  }
0x8: {  	p1 =	sne.s32 s8, $0xF;
	p2 =	seq.s32 s8, $0xF;
	s4 =	sshll.u32 s0, $0x4  }
0x9: {  	s6 =	ssub.s32 $0x2, s0;
	s5 =	sor.u32 s8, s4;
	s4 =	simm.s32 $0x0  }
0xa: {  	p0 =	seq.s32 s0, $0x1;
	s21 =	sshrl.u32 s6, $0x1;
	[smem:$0x7FF] =	sst s4  }
0xb: {  	s24 =	sshrl.u32 s22, $0x4;
	_ =	strace $0x8000004A;
	[dreg:$0x4] =	wrdreg s9  }
0xc: {  	s8 =	simm.s32 $0x9;
	s0 =	sadd.s32 s10, s24;
	[dreg:$0x5] =	wrdreg s10  }
0xd: {  	s5 =	smul.u32 $0x4E2, s5;
	s9 =	sadd.s32 s9, s24;
	[dreg:$0xa] =	wrdreg s0  }
0xe: {  	s24 =	simm.s32 $0x4E20;
	s10 =	simm.s32 $0x1;
	s0 =	simm.s32 $0x7  }
0xf: {  	s5 =	sadd.s32 s5, s2;
	s2 =	ssub.s32 s6, s21;
	s6 =	sshrl.u32 s22, $0x1  }
0x10: {  	[dreg:$0x8] =	wrdreg s9;
	s21 =	simm.s32 $0xB;
	s11 =	sadd.s32 $0xC400, s5  }
0x11: {  	s22 =	simm.s32 $0x2710;
	s5 =	sadd.s32 $0x2600, s5;
	[dreg:$0x6] =	wrdreg s11  }
0x12: {  	s9 =	simm.s32 $0xA;
	s6 =	sadd.s32 s6, s3;
	[dreg:$0x7] =	wrdreg s5  }
0x13: {  	s25 =	smax.u32 s2, $0x1;
	s2 =	simm.s32 $0x9E20;
	[dreg:$0x9] =	wrdreg s6  }
.Ltmp0:
0x14: {  	s5 =	sshrl.u32 s23, $0x2;
	[dreg:$0xb] =	wrdreg s25;
	(pc) =	sbr.rel .LBB2_1-.Ltmp0, $4  }
0x15: {  	s23 =	simm.s32 $0x50;
	s25 =	simm.s32 $0x6220;
	s14 =	sadd.s32 s5, s3  }
0x16: {  	s6 =	simm.s32 $0x6;
	s5 =	simm.s32 $0x8;
	s26 =	sadd.s32 $0x1A00, s14  }
0x17: {  	s16 =	sadd.s32 $0x3400, s14;
	s17 =	sadd.s32 $0x4E00, s14;
	s18 =	sadd.s32 $0x6800, s14  }
0x18: {  	v0 =	vimm.bf16 $0.0e+00;
	s19 =	sadd.s32 $0x8200, s14;
	[dreg:$0xc] =	wrdreg s26;
	s26 =	simm.s32 $0x5  }
.LBB2_8:
0x19: {  	s13 =	sadd.s32 $0x13800, s13;
	s15 =	sshrl.u32 s7, $0x3  }
0x1a: {  	[hbm:s13], [sflag:s11] =	dma.local [spmem:s15], $0x80  }
0x1b: {  	_ =	swait.ge [sflag:s21], $0x80  }
0x1c: {  	[sflag:s21] =	ssyncset.done $0x0  }
0x1d: {  	[sflag:s21] =	ssyncadd.s32 $0xFFFFFF80  }
.LBB2_9:
0x1e: {  	s4 =	sadd.s32 $0x1, s4;
	s11 =	rddreg [dreg:$0xb]  }
0x1f: {  	p3 =	sne.s32 s4, s11  }
.Ltmp1:
0x20: {  	_ = 	snop;
	(pc) =	sbr.rel @!p3 .LBB2_10-.Ltmp1, $1  }
0x21: {  	_ =	sdelay $0x3  }
.LBB2_1:
0x22: {  	s13 =	simm.s32 $0x100;
	s11 =	simm.s32 $0x0  }
.LBB2_2:
0x23: {  	p3 =	sne.s32 s13, $0x6700;
	[tilespmem:s11+$0xB250] =	vst v0;
	s15 =	smov.u32 s13;
	s13 =	sadd.s32 $0x100, s13  }
.Ltmp2:
0x24: {  	[tilespmem:s11+$0xB240] =	vst v0;
	(pc) =	sbr.rel @p3 .LBB2_2-.Ltmp2, $3  }
0x25: {  	[tilespmem:s11+$0xB220] =	vst v0  }
0x26: {  	[tilespmem:s11+$0xB230] =	vst v0;
	_ =	sdelay $0x1  }
0x27: {  	s11 =	sshra.s32 s15, $0x2  }
0x28: {  	[tilespmem:s11+$0xB250] =	vst v0  }
0x29: {  	[tilespmem:s11+$0xB240] =	vst v0  }
0x2a: {  	[tilespmem:s11+$0xB220] =	vst v0  }
0x2b: {  	[tilespmem:s11+$0xB230] =	vst v0  }
0x2c: {  	[spmem:s14] =	stream.linear.scatter [tilespmem:s20], [sflag:$0xB], $0x1A00, $0x38;
	[tilespmem:$0x16860] =	vst v63  }
0x2d: {  	_ =	swait.ge [sflag:s21], $0x1A00  }
0x2e: {  	[sflag:s21] =	ssyncset.done $0x0  }
0x2f: {  	s13 =	rddreg [dreg:$0xc];
	[sflag:s21] =	ssyncadd.s32 $0xFFFFE600  }
0x30: {  	[spmem:s13] =	stream.linear.scatter [tilespmem:s20], [sflag:$0xB], $0x1A00, $0x38;
	[tilespmem:$0x16860] =	vst v63  }
0x31: {  	_ =	swait.ge [sflag:s21], $0x1A00  }
0x32: {  	[sflag:s21] =	ssyncset.done $0x0  }
0x33: {  	[sflag:s21] =	ssyncadd.s32 $0xFFFFE600  }
0x34: {  	[spmem:s16] =	stream.linear.scatter [tilespmem:s20], [sflag:$0xB], $0x1A00, $0x38;
	[tilespmem:$0x16860] =	vst v63  }
0x35: {  	_ =	swait.ge [sflag:s21], $0x1A00  }
0x36: {  	[sflag:s21] =	ssyncset.done $0x0  }
0x37: {  	[sflag:s21] =	ssyncadd.s32 $0xFFFFE600  }
0x38: {  	[spmem:s17] =	stream.linear.scatter [tilespmem:s20], [sflag:$0xB], $0x1A00, $0x38;
	[tilespmem:$0x16860] =	vst v63  }
0x39: {  	_ =	swait.ge [sflag:s21], $0x1A00  }
0x3a: {  	[sflag:s21] =	ssyncset.done $0x0  }
0x3b: {  	[sflag:s21] =	ssyncadd.s32 $0xFFFFE600  }
0x3c: {  	[spmem:s18] =	stream.linear.scatter [tilespmem:s20], [sflag:$0xB], $0x1A00, $0x38;
	[tilespmem:$0x16860] =	vst v63  }
0x3d: {  	_ =	swait.ge [sflag:s21], $0x1A00  }
0x3e: {  	[sflag:s21] =	ssyncset.done $0x0  }
0x3f: {  	[sflag:s21] =	ssyncadd.s32 $0xFFFFE600  }
0x40: {  	[spmem:s19] =	stream.linear.scatter [tilespmem:s20], [sflag:$0xB], $0x1A00, $0x38;
	[tilespmem:$0x16860] =	vst v63  }
0x41: {  	_ =	swait.ge [sflag:s21], $0x1A00  }
0x42: {  	[sflag:s21] =	ssyncset.done $0x0  }
0x43: {  	s11 =	simm.s32 @!p1 $0xB220;
	[sflag:s21] =	ssyncadd.s32 $0xFFFFE600  }
0x44: {  	[spmem:s7] =	stream.linear.scatter @!p1 [tilespmem:s11], [sflag:$0xB], $0x400, $0x38;
	[tilespmem:$0x16860] =	vst v63  }
0x45: {  	s11 =	simm.s32 @!p1 $0xB  }
0x46: {  	_ =	swait.ge @!p1 [sflag:s11], $0x400  }
0x47: {  	[sflag:s11] =	ssyncset.done @!p1 $0x0  }
0x48: {  	s13 =	rddreg [dreg:$0x6];
	[sflag:s11] =	ssyncadd.s32 @!p1 $0xFFFFFC00;
	s11 =	simm.s32 $0x0  }
0x49: {  	[tilespmem:s11], [sflag:$0xB] =	stream.linear.gather [hbm4b:s13+s11], $0x2710, $0x38;
	[tilespmem:$0x16860] =	vst v63  }
0x4a: {  	_ =	swait.ge [sflag:s21], $0x2710  }
0x4b: {  	[sflag:s21] =	ssyncset.done $0x0  }
0x4c: {  	s15 =	rddreg [dreg:$0x7];
	[sflag:s21] =	ssyncadd.s32 $0xFFFFD8F0  }
0x4d: {  	[tilespmem:s22], [sflag:$0xB] =	stream.linear.gather [hbm4b:s15+s11], $0x2710, $0x38;
	[tilespmem:$0x16860] =	vst v63  }
0x4e: {  	_ =	swait.ge [sflag:s21], $0x2710  }
0x4f: {  	[sflag:s21] =	ssyncset.done $0x0  }
0x50: {  	[sflag:s21] =	ssyncadd.s32 $0xFFFFD8F0  }
0x51: {  	[bflag:$0x0] =	sbarrier.arrive $0xFFFF  }
0x52: {  	[tilespmem:s24], [sflag:$0x1] =	stream.indirect.gather [hbm4b:s1+s23], $0x40, s11, s23, $0xb8;
	[tilespmem:$0x16860] =	vst v63  }
0x53: {  	_ = 	snop  }
0x54: {  	[tilespmem:s25], [sflag:$0x2] =	stream.indirect.gather [hbm4b:s1+s23], $0x40, s23, s23, $0xb8;
	[tilespmem:$0x16860] =	vst v63  }
0x55: {  	s13 =	simm.s32 $0xA0  }
0x56: {  	[tilespmem:s28], [sflag:$0x3] =	stream.indirect.gather [hbm4b:s1+s23], $0x40, s13, s23, $0xb8;
	[tilespmem:$0x16860] =	vst v63  }
0x57: {  	s15 =	simm.s32 $0xF0  }
0x58: {  	[tilespmem:s30], [sflag:$0x4] =	stream.indirect.gather [hbm4b:s1+s23], $0x40, s15, s23, $0xb8;
	[tilespmem:$0x16860] =	vst v63  }
0x59: {  	s13 =	simm.s32 $0x140  }
0x5a: {  	[tilespmem:s2], [sflag:$0x5] =	stream.indirect.gather [hbm4b:s1+s23], $0x40, s13, s23, $0xb8;
	[tilespmem:$0x16860] =	vst v63  }
0x5b: {  	_ =	swait.ge [sflag:s10], $0x1400  }
0x5c: {  	[sflag:s10] =	ssyncset.done $0x0  }
0x5d: {  	[sflag:s10] =	ssyncadd.s32 $0xFFFFEC00  }
0x5e: {  	[spmem:s3] =	stream.indirect.scatter.add.bf16 [tilespmem:s24], [sflag:$0x6], $0x40, s22, s23, $0xb8;
	[tilespmem:$0x16860] =	vst v63  }
0x5f: {  	_ =	swait.ge [sflag:s12], $0x1400  }
0x60: {  	[sflag:s12] =	ssyncset.done $0x0  }
0x61: {  	s15 =	simm.s32 $0x2760;
	[sflag:s12] =	ssyncadd.s32 $0xFFFFEC00  }
0x62: {  	[spmem:s3] =	stream.indirect.scatter.add.bf16 [tilespmem:s25], [sflag:$0x7], $0x40, s15, s23, $0xb8;
	[tilespmem:$0x16860] =	vst v63  }
0x63: {  	_ =	swait.ge [sflag:s29], $0x1400  }
0x64: {  	[sflag:s29] =	ssyncset.done $0x0  }
0x65: {  	s13 =	simm.s32 $0x27B0;
	[sflag:s29] =	ssyncadd.s32 $0xFFFFEC00  }
0x66: {  	[spmem:s3] =	stream.indirect.scatter.add.bf16 [tilespmem:s28], [sflag:$0x8], $0x40, s13, s23, $0xb8;
	[tilespmem:$0x16860] =	vst v63  }
0x67: {  	_ =	swait.ge [sflag:s31], $0x1400  }
0x68: {  	[sflag:s31] =	ssyncset.done $0x0  }
0x69: {  	s15 =	simm.s32 $0x2800;
	[sflag:s31] =	ssyncadd.s32 $0xFFFFEC00  }
0x6a: {  	[spmem:s3] =	stream.indirect.scatter.add.bf16 [tilespmem:s30], [sflag:$0x9], $0x40, s15, s23, $0xb8;
	[tilespmem:$0x16860] =	vst v63  }
0x6b: {  	_ =	swait.ge [sflag:s26], $0x1400  }
0x6c: {  	[sflag:s26] =	ssyncset.done $0x0  }
0x6d: {  	s13 =	simm.s32 $0x2850;
	[sflag:s26] =	ssyncadd.s32 $0xFFFFEC00  }
0x6e: {  	[spmem:s3] =	stream.indirect.scatter.add.bf16 [tilespmem:s2], [sflag:$0xA], $0x40, s13, s23, $0xb8;
	[tilespmem:$0x16860] =	vst v63  }
0x6f: {  	_ =	swait.ge [sflag:s6], $0x1400  }
0x70: {  	[sflag:s6] =	ssyncset.done $0x0  }
0x71: {  	[sflag:s6] =	ssyncadd.s32 $0xFFFFEC00  }
0x72: {  	_ =	swait.ge [sflag:s0], $0x1400  }
0x73: {  	[sflag:s0] =	ssyncset.done $0x0  }
0x74: {  	[sflag:s0] =	ssyncadd.s32 $0xFFFFEC00  }
0x75: {  	_ =	swait.ge [sflag:s5], $0x1400  }
0x76: {  	[sflag:s5] =	ssyncset.done $0x0  }
0x77: {  	[sflag:s5] =	ssyncadd.s32 $0xFFFFEC00  }
0x78: {  	_ =	swait.ge [sflag:s8], $0x1400  }
0x79: {  	[sflag:s8] =	ssyncset.done $0x0  }
0x7a: {  	[sflag:s8] =	ssyncadd.s32 $0xFFFFEC00  }
0x7b: {  	_ =	swait.ge [sflag:s9], $0x1400  }
0x7c: {  	[sflag:s9] =	ssyncset.done $0x0  }
0x7d: {  	s15 =	simm.s32 $0x190;
	[sflag:s9] =	ssyncadd.s32 $0xFFFFEC00  }
0x7e: {  	[tilespmem:s24], [sflag:$0x1] =	stream.indirect.gather [hbm4b:s1+s23], $0x40, s15, s23, $0xb8;
	[tilespmem:$0x16860] =	vst v63  }
0x7f: {  	s13 =	simm.s32 $0x1E0  }
0x80: {  	[tilespmem:s25], [sflag:$0x2] =	stream.indirect.gather [hbm4b:s1+s23], $0x40, s13, s23, $0xb8;
	[tilespmem:$0x16860] =	vst v63  }
0x81: {  	s15 =	simm.s32 $0x230  }
0x82: {  	[tilespmem:s28], [sflag:$0x3] =	stream.indirect.gather [hbm4b:s1+s23], $0x40, s15, s23, $0xb8;
	[tilespmem:$0x16860] =	vst v63  }
0x83: {  	s13 =	simm.s32 $0x280  }
0x84: {  	[tilespmem:s30], [sflag:$0x4] =	stream.indirect.gather [hbm4b:s1+s23], $0x40, s13, s23, $0xb8;
	[tilespmem:$0x16860] =	vst v63  }
0x85: {  	s15 =	simm.s32 $0x2D0  }
0x86: {  	[tilespmem:s2], [sflag:$0x5] =	stream.indirect.gather [hbm4b:s1+s23], $0x40, s15, s23, $0xb8;
	[tilespmem:$0x16860] =	vst v63  }
0x87: {  	_ =	swait.ge [sflag:s10], $0x1400  }
0x88: {  	[sflag:s10] =	ssyncset.done $0x0  }
0x89: {  	s13 =	simm.s32 $0x28A0;
	[sflag:s10] =	ssyncadd.s32 $0xFFFFEC00  }
0x8a: {  	[spmem:s3] =	stream.indirect.scatter.add.bf16 [tilespmem:s24], [sflag:$0x6], $0x40, s13, s23, $0xb8;
	[tilespmem:$0x16860] =	vst v63  }
0x8b: {  	_ =	swait.ge [sflag:s12], $0x1400  }
0x8c: {  	[sflag:s12] =	ssyncset.done $0x0  }
0x8d: {  	s15 =	simm.s32 $0x28F0;
	[sflag:s12] =	ssyncadd.s32 $0xFFFFEC00  }
0x8e: {  	[spmem:s3] =	stream.indirect.scatter.add.bf16 [tilespmem:s25], [sflag:$0x7], $0x40, s15, s23, $0xb8;
	[tilespmem:$0x16860] =	vst v63  }
0x8f: {  	_ =	swait.ge [sflag:s29], $0x1400  }
0x90: {  	[sflag:s29] =	ssyncset.done $0x0  }
0x91: {  	s13 =	simm.s32 $0x2940;
	[sflag:s29] =	ssyncadd.s32 $0xFFFFEC00  }
0x92: {  	[spmem:s3] =	stream.indirect.scatter.add.bf16 [tilespmem:s28], [sflag:$0x8], $0x40, s13, s23, $0xb8;
	[tilespmem:$0x16860] =	vst v63  }
0x93: {  	_ =	swait.ge [sflag:s31], $0x1400  }
0x94: {  	[sflag:s31] =	ssyncset.done $0x0  }
0x95: {  	s15 =	simm.s32 $0x2990;
	[sflag:s31] =	ssyncadd.s32 $0xFFFFEC00  }
0x96: {  	[spmem:s3] =	stream.indirect.scatter.add.bf16 [tilespmem:s30], [sflag:$0x9], $0x40, s15, s23, $0xb8;
	[tilespmem:$0x16860] =	vst v63  }
0x97: {  	_ =	swait.ge [sflag:s26], $0x1400  }
0x98: {  	[sflag:s26] =	ssyncset.done $0x0  }
0x99: {  	s11 =	simm.s32 $0x640;
	s13 =	simm.s32 $0x29E0;
	[sflag:s26] =	ssyncadd.s32 $0xFFFFEC00  }
.LBB2_4:
0x9a: {  	[spmem:s3] =	stream.indirect.scatter.add.bf16 [tilespmem:s2], [sflag:$0xA], $0x40, s13, s23, $0xb8;
	[tilespmem:$0x16860] =	vst v63  }
0x9b: {  	s13 =	smov.u32 s11  }
0x9c: {  	p3 =	sne.s32 s11, $0x8FC0;
	s11 =	sadd.s32 $0x640, s11;
	_ =	swait.ge [sflag:s6], $0x1400  }
0x9d: {  	[sflag:s6] =	ssyncset.done $0x0  }
0x9e: {  	[sflag:s6] =	ssyncadd.s32 $0xFFFFEC00  }
0x9f: {  	_ =	swait.ge [sflag:s0], $0x1400  }
0xa0: {  	[sflag:s0] =	ssyncset.done $0x0  }
0xa1: {  	[sflag:s0] =	ssyncadd.s32 $0xFFFFEC00  }
0xa2: {  	_ =	swait.ge [sflag:s5], $0x1400  }
0xa3: {  	[sflag:s5] =	ssyncset.done $0x0  }
0xa4: {  	[sflag:s5] =	ssyncadd.s32 $0xFFFFEC00  }
0xa5: {  	_ =	swait.ge [sflag:s8], $0x1400  }
0xa6: {  	[sflag:s8] =	ssyncset.done $0x0  }
0xa7: {  	[sflag:s8] =	ssyncadd.s32 $0xFFFFEC00  }
0xa8: {  	_ =	swait.ge [sflag:s9], $0x1400  }
0xa9: {  	s13 =	sshra.s32 s13, $0x2;
	[sflag:s9] =	ssyncset.done $0x0  }
0xaa: {  	s15 =	sadd.s32 $0x190, s13;
	[sflag:s9] =	ssyncadd.s32 $0xFFFFEC00  }
0xab: {  	[tilespmem:s24], [sflag:$0x1] =	stream.indirect.gather [hbm4b:s1+s23], $0x40, s15, s23, $0xb8;
	[tilespmem:$0x16860] =	vst v63  }
0xac: {  	s15 =	sadd.s32 $0x1E0, s13  }
0xad: {  	[tilespmem:s25], [sflag:$0x2] =	stream.indirect.gather [hbm4b:s1+s23], $0x40, s15, s23, $0xb8;
	[tilespmem:$0x16860] =	vst v63  }
0xae: {  	s15 =	sadd.s32 $0x230, s13  }
0xaf: {  	[tilespmem:s28], [sflag:$0x3] =	stream.indirect.gather [hbm4b:s1+s23], $0x40, s15, s23, $0xb8;
	[tilespmem:$0x16860] =	vst v63  }
0xb0: {  	s15 =	sadd.s32 $0x280, s13  }
0xb1: {  	[tilespmem:s30], [sflag:$0x4] =	stream.indirect.gather [hbm4b:s1+s23], $0x40, s15, s23, $0xb8;
	[tilespmem:$0x16860] =	vst v63  }
0xb2: {  	s15 =	sadd.s32 $0x2D0, s13  }
0xb3: {  	[tilespmem:s2], [sflag:$0x5] =	stream.indirect.gather [hbm4b:s1+s23], $0x40, s15, s23, $0xb8;
	[tilespmem:$0x16860] =	vst v63  }
0xb4: {  	_ =	swait.ge [sflag:s10], $0x1400  }
0xb5: {  	[sflag:s10] =	ssyncset.done $0x0  }
0xb6: {  	s15 =	sadd.s32 $0x28A0, s13;
	[sflag:s10] =	ssyncadd.s32 $0xFFFFEC00  }
0xb7: {  	[spmem:s3] =	stream.indirect.scatter.add.bf16 [tilespmem:s24], [sflag:$0x6], $0x40, s15, s23, $0xb8;
	[tilespmem:$0x16860] =	vst v63  }
0xb8: {  	_ =	swait.ge [sflag:s12], $0x1400  }
0xb9: {  	[sflag:s12] =	ssyncset.done $0x0  }
0xba: {  	s15 =	sadd.s32 $0x28F0, s13;
	[sflag:s12] =	ssyncadd.s32 $0xFFFFEC00  }
0xbb: {  	[spmem:s3] =	stream.indirect.scatter.add.bf16 [tilespmem:s25], [sflag:$0x7], $0x40, s15, s23, $0xb8;
	[tilespmem:$0x16860] =	vst v63  }
0xbc: {  	_ =	swait.ge [sflag:s29], $0x1400  }
0xbd: {  	[sflag:s29] =	ssyncset.done $0x0  }
0xbe: {  	s15 =	sadd.s32 $0x2940, s13;
	[sflag:s29] =	ssyncadd.s32 $0xFFFFEC00  }
0xbf: {  	[spmem:s3] =	stream.indirect.scatter.add.bf16 [tilespmem:s28], [sflag:$0x8], $0x40, s15, s23, $0xb8;
	[tilespmem:$0x16860] =	vst v63  }
0xc0: {  	_ =	swait.ge [sflag:s31], $0x1400  }
0xc1: {  	[sflag:s31] =	ssyncset.done $0x0  }
.Ltmp3:
0xc2: {  	s15 =	sadd.s32 $0x2990, s13;
	[sflag:s31] =	ssyncadd.s32 $0xFFFFEC00;
	(pc) =	sbr.rel @p3 .LBB2_4-.Ltmp3, $4  }
0xc3: {  	[spmem:s3] =	stream.indirect.scatter.add.bf16 [tilespmem:s30], [sflag:$0x9], $0x40, s15, s23, $0xb8;
	[tilespmem:$0x16860] =	vst v63  }
0xc4: {  	_ =	swait.ge [sflag:s26], $0x1400  }
0xc5: {  	[sflag:s26] =	ssyncset.done $0x0  }
0xc6: {  	s13 =	sadd.s32 $0x29E0, s13;
	[sflag:s26] =	ssyncadd.s32 $0xFFFFEC00  }
0xc7: {  	[spmem:s3] =	stream.indirect.scatter.add.bf16 [tilespmem:s2], [sflag:$0xA], $0x40, s13, s23, $0xb8;
	[tilespmem:$0x16860] =	vst v63  }
0xc8: {  	_ =	swait.ge [sflag:s6], $0x1400  }
0xc9: {  	[sflag:s6] =	ssyncset.done $0x0  }
0xca: {  	[sflag:s6] =	ssyncadd.s32 $0xFFFFEC00  }
0xcb: {  	_ =	swait.ge [sflag:s0], $0x1400  }
0xcc: {  	[sflag:s0] =	ssyncset.done $0x0  }
0xcd: {  	[sflag:s0] =	ssyncadd.s32 $0xFFFFEC00  }
0xce: {  	_ =	swait.ge [sflag:s5], $0x1400  }
0xcf: {  	[sflag:s5] =	ssyncset.done $0x0  }
0xd0: {  	[sflag:s5] =	ssyncadd.s32 $0xFFFFEC00  }
0xd1: {  	_ =	swait.ge [sflag:s8], $0x1400  }
0xd2: {  	[sflag:s8] =	ssyncset.done $0x0  }
0xd3: {  	[sflag:s8] =	ssyncadd.s32 $0xFFFFEC00  }
0xd4: {  	_ =	swait.ge [sflag:s9], $0x1400  }
.Ltmp4:
0xd5: {  	[sflag:s9] =	ssyncset.done $0x0;
	(pc) =	sbr.rel @!p0 .LBB2_6-.Ltmp4, $4  }
0xd6: {  	[sflag:s9] =	ssyncadd.s32 $0xFFFFEC00  }
0xd7: {  	s11 =	stileid.u32;
	[bflag:$0x0] =	sbarrier.arrive $0xFFFF  }
0xd8: {  	s15 =	sshll.u32 s11, $0x6;
	s13 =	rddreg [dreg:$0x9]  }
0xd9: {  	s11 =	sor.u32 $0x1C0B, s15;
	s13 =	sshrl.u32 s13, $0x3  }
0xda: {  	s11 =	sor.u32 $0x1C0B, s15;
	s15 =	rddreg [dreg:$0xa]  }
0xdb: {  	[hbm:s15], [sflag:s11] =	dma.local [spmem:s13], $0x1380  }
.Ltmp5:
0xdc: {  	_ = 	snop;
	(pc) =	sbr.rel @p1 .LBB2_9-.Ltmp5, $4  }
.Ltmp6:
0xdd: {  	_ = 	snop;
	(pc) =	sbr.rel @!p1 .LBB2_8-.Ltmp6, $4  }
0xde: {  	_ =	swait.ge [sflag:s21], $0x1380  }
0xdf: {  	[sflag:s21] =	ssyncset.done $0x0  }
0xe0: {  	s13 =	rddreg [dreg:$0x5];
	[sflag:s21] =	ssyncadd.s32 $0xFFFFEC80  }
0xe1: {  	_ = 	snop  }
.LBB2_6:
0xe2: {  	s15 =	rddreg [dreg:$0x8]  }
0xe3: {  	[hbm:s15], [sflag:s11] =	dma.local [spmem:s13], $0x1380  }
.Ltmp7:
0xe4: {  	_ = 	snop;
	(pc) =	sbr.rel @p2 .LBB2_8-.Ltmp7, $4  }
.Ltmp8:
0xe5: {  	_ = 	snop;
	(pc) =	sbr.rel @!p2 .LBB2_9-.Ltmp8, $4  }
0xe6: {  	_ =	swait.ge [sflag:s21], $0x1380  }
0xe7: {  	[sflag:s21] =	ssyncset.done $0x0  }
0xe8: {  	s13 =	rddreg [dreg:$0x4];
	[sflag:s21] =	ssyncadd.s32 $0xFFFFEC80  }
0xe9: {  	_ = 	snop  }
.LBB2_10:
0xea: {  	_ =	sfence.sel $0x180000  }
0xeb: {  	[bflag:$0x0] =	sbarrier.arrive $0xFFFF  }
0xec: {  	_ =	strace $0x9000004A  }
0xed: {  	s0 =	stileid.u32;
	[bflag:$0x2] =	sbarrier.arrive $0xFFFF  }
0xee: {  	p0 =	sne.s32 s0, $0x0;
	s0 =	rddreg [dreg:$0x3]  }
0xef: {  	s0 =	sadd.s32 @!p0 $0x100000, s0  }
0xf0: {  	[sflag:s0] =	ssyncadd.tile.s32 @!p0 $0x1;
	_ =	shalt  }
.Lfunc_end2:
_tile_overlayer_lowered:
.L_overlay_start_2:
0xf1: {  	(tag) =	ssettag $0x2  }
0xf2: {  	s0 =	rddreg [dreg:$0x0];
	s2 =	stileid.u32  }
0xf3: {  	s1 =	rddreg [dreg:$0x1];
	p0 =	sne.s32 s2, $0x0  }
0xf4: {  	s3 =	rddreg [dreg:$0x2];
	[bflag:$0x3] =	sbarrier.arrive $0xFFFF;
	s2 =	simm.s32 @!p0 $0x1C0B  }
0xf5: {  	[timem:s3], [sflag:s2] =	dma.local @!p0 [hbm:s0], s1  }
0xf6: {  	s0 =	simm.s32 @!p0 $0xB  }
0xf7: {  	_ =	swait.ge @!p0 [sflag:s0], s1  }
0xf8: {  	s1 =	ssub.s32 @!p0 $0x0, s1;
	[sflag:s0] =	ssyncset.done @!p0 $0x0  }
0xf9: {  	[sflag:s0] =	ssyncadd.s32 @!p0 s1  }
0xfa: {  	[bflag:$0x3] =	sbarrier.arrive $0xFFFF  }
0xfb: {  	_ =	shalt  }

</sc_bundles>
